<compile_context>
chip_gen: v7x
topology: tpu7x:2x2x1
jax: 0.10.2.dev20260603
libtpu: 0.0.44.dev20260713+nightly
codegen_flags: <defaults>
</compile_context>

<pallas_src>
import numpy as np
import jax
import jax.numpy as jnp
from jax import lax
from jax.experimental import pallas as pl
from jax.experimental.pallas import tpu as pltpu
from jax.experimental.pallas import tpu_sc as plsc

B = 32
XS = 256
NPTS = 100000
NPAD = 102400
BLK = 2048
CHUNK = 10000
CLIP_MAX = np.float32(XS - 1.0 - 1e-4)



def _transform_body(lx, ly, lz, z, ct, r, s, px_o, py_o):
    zb = z[...]
    dn = (((1,), (1,)), ((), ()))
    dx = lax.dot_general(lx[...], zb, dn, preferred_element_type=jnp.float32)
    dy = lax.dot_general(ly[...], zb, dn, preferred_element_type=jnp.float32)
    dz = lax.dot_general(lz[...], zb, dn, preferred_element_type=jnp.float32)
    cx = dx + ct[0:1, :]
    cy = dy + ct[1:2, :]
    cz = dz + ct[2:3, :]
    rr = r[...]
    ss = s[...]
    crx = rr[:, 0:1] * cx + rr[:, 1:2] * cy + rr[:, 2:3] * cz + ss[:, 0:1] + 128.0
    cry = rr[:, 3:4] * cx + rr[:, 4:5] * cy + rr[:, 5:6] * cz + ss[:, 1:2] + 128.0
    px_o[...] = jnp.clip(crx, 0.0, CLIP_MAX)
    py_o[...] = jnp.clip(cry, 0.0, CLIP_MAX)


def _transform(latx, laty, latz, zp, ctp, rflat, shifts):
    return pl.pallas_call(
        _transform_body,
        grid=(NPAD // BLK,),
        in_specs=[
            pl.BlockSpec((B, 8), lambda j: (0, 0)),
            pl.BlockSpec((B, 8), lambda j: (0, 0)),
            pl.BlockSpec((B, 8), lambda j: (0, 0)),
            pl.BlockSpec((BLK, 8), lambda j: (j, 0)),
            pl.BlockSpec((8, BLK), lambda j: (0, j)),
            pl.BlockSpec((B, 9), lambda j: (0, 0)),
            pl.BlockSpec((B, 2), lambda j: (0, 0)),
        ],
        out_specs=[
            pl.BlockSpec((B, BLK), lambda j: (0, j)),
            pl.BlockSpec((B, BLK), lambda j: (0, j)),
        ],
        out_shape=[
            jax.ShapeDtypeStruct((B, NPAD), jnp.float32),
            jax.ShapeDtypeStruct((B, NPAD), jnp.float32),
        ],
    )(latx, laty, latz, zp, ctp, rflat, shifts)




_UNROLL = 25
_NCHUNKS = NPTS // CHUNK


def _sc_scatter_body(px_hbm, py_hbm, img_hbm, pxv, pyv, imgv, semx, semy):
    b = lax.axis_index("s") * 2 + lax.axis_index("c")
    base = b * NPAD
    zeros16 = jnp.zeros((16,), jnp.float32)

    def _issue(c, slot):
        pltpu.async_copy(px_hbm.at[pl.ds(base + c * CHUNK, CHUNK)],
                         pxv.at[pl.ds(slot * CHUNK, CHUNK)], semx)
        pltpu.async_copy(py_hbm.at[pl.ds(base + c * CHUNK, CHUNK)],
                         pyv.at[pl.ds(slot * CHUNK, CHUNK)], semy)

    _issue(0, 0)

    def zbody(i, _):
        for u in range(8):
            imgv[pl.ds(i * 128 + u * 16, 16)] = zeros16
        return _

    lax.fori_loop(0, (XS * XS) // 128, zbody, None)

    def chunk(c, _):
        slot = lax.rem(c, 2)
        soff = slot * CHUNK
        pltpu.make_async_copy(px_hbm.at[pl.ds(base + c * CHUNK, CHUNK)],
                              pxv.at[pl.ds(soff, CHUNK)], semx).wait()
        pltpu.make_async_copy(py_hbm.at[pl.ds(base + c * CHUNK, CHUNK)],
                              pyv.at[pl.ds(soff, CHUNK)], semy).wait()

        @pl.when(c + 1 < _NCHUNKS)
        def _():
            _issue(c + 1, 1 - slot)

        def pbody(i, _):
            ib = soff + i * (16 * _UNROLL)
            for u in range(_UNROLL):
                px = pxv[pl.ds(ib + u * 16, 16)]
                py = pyv[pl.ds(ib + u * 16, 16)]
                x0 = px.astype(jnp.int32)
                y0 = py.astype(jnp.int32)
                fx = px - x0.astype(jnp.float32)
                fy = py - y0.astype(jnp.float32)
                gx = 1.0 - fx
                gy = 1.0 - fy
                i00 = y0 * XS + x0
                plsc.addupdate_scatter(imgv, [i00], gx * gy)
                plsc.addupdate_scatter(imgv, [i00 + 1], fx * gy)
                plsc.addupdate_scatter(imgv, [i00 + XS], gx * fy)
                plsc.addupdate_scatter(imgv, [i00 + XS + 1], fx * fy)
            return _

        lax.fori_loop(0, CHUNK // (16 * _UNROLL), pbody, None)
        return _

    lax.fori_loop(0, _NCHUNKS, chunk, None)
    pltpu.sync_copy(imgv, img_hbm.at[pl.ds(b * (XS * XS), XS * XS)])


def _scatter(px_flat, py_flat):
    call = pl.kernel(
        _sc_scatter_body,
        out_type=jax.ShapeDtypeStruct((B * XS * XS,), jnp.float32),
        mesh=plsc.VectorSubcoreMesh(core_axis_name="c", subcore_axis_name="s"),
        scratch_types=[
            pltpu.VMEM((2 * CHUNK,), jnp.float32),
            pltpu.VMEM((2 * CHUNK,), jnp.float32),
            pltpu.VMEM((XS * XS,), jnp.float32),
            pltpu.SemaphoreType.DMA,
            pltpu.SemaphoreType.DMA,
        ],
        compiler_params=pltpu.CompilerParams(needs_layout_passes=False),
    )
    return call(px_flat, py_flat)



_n = np.arange(XS)
_H = XS // 2 + 1
_ang = (2.0 * np.pi / XS) * np.outer(_n, _n)
_FR = np.cos(_ang).astype(np.float32)
_FI = (-np.sin(_ang)).astype(np.float32)
_GR = (np.cos(_ang) / XS).astype(np.float32)
_GI = (np.sin(_ang) / XS).astype(np.float32)
_FRH = np.ascontiguousarray(_FR[:, :_H])
_FIH = np.ascontiguousarray(_FI[:, :_H])
_w = np.ones((_H, 1), np.float32)
_w[1:-1] = 2.0
_WVR = np.ascontiguousarray(_w * _GR[:_H, :])
_WVI = np.ascontiguousarray(_w * _GI[:_H, :])


_DB = 8


def _dft_body(x_r, c_r, frh_r, fih_r, fr_r, fi_r, gr_r, gi_r, wvr_r, wvi_r, o_r):
    def dot(a, bb):
        return lax.dot_general(
            a, bb, (((1,), (0,)), ((), ())),
            preferred_element_type=jnp.float32)

    frh = frh_r[...]
    fih = fih_r[...]
    fr = fr_r[...]
    fi = fi_r[...]
    gr = gr_r[...]
    gi = gi_r[...]
    wvr = wvr_r[...]
    wvi = wvi_r[...]
    for i in range(_DB):
        x = x_r[i]
        tr = dot(x, frh)
        ti = dot(x, fih)
        ftr = dot(fr, tr) - dot(fi, ti)
        fti = dot(fr, ti) + dot(fi, tr)
        c = c_r[i]
        yr = ftr * c
        yi = fti * c
        ur = dot(gr, yr) - dot(gi, yi)
        ui = dot(gr, yi) + dot(gi, yr)
        o_r[i] = dot(ur, wvr) - dot(ui, wvi)


def _dft_filter(img, ctf):
    return pl.pallas_call(
        _dft_body,
        grid=(B // _DB,),
        in_specs=[
            pl.BlockSpec((_DB, XS, XS), lambda b: (b, 0, 0)),
            pl.BlockSpec((_DB, XS, _H), lambda b: (b, 0, 0)),
            pl.BlockSpec((XS, _H), lambda b: (0, 0)),
            pl.BlockSpec((XS, _H), lambda b: (0, 0)),
            pl.BlockSpec((XS, XS), lambda b: (0, 0)),
            pl.BlockSpec((XS, XS), lambda b: (0, 0)),
            pl.BlockSpec((XS, XS), lambda b: (0, 0)),
            pl.BlockSpec((XS, XS), lambda b: (0, 0)),
            pl.BlockSpec((_H, XS), lambda b: (0, 0)),
            pl.BlockSpec((_H, XS), lambda b: (0, 0)),
        ],
        out_specs=pl.BlockSpec((_DB, XS, XS), lambda b: (b, 0, 0)),
        out_shape=jax.ShapeDtypeStruct((B, XS, XS), jnp.float32),
    )(img, ctf, jnp.asarray(_FRH), jnp.asarray(_FIH), jnp.asarray(_FR),
      jnp.asarray(_FI), jnp.asarray(_GR), jnp.asarray(_GI),
      jnp.asarray(_WVR), jnp.asarray(_WVI))




def kernel(latent_x, latent_y, latent_z, Z, coords, R, shifts, ctf):
    zp = jnp.pad(Z, ((0, NPAD - NPTS), (0, 0)))
    ctp = jnp.pad(coords.T, ((0, 5), (0, NPAD - NPTS)))
    rflat = R.reshape(B, 9)
    px, py = _transform(latent_x, latent_y, latent_z, zp, ctp, rflat, shifts)
    img = _scatter(px.reshape(-1), py.reshape(-1)).reshape(B, XS, XS)
    return _dft_filter(img, ctf)

# --- scband reference (transcript-rebuilt; emitter-appended) ---
"""Pipeline reference for scband-decoder-39625368273304 (READ-ONLY COPY).

The authoritative reference and input builder live on the scoring server;
editing this copy changes nothing except your own understanding.
"""

import jax, jax.numpy as jnp
import numpy as np

LATENT_DIM = 8
N_POINTS = 100000
B = 32
XSIZE = 256


def setup_inputs(seed: int = 0) -> dict:
    key = jax.random.key(seed)
    ks = jax.random.split(key, 8)
    latent_x = jax.random.normal(ks[0], (B, LATENT_DIM), dtype=jnp.float32)
    latent_y = jax.random.normal(ks[1], (B, LATENT_DIM), dtype=jnp.float32)
    latent_z = jax.random.normal(ks[2], (B, LATENT_DIM), dtype=jnp.float32)
    # Zernike-like deformation basis evaluated at each atom (learned/precomputed param)
    Z = jax.random.normal(ks[3], (N_POINTS, LATENT_DIM), dtype=jnp.float32) * 0.1
    # atomic coordinates of the reference structure (pixel units, centered)
    coords = jax.random.uniform(ks[4], (N_POINTS, 3), dtype=jnp.float32, minval=-50.0, maxval=50.0)
    # per-particle alignment rotation matrices
    A = jax.random.normal(ks[5], (B, 3, 3), dtype=jnp.float32)
    R, _ = jnp.linalg.qr(A)
    # per-particle 2D shifts
    shifts = jax.random.normal(ks[6], (B, 2), dtype=jnp.float32) * 2.0
    # per-particle CTF in rfft2 Fourier space
    ctf = jax.random.uniform(ks[7], (B, XSIZE, XSIZE // 2 + 1), dtype=jnp.float32, minval=0.2, maxval=1.0)
    return {
        "latent_x": latent_x,
        "latent_y": latent_y,
        "latent_z": latent_z,
        "Z": Z,
        "coords": coords,
        "R": R,
        "shifts": shifts,
        "ctf": ctf,
    }


def reference(latent_x, latent_y, latent_z, Z, coords, R, shifts, ctf):
    # computeDeformationField: latent coefficients -> per-atom displacement
    d_x = latent_x @ Z.T  # [B, N]
    d_y = latent_y @ Z.T
    d_z = latent_z @ Z.T
    # applyDeformationField
    c_x = coords[:, 0][None, :] + d_x
    c_y = coords[:, 1][None, :] + d_y
    c_z = coords[:, 2][None, :] + d_z
    # applyAlignmentMatrix (project rotated coords onto x/y)
    c_r_x = R[:, 0, 0:1] * c_x + R[:, 0, 1:2] * c_y + R[:, 0, 2:3] * c_z
    c_r_y = R[:, 1, 0:1] * c_x + R[:, 1, 1:2] * c_y + R[:, 1, 2:3] * c_z
    # applyShifts
    c_r_s_x = c_r_x + shifts[:, 0:1]
    c_r_s_y = c_r_y + shifts[:, 1:2]
    # scatterImgByPass: bilinear scatter-add of points into the image grid
    half = XSIZE / 2.0
    px = jnp.clip(c_r_s_x + half, 0.0, XSIZE - 1.0 - 1e-4)
    py = jnp.clip(c_r_s_y + half, 0.0, XSIZE - 1.0 - 1e-4)
    x0 = jnp.floor(px)
    y0 = jnp.floor(py)
    fx = px - x0
    fy = py - y0
    x0i = x0.astype(jnp.int32)
    y0i = y0.astype(jnp.int32)
    x1i = x0i + 1
    y1i = y0i + 1
    Bn = latent_x.shape[0]
    bidx = jnp.broadcast_to(jnp.arange(Bn)[:, None], px.shape)
    img = jnp.zeros((Bn, XSIZE, XSIZE), dtype=jnp.float32)
    img = img.at[bidx, y0i, x0i].add((1.0 - fx) * (1.0 - fy))
    img = img.at[bidx, y0i, x1i].add(fx * (1.0 - fy))
    img = img.at[bidx, y1i, x0i].add((1.0 - fx) * fy)
    img = img.at[bidx, y1i, x1i].add(fx * fy)
    # ctfFilterImage: multiply by CTF in Fourier space (step == 1, no gaussian filter)
    ft = jnp.fft.rfft2(img)
    out = jnp.fft.irfft2(ft * ctf, s=(XSIZE, XSIZE))
    return out

if __name__ == "__main__":
    import jax
    _d = setup_inputs()
    print(jax.jit(kernel)(*tuple(_d.values())))

</pallas_src>

<mosaic_0001>
#map = affine_map<(d0, d1) -> (0)>
module attributes {stable_mosaic.version = 14 : i64} {
  func.func @_sc_scatter_body(%arg0: i32, %arg1: i32, %arg2: memref<3276800xf32, #tpu.memory_space<hbm>>, %arg3: memref<3276800xf32, #tpu.memory_space<hbm>>, %arg4: memref<2097152xf32, #tpu.memory_space<hbm>>, %arg5: memref<20000xf32, #tpu.memory_space<vmem>>, %arg6: memref<20000xf32, #tpu.memory_space<vmem>>, %arg7: memref<65536xf32, #tpu.memory_space<vmem>>, %arg8: memref<!tpu.dma_semaphore, #tpu.memory_space<semaphore_mem>>, %arg9: memref<!tpu.dma_semaphore, #tpu.memory_space<semaphore_mem>>) attributes {dimension_semantics = [#tpu.dimension_semantics<core_parallel>, #tpu.dimension_semantics<subcore_parallel>], iteration_bounds = array<i64: 2, 16>, scalar_prefetch = 0 : i64, scratch_operands = 5 : i64, tpu.core_type = #tpu.core_type<sc_vector_subcore>, window_params = [{transform_indices = #map}, {transform_indices = #map}, {transform_indices = #map}]} {
    %mul3A = arith.constant 2 : i32
    %mul3A_0 = arith.muli %arg1, %mul3A : i32
    %add3A = arith.addi %mul3A_0, %arg0 : i32
    %mul3A_1 = arith.constant 102400 : i32
    %mul3A_2 = arith.muli %add3A, %mul3A_1 : i32
    %broadcast_in_dim3A = arith.constant 0.000000e+00 : f32
    %broadcast_in_dim3A_3 = vector.broadcast %broadcast_in_dim3A : f32 to vector<16xf32>
    %add3A_4 = arith.constant 0 : i32
    %add3A_5 = arith.addi %mul3A_2, %add3A_4 : i32
    %dma_start3A = arith.constant 0 : i32
    %dma_start3A_6 = tpu.memref_slice %arg5[%dma_start3A] : memref<20000xf32, #tpu.memory_space<vmem>> -> memref<10000xf32, #tpu.memory_space<vmem>>
    %dma_start3A_7 = tpu.memref_slice %arg2[%add3A_5] : memref<3276800xf32, #tpu.memory_space<hbm>> -> memref<10000xf32, #tpu.memory_space<hbm>>
    %dma_start3A_8 = arith.constant 0 : i32
    %dma_start3A_9 = tpu.memref_slice %arg5[%dma_start3A_8] : memref<20000xf32, #tpu.memory_space<vmem>> -> memref<10000xf32, #tpu.memory_space<vmem>>
    %dma_start3A_10 = tpu.memref_slice %arg2[%add3A_5] : memref<3276800xf32, #tpu.memory_space<hbm>> -> memref<10000xf32, #tpu.memory_space<hbm>>
    tpu.enqueue_dma source(%dma_start3A_10 : memref<10000xf32, #tpu.memory_space<hbm>>) target(%dma_start3A_9 : memref<10000xf32, #tpu.memory_space<vmem>>) target_semaphore(%arg8 : memref<!tpu.dma_semaphore, #tpu.memory_space<semaphore_mem>>)
    %add3A_11 = arith.constant 0 : i32
    %add3A_12 = arith.addi %mul3A_2, %add3A_11 : i32
    %dma_start3A_13 = arith.constant 0 : i32
    %dma_start3A_14 = tpu.memref_slice %arg6[%dma_start3A_13] : memref<20000xf32, #tpu.memory_space<vmem>> -> memref<10000xf32, #tpu.memory_space<vmem>>
    %dma_start3A_15 = tpu.memref_slice %arg3[%add3A_12] : memref<3276800xf32, #tpu.memory_space<hbm>> -> memref<10000xf32, #tpu.memory_space<hbm>>
    %dma_start3A_16 = arith.constant 0 : i32
    %dma_start3A_17 = tpu.memref_slice %arg6[%dma_start3A_16] : memref<20000xf32, #tpu.memory_space<vmem>> -> memref<10000xf32, #tpu.memory_space<vmem>>
    %dma_start3A_18 = tpu.memref_slice %arg3[%add3A_12] : memref<3276800xf32, #tpu.memory_space<hbm>> -> memref<10000xf32, #tpu.memory_space<hbm>>
    tpu.enqueue_dma source(%dma_start3A_18 : memref<10000xf32, #tpu.memory_space<hbm>>) target(%dma_start3A_17 : memref<10000xf32, #tpu.memory_space<vmem>>) target_semaphore(%arg9 : memref<!tpu.dma_semaphore, #tpu.memory_space<semaphore_mem>>)
    %scan3A = arith.constant 0 : i32
    %scan3A_19 = arith.constant 512 : i32
    %scan3A_20 = arith.addi %scan3A, %scan3A_19 : i32
    %scan3A_21 = arith.constant 1 : i32
    scf.for %scan3A_30 = %scan3A to %scan3A_20 step %scan3A_21  : i32 {
      %mul3A_31 = arith.constant 128 : i32
      %mul3A_32 = arith.muli %scan3A_30, %mul3A_31 : i32
      %add3A_33 = arith.constant 0 : i32
      %add3A_34 = arith.addi %mul3A_32, %add3A_33 : i32
      %swap3A = arith.index_cast %add3A_34 : i32 to index
      %swap3A_35 = tpu.vector_load %arg7[%swap3A] {strides = array<i32>} : memref<65536xf32, #tpu.memory_space<vmem>>, vector<16xf32>,
      tpu.vector_store %arg7[%swap3A], %broadcast_in_dim3A_3 {strides = array<i32>} : memref<65536xf32, #tpu.memory_space<vmem>>, vector<16xf32>,
      %mul3A_36 = arith.constant 128 : i32
      %mul3A_37 = arith.muli %scan3A_30, %mul3A_36 : i32
      %add3A_38 = arith.constant 16 : i32
      %add3A_39 = arith.addi %mul3A_37, %add3A_38 : i32
      %swap3A_40 = arith.index_cast %add3A_39 : i32 to index
      %swap3A_41 = tpu.vector_load %arg7[%swap3A_40] {strides = array<i32>} : memref<65536xf32, #tpu.memory_space<vmem>>, vector<16xf32>,
      tpu.vector_store %arg7[%swap3A_40], %broadcast_in_dim3A_3 {strides = array<i32>} : memref<65536xf32, #tpu.memory_space<vmem>>, vector<16xf32>,
      %mul3A_42 = arith.constant 128 : i32
      %mul3A_43 = arith.muli %scan3A_30, %mul3A_42 : i32
      %add3A_44 = arith.constant 32 : i32
      %add3A_45 = arith.addi %mul3A_43, %add3A_44 : i32
      %swap3A_46 = arith.index_cast %add3A_45 : i32 to index
      %swap3A_47 = tpu.vector_load %arg7[%swap3A_46] {strides = array<i32>} : memref<65536xf32, #tpu.memory_space<vmem>>, vector<16xf32>,
      tpu.vector_store %arg7[%swap3A_46], %broadcast_in_dim3A_3 {strides = array<i32>} : memref<65536xf32, #tpu.memory_space<vmem>>, vector<16xf32>,
      %mul3A_48 = arith.constant 128 : i32
      %mul3A_49 = arith.muli %scan3A_30, %mul3A_48 : i32
      %add3A_50 = arith.constant 48 : i32
      %add3A_51 = arith.addi %mul3A_49, %add3A_50 : i32
      %swap3A_52 = arith.index_cast %add3A_51 : i32 to index
      %swap3A_53 = tpu.vector_load %arg7[%swap3A_52] {strides = array<i32>} : memref<65536xf32, #tpu.memory_space<vmem>>, vector<16xf32>,
      tpu.vector_store %arg7[%swap3A_52], %broadcast_in_dim3A_3 {strides = array<i32>} : memref<65536xf32, #tpu.memory_space<vmem>>, vector<16xf32>,
      %mul3A_54 = arith.constant 128 : i32
      %mul3A_55 = arith.muli %scan3A_30, %mul3A_54 : i32
      %add3A_56 = arith.constant 64 : i32
      %add3A_57 = arith.addi %mul3A_55, %add3A_56 : i32
      %swap3A_58 = arith.index_cast %add3A_57 : i32 to index
      %swap3A_59 = tpu.vector_load %arg7[%swap3A_58] {strides = array<i32>} : memref<65536xf32, #tpu.memory_space<vmem>>, vector<16xf32>,
      tpu.vector_store %arg7[%swap3A_58], %broadcast_in_dim3A_3 {strides = array<i32>} : memref<65536xf32, #tpu.memory_space<vmem>>, vector<16xf32>,
      %mul3A_60 = arith.constant 128 : i32
      %mul3A_61 = arith.muli %scan3A_30, %mul3A_60 : i32
      %add3A_62 = arith.constant 80 : i32
      %add3A_63 = arith.addi %mul3A_61, %add3A_62 : i32
      %swap3A_64 = arith.index_cast %add3A_63 : i32 to index
      %swap3A_65 = tpu.vector_load %arg7[%swap3A_64] {strides = array<i32>} : memref<65536xf32, #tpu.memory_space<vmem>>, vector<16xf32>,
      tpu.vector_store %arg7[%swap3A_64], %broadcast_in_dim3A_3 {strides = array<i32>} : memref<65536xf32, #tpu.memory_space<vmem>>, vector<16xf32>,
      %mul3A_66 = arith.constant 128 : i32
      %mul3A_67 = arith.muli %scan3A_30, %mul3A_66 : i32
      %add3A_68 = arith.constant 96 : i32
      %add3A_69 = arith.addi %mul3A_67, %add3A_68 : i32
      %swap3A_70 = arith.index_cast %add3A_69 : i32 to index
      %swap3A_71 = tpu.vector_load %arg7[%swap3A_70] {strides = array<i32>} : memref<65536xf32, #tpu.memory_space<vmem>>, vector<16xf32>,
      tpu.vector_store %arg7[%swap3A_70], %broadcast_in_dim3A_3 {strides = array<i32>} : memref<65536xf32, #tpu.memory_space<vmem>>, vector<16xf32>,
      %mul3A_72 = arith.constant 128 : i32
      %mul3A_73 = arith.muli %scan3A_30, %mul3A_72 : i32
      %add3A_74 = arith.constant 112 : i32
      %add3A_75 = arith.addi %mul3A_73, %add3A_74 : i32
      %swap3A_76 = arith.index_cast %add3A_75 : i32 to index
      %swap3A_77 = tpu.vector_load %arg7[%swap3A_76] {strides = array<i32>} : memref<65536xf32, #tpu.memory_space<vmem>>, vector<16xf32>,
      tpu.vector_store %arg7[%swap3A_76], %broadcast_in_dim3A_3 {strides = array<i32>} : memref<65536xf32, #tpu.memory_space<vmem>>, vector<16xf32>,
    }
    %scan3A_22 = arith.constant 512 : i32
    %scan3A_23 = arith.constant 0 : i32
    %scan3A_24 = arith.constant 10 : i32
    %scan3A_25 = arith.addi %scan3A_23, %scan3A_24 : i32
    %scan3A_26 = arith.constant 1 : i32
    scf.for %scan3A_30 = %scan3A_23 to %scan3A_25 step %scan3A_26  : i32 {
      %rem3A = arith.constant 2 : i32
      %rem3A_31 = arith.remsi %scan3A_30, %rem3A : i32
      %mul3A_32 = arith.constant 10000 : i32
      %mul3A_33 = arith.muli %rem3A_31, %mul3A_32 : i32
      %mul3A_34 = arith.constant 10000 : i32
      %mul3A_35 = arith.muli %scan3A_30, %mul3A_34 : i32
      %add3A_36 = arith.addi %mul3A_2, %mul3A_35 : i32
      %dma_wait3A = tpu.memref_slice %arg5[%mul3A_33] : memref<20000xf32, #tpu.memory_space<vmem>> -> memref<10000xf32, #tpu.memory_space<vmem>>
      %dma_wait3A_37 = tpu.memref_slice %arg2[%add3A_36] : memref<3276800xf32, #tpu.memory_space<hbm>> -> memref<10000xf32, #tpu.memory_space<hbm>>
      %dma_wait3A_38 = tpu.memref_slice %arg5[%mul3A_33] : memref<20000xf32, #tpu.memory_space<vmem>> -> memref<10000xf32, #tpu.memory_space<vmem>>
      %dma_wait3A_39 = tpu.memref_slice %arg2[%add3A_36] : memref<3276800xf32, #tpu.memory_space<hbm>> -> memref<10000xf32, #tpu.memory_space<hbm>>
      tpu.wait_dma2 semaphore(%arg8 : memref<!tpu.dma_semaphore, #tpu.memory_space<semaphore_mem>>) src(%dma_wait3A_39 : memref<10000xf32, #tpu.memory_space<hbm>>) dst(%dma_wait3A_38 : memref<10000xf32, #tpu.memory_space<vmem>>)
      %mul3A_40 = arith.constant 10000 : i32
      %mul3A_41 = arith.muli %scan3A_30, %mul3A_40 : i32
      %add3A_42 = arith.addi %mul3A_2, %mul3A_41 : i32
      %dma_wait3A_43 = tpu.memref_slice %arg6[%mul3A_33] : memref<20000xf32, #tpu.memory_space<vmem>> -> memref<10000xf32, #tpu.memory_space<vmem>>
      %dma_wait3A_44 = tpu.memref_slice %arg3[%add3A_42] : memref<3276800xf32, #tpu.memory_space<hbm>> -> memref<10000xf32, #tpu.memory_space<hbm>>
      %dma_wait3A_45 = tpu.memref_slice %arg6[%mul3A_33] : memref<20000xf32, #tpu.memory_space<vmem>> -> memref<10000xf32, #tpu.memory_space<vmem>>
      %dma_wait3A_46 = tpu.memref_slice %arg3[%add3A_42] : memref<3276800xf32, #tpu.memory_space<hbm>> -> memref<10000xf32, #tpu.memory_space<hbm>>
      tpu.wait_dma2 semaphore(%arg9 : memref<!tpu.dma_semaphore, #tpu.memory_space<semaphore_mem>>) src(%dma_wait3A_46 : memref<10000xf32, #tpu.memory_space<hbm>>) dst(%dma_wait3A_45 : memref<10000xf32, #tpu.memory_space<vmem>>)
      %add3A_47 = arith.constant 1 : i32
      %add3A_48 = arith.addi %scan3A_30, %add3A_47 : i32
      %lt3A = arith.constant 10 : i32
      %lt3A_49 = arith.cmpi slt, %add3A_48, %lt3A : i32
      %convert_element_type3A = arith.extui %lt3A_49 : i1 to i32
      %cond3A = arith.constant 0 : i32
      %cond3A_50 = arith.cmpi ne, %convert_element_type3A, %cond3A : i32
      scf.if %cond3A_50 {
        %add3A_56 = arith.constant 1 : i32
        %add3A_57 = arith.addi %scan3A_30, %add3A_56 : i32
        %sub3A = arith.constant 1 : i32
        %sub3A_58 = arith.subi %sub3A, %rem3A_31 : i32
        %mul3A_59 = arith.constant 10000 : i32
        %mul3A_60 = arith.muli %add3A_57, %mul3A_59 : i32
        %add3A_61 = arith.addi %mul3A_2, %mul3A_60 : i32
        %mul3A_62 = arith.constant 10000 : i32
        %mul3A_63 = arith.muli %sub3A_58, %mul3A_62 : i32
        %dma_start3A_64 = tpu.memref_slice %arg5[%mul3A_63] : memref<20000xf32, #tpu.memory_space<vmem>> -> memref<10000xf32, #tpu.memory_space<vmem>>
        %dma_start3A_65 = tpu.memref_slice %arg2[%add3A_61] : memref<3276800xf32, #tpu.memory_space<hbm>> -> memref<10000xf32, #tpu.memory_space<hbm>>
        %dma_start3A_66 = tpu.memref_slice %arg5[%mul3A_63] : memref<20000xf32, #tpu.memory_space<vmem>> -> memref<10000xf32, #tpu.memory_space<vmem>>
        %dma_start3A_67 = tpu.memref_slice %arg2[%add3A_61] : memref<3276800xf32, #tpu.memory_space<hbm>> -> memref<10000xf32, #tpu.memory_space<hbm>>
        tpu.enqueue_dma source(%dma_start3A_67 : memref<10000xf32, #tpu.memory_space<hbm>>) target(%dma_start3A_66 : memref<10000xf32, #tpu.memory_space<vmem>>) target_semaphore(%arg8 : memref<!tpu.dma_semaphore, #tpu.memory_space<semaphore_mem>>)
        %mul3A_68 = arith.constant 10000 : i32
        %mul3A_69 = arith.muli %add3A_57, %mul3A_68 : i32
        %add3A_70 = arith.addi %mul3A_2, %mul3A_69 : i32
        %mul3A_71 = arith.constant 10000 : i32
        %mul3A_72 = arith.muli %sub3A_58, %mul3A_71 : i32
        %dma_start3A_73 = tpu.memref_slice %arg6[%mul3A_72] : memref<20000xf32, #tpu.memory_space<vmem>> -> memref<10000xf32, #tpu.memory_space<vmem>>
        %dma_start3A_74 = tpu.memref_slice %arg3[%add3A_70] : memref<3276800xf32, #tpu.memory_space<hbm>> -> memref<10000xf32, #tpu.memory_space<hbm>>
        %dma_start3A_75 = tpu.memref_slice %arg6[%mul3A_72] : memref<20000xf32, #tpu.memory_space<vmem>> -> memref<10000xf32, #tpu.memory_space<vmem>>
        %dma_start3A_76 = tpu.memref_slice %arg3[%add3A_70] : memref<3276800xf32, #tpu.memory_space<hbm>> -> memref<10000xf32, #tpu.memory_space<hbm>>
        tpu.enqueue_dma source(%dma_start3A_76 : memref<10000xf32, #tpu.memory_space<hbm>>) target(%dma_start3A_75 : memref<10000xf32, #tpu.memory_space<vmem>>) target_semaphore(%arg9 : memref<!tpu.dma_semaphore, #tpu.memory_space<semaphore_mem>>)
      } else {
      }
      %scan3A_51 = arith.constant 0 : i32
      %scan3A_52 = arith.constant 25 : i32
      %scan3A_53 = arith.addi %scan3A_51, %scan3A_52 : i32
      %scan3A_54 = arith.constant 1 : i32
      scf.for %scan3A_56 = %scan3A_51 to %scan3A_53 step %scan3A_54  : i32 {
        %mul3A_57 = arith.constant 400 : i32
        %mul3A_58 = arith.muli %scan3A_56, %mul3A_57 : i32
        %add3A_59 = arith.addi %mul3A_33, %mul3A_58 : i32
        %add3A_60 = arith.constant 0 : i32
        %add3A_61 = arith.addi %add3A_59, %add3A_60 : i32
        %get3A = arith.index_cast %add3A_61 : i32 to index
        %get3A_62 = tpu.vector_load %arg5[%get3A] {strides = array<i32>} : memref<20000xf32, #tpu.memory_space<vmem>>, vector<16xf32>,
        %add3A_63 = arith.constant 0 : i32
        %add3A_64 = arith.addi %add3A_59, %add3A_63 : i32
        %get3A_65 = arith.index_cast %add3A_64 : i32 to index
        %get3A_66 = tpu.vector_load %arg6[%get3A_65] {strides = array<i32>} : memref<20000xf32, #tpu.memory_space<vmem>>, vector<16xf32>,
        %convert_element_type3A_67 = arith.fptosi %get3A_62 : vector<16xf32> to vector<16xi32>
        %convert_element_type3A_68 = arith.fptosi %get3A_66 : vector<16xf32> to vector<16xi32>
        %convert_element_type3A_69 = arith.sitofp %convert_element_type3A_67 : vector<16xi32> to vector<16xf32>
        %sub3A = arith.subf %get3A_62, %convert_element_type3A_69 : vector<16xf32>
        %convert_element_type3A_70 = arith.sitofp %convert_element_type3A_68 : vector<16xi32> to vector<16xf32>
        %sub3A_71 = arith.subf %get3A_66, %convert_element_type3A_70 : vector<16xf32>
        %sub3A_72 = arith.constant 1.000000e+00 : f32
        %sub3A_73 = vector.broadcast %sub3A_72 : f32 to vector<16xf32>
        %sub3A_74 = arith.subf %sub3A_73, %sub3A : vector<16xf32>
        %sub3A_75 = arith.constant 1.000000e+00 : f32
        %sub3A_76 = vector.broadcast %sub3A_75 : f32 to vector<16xf32>
        %sub3A_77 = arith.subf %sub3A_76, %sub3A_71 : vector<16xf32>
        %mul3A_78 = arith.constant 256 : i32
        %mul3A_79 = vector.broadcast %mul3A_78 : i32 to vector<16xi32>
        %mul3A_80 = arith.muli %convert_element_type3A_68, %mul3A_79 : vector<16xi32>
        %add3A_81 = arith.addi %mul3A_80, %convert_element_type3A_67 : vector<16xi32>
        %mul3A_82 = arith.mulf %sub3A_74, %sub3A_77 : vector<16xf32>
        tpu.vector_store_idx %arg7[%add3A_81], %mul3A_82 {add = true} : memref<65536xf32, #tpu.memory_space<vmem>>[vector<16xi32>], vector<16xf32>,
        %add3A_83 = arith.constant 1 : i32
        %add3A_84 = vector.broadcast %add3A_83 : i32 to vector<16xi32>
        %add3A_85 = arith.addi %add3A_81, %add3A_84 : vector<16xi32>
        %mul3A_86 = arith.mulf %sub3A, %sub3A_77 : vector<16xf32>
        tpu.vector_store_idx %arg7[%add3A_85], %mul3A_86 {add = true} : memref<65536xf32, #tpu.memory_space<vmem>>[vector<16xi32>], vector<16xf32>,
        %add3A_87 = arith.constant 256 : i32
        %add3A_88 = vector.broadcast %add3A_87 : i32 to vector<16xi32>
        %add3A_89 = arith.addi %add3A_81, %add3A_88 : vector<16xi32>
        %mul3A_90 = arith.mulf %sub3A_74, %sub3A_71 : vector<16xf32>
        tpu.vector_store_idx %arg7[%add3A_89], %mul3A_90 {add = true} : memref<65536xf32, #tpu.memory_space<vmem>>[vector<16xi32>], vector<16xf32>,
        %add3A_91 = arith.constant 256 : i32
        %add3A_92 = vector.broadcast %add3A_91 : i32 to vector<16xi32>
        %add3A_93 = arith.addi %add3A_81, %add3A_92 : vector<16xi32>
        %add3A_94 = arith.constant 1 : i32
        %add3A_95 = vector.broadcast %add3A_94 : i32 to vector<16xi32>
        %add3A_96 = arith.addi %add3A_93, %add3A_95 : vector<16xi32>
        %mul3A_97 = arith.mulf %sub3A, %sub3A_71 : vector<16xf32>
        tpu.vector_store_idx %arg7[%add3A_96], %mul3A_97 {add = true} : memref<65536xf32, #tpu.memory_space<vmem>>[vector<16xi32>], vector<16xf32>,
        %add3A_98 = arith.constant 16 : i32
        %add3A_99 = arith.addi %add3A_59, %add3A_98 : i32
        %get3A_100 = arith.index_cast %add3A_99 : i32 to index
        %get3A_101 = tpu.vector_load %arg5[%get3A_100] {strides = array<i32>} : memref<20000xf32, #tpu.memory_space<vmem>>, vector<16xf32>,
        %add3A_102 = arith.constant 16 : i32
        %add3A_103 = arith.addi %add3A_59, %add3A_102 : i32
        %get3A_104 = arith.index_cast %add3A_103 : i32 to index
        %get3A_105 = tpu.vector_load %arg6[%get3A_104] {strides = array<i32>} : memref<20000xf32, #tpu.memory_space<vmem>>, vector<16xf32>,
        %convert_element_type3A_106 = arith.fptosi %get3A_101 : vector<16xf32> to vector<16xi32>
        %convert_element_type3A_107 = arith.fptosi %get3A_105 : vector<16xf32> to vector<16xi32>
        %convert_element_type3A_108 = arith.sitofp %convert_element_type3A_106 : vector<16xi32> to vector<16xf32>
        %sub3A_109 = arith.subf %get3A_101, %convert_element_type3A_108 : vector<16xf32>
        %convert_element_type3A_110 = arith.sitofp %convert_element_type3A_107 : vector<16xi32> to vector<16xf32>
        %sub3A_111 = arith.subf %get3A_105, %convert_element_type3A_110 : vector<16xf32>
        %sub3A_112 = arith.constant 1.000000e+00 : f32
        %sub3A_113 = vector.broadcast %sub3A_112 : f32 to vector<16xf32>
        %sub3A_114 = arith.subf %sub3A_113, %sub3A_109 : vector<16xf32>
        %sub3A_115 = arith.constant 1.000000e+00 : f32
        %sub3A_116 = vector.broadcast %sub3A_115 : f32 to vector<16xf32>
        %sub3A_117 = arith.subf %sub3A_116, %sub3A_111 : vector<16xf32>
        %mul3A_118 = arith.constant 256 : i32
        %mul3A_119 = vector.broadcast %mul3A_118 : i32 to vector<16xi32>
        %mul3A_120 = arith.muli %convert_element_type3A_107, %mul3A_119 : vector<16xi32>
        %add3A_121 = arith.addi %mul3A_120, %convert_element_type3A_106 : vector<16xi32>
        %mul3A_122 = arith.mulf %sub3A_114, %sub3A_117 : vector<16xf32>
        tpu.vector_store_idx %arg7[%add3A_121], %mul3A_122 {add = true} : memref<65536xf32, #tpu.memory_space<vmem>>[vector<16xi32>], vector<16xf32>,
        %add3A_123 = arith.constant 1 : i32
        %add3A_124 = vector.broadcast %add3A_123 : i32 to vector<16xi32>
        %add3A_125 = arith.addi %add3A_121, %add3A_124 : vector<16xi32>
        %mul3A_126 = arith.mulf %sub3A_109, %sub3A_117 : vector<16xf32>
        tpu.vector_store_idx %arg7[%add3A_125], %mul3A_126 {add = true} : memref<65536xf32, #tpu.memory_space<vmem>>[vector<16xi32>], vector<16xf32>,
        %add3A_127 = arith.constant 256 : i32
        %add3A_128 = vector.broadcast %add3A_127 : i32 to vector<16xi32>
        %add3A_129 = arith.addi %add3A_121, %add3A_128 : vector<16xi32>
        %mul3A_130 = arith.mulf %sub3A_114, %sub3A_111 : vector<16xf32>
        tpu.vector_store_idx %arg7[%add3A_129], %mul3A_130 {add = true} : memref<65536xf32, #tpu.memory_space<vmem>>[vector<16xi32>], vector<16xf32>,
        %add3A_131 = arith.constant 256 : i32
        %add3A_132 = vector.broadcast %add3A_131 : i32 to vector<16xi32>
        %add3A_133 = arith.addi %add3A_121, %add3A_132 : vector<16xi32>
        %add3A_134 = arith.constant 1 : i32
        %add3A_135 = vector.broadcast %add3A_134 : i32 to vector<16xi32>
        %add3A_136 = arith.addi %add3A_133, %add3A_135 : vector<16xi32>
        %mul3A_137 = arith.mulf %sub3A_109, %sub3A_111 : vector<16xf32>
        tpu.vector_store_idx %arg7[%add3A_136], %mul3A_137 {add = true} : memref<65536xf32, #tpu.memory_space<vmem>>[vector<16xi32>], vector<16xf32>,
        %add3A_138 = arith.constant 32 : i32
        %add3A_139 = arith.addi %add3A_59, %add3A_138 : i32
        %get3A_140 = arith.index_cast %add3A_139 : i32 to index
        %get3A_141 = tpu.vector_load %arg5[%get3A_140] {strides = array<i32>} : memref<20000xf32, #tpu.memory_space<vmem>>, vector<16xf32>,
        %add3A_142 = arith.constant 32 : i32
        %add3A_143 = arith.addi %add3A_59, %add3A_142 : i32
        %get3A_144 = arith.index_cast %add3A_143 : i32 to index
        %get3A_145 = tpu.vector_load %arg6[%get3A_144] {strides = array<i32>} : memref<20000xf32, #tpu.memory_space<vmem>>, vector<16xf32>,
        %convert_element_type3A_146 = arith.fptosi %get3A_141 : vector<16xf32> to vector<16xi32>
        %convert_element_type3A_147 = arith.fptosi %get3A_145 : vector<16xf32> to vector<16xi32>
        %convert_element_type3A_148 = arith.sitofp %convert_element_type3A_146 : vector<16xi32> to vector<16xf32>
        %sub3A_149 = arith.subf %get3A_141, %convert_element_type3A_148 : vector<16xf32>
        %convert_element_type3A_150 = arith.sitofp %convert_element_type3A_147 : vector<16xi32> to vector<16xf32>
        %sub3A_151 = arith.subf %get3A_145, %convert_element_type3A_150 : vector<16xf32>
        %sub3A_152 = arith.constant 1.000000e+00 : f32
        %sub3A_153 = vector.broadcast %sub3A_152 : f32 to vector<16xf32>
        %sub3A_154 = arith.subf %sub3A_153, %sub3A_149 : vector<16xf32>
        %sub3A_155 = arith.constant 1.000000e+00 : f32
        %sub3A_156 = vector.broadcast %sub3A_155 : f32 to vector<16xf32>
        %sub3A_157 = arith.subf %sub3A_156, %sub3A_151 : vector<16xf32>
        %mul3A_158 = arith.constant 256 : i32
        %mul3A_159 = vector.broadcast %mul3A_158 : i32 to vector<16xi32>
        %mul3A_160 = arith.muli %convert_element_type3A_147, %mul3A_159 : vector<16xi32>
        %add3A_161 = arith.addi %mul3A_160, %convert_element_type3A_146 : vector<16xi32>
        %mul3A_162 = arith.mulf %sub3A_154, %sub3A_157 : vector<16xf32>
        tpu.vector_store_idx %arg7[%add3A_161], %mul3A_162 {add = true} : memref<65536xf32, #tpu.memory_space<vmem>>[vector<16xi32>], vector<16xf32>,
        %add3A_163 = arith.constant 1 : i32
        %add3A_164 = vector.broadcast %add3A_163 : i32 to vector<16xi32>
        %add3A_165 = arith.addi %add3A_161, %add3A_164 : vector<16xi32>
        %mul3A_166 = arith.mulf %sub3A_149, %sub3A_157 : vector<16xf32>
        tpu.vector_store_idx %arg7[%add3A_165], %mul3A_166 {add = true} : memref<65536xf32, #tpu.memory_space<vmem>>[vector<16xi32>], vector<16xf32>,
        %add3A_167 = arith.constant 256 : i32
        %add3A_168 = vector.broadcast %add3A_167 : i32 to vector<16xi32>
        %add3A_169 = arith.addi %add3A_161, %add3A_168 : vector<16xi32>
        %mul3A_170 = arith.mulf %sub3A_154, %sub3A_151 : vector<16xf32>
        tpu.vector_store_idx %arg7[%add3A_169], %mul3A_170 {add = true} : memref<65536xf32, #tpu.memory_space<vmem>>[vector<16xi32>], vector<16xf32>,
        %add3A_171 = arith.constant 256 : i32
        %add3A_172 = vector.broadcast %add3A_171 : i32 to vector<16xi32>
        %add3A_173 = arith.addi %add3A_161, %add3A_172 : vector<16xi32>
        %add3A_174 = arith.constant 1 : i32
        %add3A_175 = vector.broadcast %add3A_174 : i32 to vector<16xi32>
        %add3A_176 = arith.addi %add3A_173, %add3A_175 : vector<16xi32>
        %mul3A_177 = arith.mulf %sub3A_149, %sub3A_151 : vector<16xf32>
        tpu.vector_store_idx %arg7[%add3A_176], %mul3A_177 {add = true} : memref<65536xf32, #tpu.memory_space<vmem>>[vector<16xi32>], vector<16xf32>,
        %add3A_178 = arith.constant 48 : i32
        %add3A_179 = arith.addi %add3A_59, %add3A_178 : i32
        %get3A_180 = arith.index_cast %add3A_179 : i32 to index
        %get3A_181 = tpu.vector_load %arg5[%get3A_180] {strides = array<i32>} : memref<20000xf32, #tpu.memory_space<vmem>>, vector<16xf32>,
        %add3A_182 = arith.constant 48 : i32
        %add3A_183 = arith.addi %add3A_59, %add3A_182 : i32
        %get3A_184 = arith.index_cast %add3A_183 : i32 to index
        %get3A_185 = tpu.vector_load %arg6[%get3A_184] {strides = array<i32>} : memref<20000xf32, #tpu.memory_space<vmem>>, vector<16xf32>,
        %convert_element_type3A_186 = arith.fptosi %get3A_181 : vector<16xf32> to vector<16xi32>
        %convert_element_type3A_187 = arith.fptosi %get3A_185 : vector<16xf32> to vector<16xi32>
        %convert_element_type3A_188 = arith.sitofp %convert_element_type3A_186 : vector<16xi32> to vector<16xf32>
        %sub3A_189 = arith.subf %get3A_181, %convert_element_type3A_188 : vector<16xf32>
        %convert_element_type3A_190 = arith.sitofp %convert_element_type3A_187 : vector<16xi32> to vector<16xf32>
        %sub3A_191 = arith.subf %get3A_185, %convert_element_type3A_190 : vector<16xf32>
        %sub3A_192 = arith.constant 1.000000e+00 : f32
        %sub3A_193 = vector.broadcast %sub3A_192 : f32 to vector<16xf32>
        %sub3A_194 = arith.subf %sub3A_193, %sub3A_189 : vector<16xf32>
        %sub3A_195 = arith.constant 1.000000e+00 : f32
        %sub3A_196 = vector.broadcast %sub3A_195 : f32 to vector<16xf32>
        %sub3A_197 = arith.subf %sub3A_196, %sub3A_191 : vector<16xf32>
        %mul3A_198 = arith.constant 256 : i32
        %mul3A_199 = vector.broadcast %mul3A_198 : i32 to vector<16xi32>
        %mul3A_200 = arith.muli %convert_element_type3A_187, %mul3A_199 : vector<16xi32>
        %add3A_201 = arith.addi %mul3A_200, %convert_element_type3A_186 : vector<16xi32>
        %mul3A_202 = arith.mulf %sub3A_194, %sub3A_197 : vector<16xf32>
        tpu.vector_store_idx %arg7[%add3A_201], %mul3A_202 {add = true} : memref<65536xf32, #tpu.memory_space<vmem>>[vector<16xi32>], vector<16xf32>,
        %add3A_203 = arith.constant 1 : i32
        %add3A_204 = vector.broadcast %add3A_203 : i32 to vector<16xi32>
        %add3A_205 = arith.addi %add3A_201, %add3A_204 : vector<16xi32>
        %mul3A_206 = arith.mulf %sub3A_189, %sub3A_197 : vector<16xf32>
        tpu.vector_store_idx %arg7[%add3A_205], %mul3A_206 {add = true} : memref<65536xf32, #tpu.memory_space<vmem>>[vector<16xi32>], vector<16xf32>,
        %add3A_207 = arith.constant 256 : i32
        %add3A_208 = vector.broadcast %add3A_207 : i32 to vector<16xi32>
        %add3A_209 = arith.addi %add3A_201, %add3A_208 : vector<16xi32>
        %mul3A_210 = arith.mulf %sub3A_194, %sub3A_191 : vector<16xf32>
        tpu.vector_store_idx %arg7[%add3A_209], %mul3A_210 {add = true} : memref<65536xf32, #tpu.memory_space<vmem>>[vector<16xi32>], vector<16xf32>,
        %add3A_211 = arith.constant 256 : i32
        %add3A_212 = vector.broadcast %add3A_211 : i32 to vector<16xi32>
        %add3A_213 = arith.addi %add3A_201, %add3A_212 : vector<16xi32>
        %add3A_214 = arith.constant 1 : i32
        %add3A_215 = vector.broadcast %add3A_214 : i32 to vector<16xi32>
        %add3A_216 = arith.addi %add3A_213, %add3A_215 : vector<16xi32>
        %mul3A_217 = arith.mulf %sub3A_189, %sub3A_191 : vector<16xf32>
        tpu.vector_store_idx %arg7[%add3A_216], %mul3A_217 {add = true} : memref<65536xf32, #tpu.memory_space<vmem>>[vector<16xi32>], vector<16xf32>,
        %add3A_218 = arith.constant 64 : i32
        %add3A_219 = arith.addi %add3A_59, %add3A_218 : i32
        %get3A_220 = arith.index_cast %add3A_219 : i32 to index
        %get3A_221 = tpu.vector_load %arg5[%get3A_220] {strides = array<i32>} : memref<20000xf32, #tpu.memory_space<vmem>>, vector<16xf32>,
        %add3A_222 = arith.constant 64 : i32
        %add3A_223 = arith.addi %add3A_59, %add3A_222 : i32
        %get3A_224 = arith.index_cast %add3A_223 : i32 to index
        %get3A_225 = tpu.vector_load %arg6[%get3A_224] {strides = array<i32>} : memref<20000xf32, #tpu.memory_space<vmem>>, vector<16xf32>,
        %convert_element_type3A_226 = arith.fptosi %get3A_221 : vector<16xf32> to vector<16xi32>
        %convert_element_type3A_227 = arith.fptosi %get3A_225 : vector<16xf32> to vector<16xi32>
        %convert_element_type3A_228 = arith.sitofp %convert_element_type3A_226 : vector<16xi32> to vector<16xf32>
        %sub3A_229 = arith.subf %get3A_221, %convert_element_type3A_228 : vector<16xf32>
        %convert_element_type3A_230 = arith.sitofp %convert_element_type3A_227 : vector<16xi32> to vector<16xf32>
        %sub3A_231 = arith.subf %get3A_225, %convert_element_type3A_230 : vector<16xf32>
        %sub3A_232 = arith.constant 1.000000e+00 : f32
        %sub3A_233 = vector.broadcast %sub3A_232 : f32 to vector<16xf32>
        %sub3A_234 = arith.subf %sub3A_233, %sub3A_229 : vector<16xf32>
        %sub3A_235 = arith.constant 1.000000e+00 : f32
        %sub3A_236 = vector.broadcast %sub3A_235 : f32 to vector<16xf32>
        %sub3A_237 = arith.subf %sub3A_236, %sub3A_231 : vector<16xf32>
        %mul3A_238 = arith.constant 256 : i32
        %mul3A_239 = vector.broadcast %mul3A_238 : i32 to vector<16xi32>
        %mul3A_240 = arith.muli %convert_element_type3A_227, %mul3A_239 : vector<16xi32>
        %add3A_241 = arith.addi %mul3A_240, %convert_element_type3A_226 : vector<16xi32>
        %mul3A_242 = arith.mulf %sub3A_234, %sub3A_237 : vector<16xf32>
        tpu.vector_store_idx %arg7[%add3A_241], %mul3A_242 {add = true} : memref<65536xf32, #tpu.memory_space<vmem>>[vector<16xi32>], vector<16xf32>,
        %add3A_243 = arith.constant 1 : i32
        %add3A_244 = vector.broadcast %add3A_243 : i32 to vector<16xi32>
        %add3A_245 = arith.addi %add3A_241, %add3A_244 : vector<16xi32>
        %mul3A_246 = arith.mulf %sub3A_229, %sub3A_237 : vector<16xf32>
        tpu.vector_store_idx %arg7[%add3A_245], %mul3A_246 {add = true} : memref<65536xf32, #tpu.memory_space<vmem>>[vector<16xi32>], vector<16xf32>,
        %add3A_247 = arith.constant 256 : i32
        %add3A_248 = vector.broadcast %add3A_247 : i32 to vector<16xi32>
        %add3A_249 = arith.addi %add3A_241, %add3A_248 : vector<16xi32>
        %mul3A_250 = arith.mulf %sub3A_234, %sub3A_231 : vector<16xf32>
        tpu.vector_store_idx %arg7[%add3A_249], %mul3A_250 {add = true} : memref<65536xf32, #tpu.memory_space<vmem>>[vector<16xi32>], vector<16xf32>,
        %add3A_251 = arith.constant 256 : i32
        %add3A_252 = vector.broadcast %add3A_251 : i32 to vector<16xi32>
        %add3A_253 = arith.addi %add3A_241, %add3A_252 : vector<16xi32>
        %add3A_254 = arith.constant 1 : i32
        %add3A_255 = vector.broadcast %add3A_254 : i32 to vector<16xi32>
        %add3A_256 = arith.addi %add3A_253, %add3A_255 : vector<16xi32>
        %mul3A_257 = arith.mulf %sub3A_229, %sub3A_231 : vector<16xf32>
        tpu.vector_store_idx %arg7[%add3A_256], %mul3A_257 {add = true} : memref<65536xf32, #tpu.memory_space<vmem>>[vector<16xi32>], vector<16xf32>,
        %add3A_258 = arith.constant 80 : i32
        %add3A_259 = arith.addi %add3A_59, %add3A_258 : i32
        %get3A_260 = arith.index_cast %add3A_259 : i32 to index
        %get3A_261 = tpu.vector_load %arg5[%get3A_260] {strides = array<i32>} : memref<20000xf32, #tpu.memory_space<vmem>>, vector<16xf32>,
        %add3A_262 = arith.constant 80 : i32
        %add3A_263 = arith.addi %add3A_59, %add3A_262 : i32
        %get3A_264 = arith.index_cast %add3A_263 : i32 to index
        %get3A_265 = tpu.vector_load %arg6[%get3A_264] {strides = array<i32>} : memref<20000xf32, #tpu.memory_space<vmem>>, vector<16xf32>,
        %convert_element_type3A_266 = arith.fptosi %get3A_261 : vector<16xf32> to vector<16xi32>
        %convert_element_type3A_267 = arith.fptosi %get3A_265 : vector<16xf32> to vector<16xi32>
        %convert_element_type3A_268 = arith.sitofp %convert_element_type3A_266 : vector<16xi32> to vector<16xf32>
        %sub3A_269 = arith.subf %get3A_261, %convert_element_type3A_268 : vector<16xf32>
        %convert_element_type3A_270 = arith.sitofp %convert_element_type3A_267 : vector<16xi32> to vector<16xf32>
        %sub3A_271 = arith.subf %get3A_265, %convert_element_type3A_270 : vector<16xf32>
        %sub3A_272 = arith.constant 1.000000e+00 : f32
        %sub3A_273 = vector.broadcast %sub3A_272 : f32 to vector<16xf32>
        %sub3A_274 = arith.subf %sub3A_273, %sub3A_269 : vector<16xf32>
        %sub3A_275 = arith.constant 1.000000e+00 : f32
        %sub3A_276 = vector.broadcast %sub3A_275 : f32 to vector<16xf32>
        %sub3A_277 = arith.subf %sub3A_276, %sub3A_271 : vector<16xf32>
        %mul3A_278 = arith.constant 256 : i32
        %mul3A_279 = vector.broadcast %mul3A_278 : i32 to vector<16xi32>
        %mul3A_280 = arith.muli %convert_element_type3A_267, %mul3A_279 : vector<16xi32>
        %add3A_281 = arith.addi %mul3A_280, %convert_element_type3A_266 : vector<16xi32>
        %mul3A_282 = arith.mulf %sub3A_274, %sub3A_277 : vector<16xf32>
        tpu.vector_store_idx %arg7[%add3A_281], %mul3A_282 {add = true} : memref<65536xf32, #tpu.memory_space<vmem>>[vector<16xi32>], vector<16xf32>,
        %add3A_283 = arith.constant 1 : i32
        %add3A_284 = vector.broadcast %add3A_283 : i32 to vector<16xi32>
        %add3A_285 = arith.addi %add3A_281, %add3A_284 : vector<16xi32>
        %mul3A_286 = arith.mulf %sub3A_269, %sub3A_277 : vector<16xf32>
        tpu.vector_store_idx %arg7[%add3A_285], %mul3A_286 {add = true} : memref<65536xf32, #tpu.memory_space<vmem>>[vector<16xi32>], vector<16xf32>,
        %add3A_287 = arith.constant 256 : i32
        %add3A_288 = vector.broadcast %add3A_287 : i32 to vector<16xi32>
        %add3A_289 = arith.addi %add3A_281, %add3A_288 : vector<16xi32>
        %mul3A_290 = arith.mulf %sub3A_274, %sub3A_271 : vector<16xf32>
        tpu.vector_store_idx %arg7[%add3A_289], %mul3A_290 {add = true} : memref<65536xf32, #tpu.memory_space<vmem>>[vector<16xi32>], vector<16xf32>,
        %add3A_291 = arith.constant 256 : i32
        %add3A_292 = vector.broadcast %add3A_291 : i32 to vector<16xi32>
        %add3A_293 = arith.addi %add3A_281, %add3A_292 : vector<16xi32>
        %add3A_294 = arith.constant 1 : i32
        %add3A_295 = vector.broadcast %add3A_294 : i32 to vector<16xi32>
        %add3A_296 = arith.addi %add3A_293, %add3A_295 : vector<16xi32>
        %mul3A_297 = arith.mulf %sub3A_269, %sub3A_271 : vector<16xf32>
        tpu.vector_store_idx %arg7[%add3A_296], %mul3A_297 {add = true} : memref<65536xf32, #tpu.memory_space<vmem>>[vector<16xi32>], vector<16xf32>,
        %add3A_298 = arith.constant 96 : i32
        %add3A_299 = arith.addi %add3A_59, %add3A_298 : i32
        %get3A_300 = arith.index_cast %add3A_299 : i32 to index
        %get3A_301 = tpu.vector_load %arg5[%get3A_300] {strides = array<i32>} : memref<20000xf32, #tpu.memory_space<vmem>>, vector<16xf32>,
        %add3A_302 = arith.constant 96 : i32
        %add3A_303 = arith.addi %add3A_59, %add3A_302 : i32
        %get3A_304 = arith.index_cast %add3A_303 : i32 to index
        %get3A_305 = tpu.vector_load %arg6[%get3A_304] {strides = array<i32>} : memref<20000xf32, #tpu.memory_space<vmem>>, vector<16xf32>,
        %convert_element_type3A_306 = arith.fptosi %get3A_301 : vector<16xf32> to vector<16xi32>
        %convert_element_type3A_307 = arith.fptosi %get3A_305 : vector<16xf32> to vector<16xi32>
        %convert_element_type3A_308 = arith.sitofp %convert_element_type3A_306 : vector<16xi32> to vector<16xf32>
        %sub3A_309 = arith.subf %get3A_301, %convert_element_type3A_308 : vector<16xf32>
        %convert_element_type3A_310 = arith.sitofp %convert_element_type3A_307 : vector<16xi32> to vector<16xf32>
        %sub3A_311 = arith.subf %get3A_305, %convert_element_type3A_310 : vector<16xf32>
        %sub3A_312 = arith.constant 1.000000e+00 : f32
        %sub3A_313 = vector.broadcast %sub3A_312 : f32 to vector<16xf32>
        %sub3A_314 = arith.subf %sub3A_313, %sub3A_309 : vector<16xf32>
        %sub3A_315 = arith.constant 1.000000e+00 : f32
        %sub3A_316 = vector.broadcast %sub3A_315 : f32 to vector<16xf32>
        %sub3A_317 = arith.subf %sub3A_316, %sub3A_311 : vector<16xf32>
        %mul3A_318 = arith.constant 256 : i32
        %mul3A_319 = vector.broadcast %mul3A_318 : i32 to vector<16xi32>
        %mul3A_320 = arith.muli %convert_element_type3A_307, %mul3A_319 : vector<16xi32>
        %add3A_321 = arith.addi %mul3A_320, %convert_element_type3A_306 : vector<16xi32>
        %mul3A_322 = arith.mulf %sub3A_314, %sub3A_317 : vector<16xf32>
        tpu.vector_store_idx %arg7[%add3A_321], %mul3A_322 {add = true} : memref<65536xf32, #tpu.memory_space<vmem>>[vector<16xi32>], vector<16xf32>,
        %add3A_323 = arith.constant 1 : i32
        %add3A_324 = vector.broadcast %add3A_323 : i32 to vector<16xi32>
        %add3A_325 = arith.addi %add3A_321, %add3A_324 : vector<16xi32>
        %mul3A_326 = arith.mulf %sub3A_309, %sub3A_317 : vector<16xf32>
        tpu.vector_store_idx %arg7[%add3A_325], %mul3A_326 {add = true} : memref<65536xf32, #tpu.memory_space<vmem>>[vector<16xi32>], vector<16xf32>,
        %add3A_327 = arith.constant 256 : i32
        %add3A_328 = vector.broadcast %add3A_327 : i32 to vector<16xi32>
        %add3A_329 = arith.addi %add3A_321, %add3A_328 : vector<16xi32>
        %mul3A_330 = arith.mulf %sub3A_314, %sub3A_311 : vector<16xf32>
        tpu.vector_store_idx %arg7[%add3A_329], %mul3A_330 {add = true} : memref<65536xf32, #tpu.memory_space<vmem>>[vector<16xi32>], vector<16xf32>,
        %add3A_331 = arith.constant 256 : i32
        %add3A_332 = vector.broadcast %add3A_331 : i32 to vector<16xi32>
        %add3A_333 = arith.addi %add3A_321, %add3A_332 : vector<16xi32>
        %add3A_334 = arith.constant 1 : i32
        %add3A_335 = vector.broadcast %add3A_334 : i32 to vector<16xi32>
        %add3A_336 = arith.addi %add3A_333, %add3A_335 : vector<16xi32>
        %mul3A_337 = arith.mulf %sub3A_309, %sub3A_311 : vector<16xf32>
        tpu.vector_store_idx %arg7[%add3A_336], %mul3A_337 {add = true} : memref<65536xf32, #tpu.memory_space<vmem>>[vector<16xi32>], vector<16xf32>,
        %add3A_338 = arith.constant 112 : i32
        %add3A_339 = arith.addi %add3A_59, %add3A_338 : i32
        %get3A_340 = arith.index_cast %add3A_339 : i32 to index
        %get3A_341 = tpu.vector_load %arg5[%get3A_340] {strides = array<i32>} : memref<20000xf32, #tpu.memory_space<vmem>>, vector<16xf32>,
        %add3A_342 = arith.constant 112 : i32
        %add3A_343 = arith.addi %add3A_59, %add3A_342 : i32
        %get3A_344 = arith.index_cast %add3A_343 : i32 to index
        %get3A_345 = tpu.vector_load %arg6[%get3A_344] {strides = array<i32>} : memref<20000xf32, #tpu.memory_space<vmem>>, vector<16xf32>,
        %convert_element_type3A_346 = arith.fptosi %get3A_341 : vector<16xf32> to vector<16xi32>
        %convert_element_type3A_347 = arith.fptosi %get3A_345 : vector<16xf32> to vector<16xi32>
        %convert_element_type3A_348 = arith.sitofp %convert_element_type3A_346 : vector<16xi32> to vector<16xf32>
        %sub3A_349 = arith.subf %get3A_341, %convert_element_type3A_348 : vector<16xf32>
        %convert_element_type3A_350 = arith.sitofp %convert_element_type3A_347 : vector<16xi32> to vector<16xf32>
        %sub3A_351 = arith.subf %get3A_345, %convert_element_type3A_350 : vector<16xf32>
        %sub3A_352 = arith.constant 1.000000e+00 : f32
        %sub3A_353 = vector.broadcast %sub3A_352 : f32 to vector<16xf32>
        %sub3A_354 = arith.subf %sub3A_353, %sub3A_349 : vector<16xf32>
        %sub3A_355 = arith.constant 1.000000e+00 : f32
        %sub3A_356 = vector.broadcast %sub3A_355 : f32 to vector<16xf32>
        %sub3A_357 = arith.subf %sub3A_356, %sub3A_351 : vector<16xf32>
        %mul3A_358 = arith.constant 256 : i32
        %mul3A_359 = vector.broadcast %mul3A_358 : i32 to vector<16xi32>
        %mul3A_360 = arith.muli %convert_element_type3A_347, %mul3A_359 : vector<16xi32>
        %add3A_361 = arith.addi %mul3A_360, %convert_element_type3A_346 : vector<16xi32>
        %mul3A_362 = arith.mulf %sub3A_354, %sub3A_357 : vector<16xf32>
        tpu.vector_store_idx %arg7[%add3A_361], %mul3A_362 {add = true} : memref<65536xf32, #tpu.memory_space<vmem>>[vector<16xi32>], vector<16xf32>,
        %add3A_363 = arith.constant 1 : i32
        %add3A_364 = vector.broadcast %add3A_363 : i32 to vector<16xi32>
        %add3A_365 = arith.addi %add3A_361, %add3A_364 : vector<16xi32>
        %mul3A_366 = arith.mulf %sub3A_349, %sub3A_357 : vector<16xf32>
        tpu.vector_store_idx %arg7[%add3A_365], %mul3A_366 {add = true} : memref<65536xf32, #tpu.memory_space<vmem>>[vector<16xi32>], vector<16xf32>,
        %add3A_367 = arith.constant 256 : i32
        %add3A_368 = vector.broadcast %add3A_367 : i32 to vector<16xi32>
        %add3A_369 = arith.addi %add3A_361, %add3A_368 : vector<16xi32>
        %mul3A_370 = arith.mulf %sub3A_354, %sub3A_351 : vector<16xf32>
        tpu.vector_store_idx %arg7[%add3A_369], %mul3A_370 {add = true} : memref<65536xf32, #tpu.memory_space<vmem>>[vector<16xi32>], vector<16xf32>,
        %add3A_371 = arith.constant 256 : i32
        %add3A_372 = vector.broadcast %add3A_371 : i32 to vector<16xi32>
        %add3A_373 = arith.addi %add3A_361, %add3A_372 : vector<16xi32>
        %add3A_374 = arith.constant 1 : i32
        %add3A_375 = vector.broadcast %add3A_374 : i32 to vector<16xi32>
        %add3A_376 = arith.addi %add3A_373, %add3A_375 : vector<16xi32>
        %mul3A_377 = arith.mulf %sub3A_349, %sub3A_351 : vector<16xf32>
        tpu.vector_store_idx %arg7[%add3A_376], %mul3A_377 {add = true} : memref<65536xf32, #tpu.memory_space<vmem>>[vector<16xi32>], vector<16xf32>,
        %add3A_378 = arith.constant 128 : i32
        %add3A_379 = arith.addi %add3A_59, %add3A_378 : i32
        %get3A_380 = arith.index_cast %add3A_379 : i32 to index
        %get3A_381 = tpu.vector_load %arg5[%get3A_380] {strides = array<i32>} : memref<20000xf32, #tpu.memory_space<vmem>>, vector<16xf32>,
        %add3A_382 = arith.constant 128 : i32
        %add3A_383 = arith.addi %add3A_59, %add3A_382 : i32
        %get3A_384 = arith.index_cast %add3A_383 : i32 to index
        %get3A_385 = tpu.vector_load %arg6[%get3A_384] {strides = array<i32>} : memref<20000xf32, #tpu.memory_space<vmem>>, vector<16xf32>,
        %convert_element_type3A_386 = arith.fptosi %get3A_381 : vector<16xf32> to vector<16xi32>
        %convert_element_type3A_387 = arith.fptosi %get3A_385 : vector<16xf32> to vector<16xi32>
        %convert_element_type3A_388 = arith.sitofp %convert_element_type3A_386 : vector<16xi32> to vector<16xf32>
        %sub3A_389 = arith.subf %get3A_381, %convert_element_type3A_388 : vector<16xf32>
        %convert_element_type3A_390 = arith.sitofp %convert_element_type3A_387 : vector<16xi32> to vector<16xf32>
        %sub3A_391 = arith.subf %get3A_385, %convert_element_type3A_390 : vector<16xf32>
        %sub3A_392 = arith.constant 1.000000e+00 : f32
        %sub3A_393 = vector.broadcast %sub3A_392 : f32 to vector<16xf32>
        %sub3A_394 = arith.subf %sub3A_393, %sub3A_389 : vector<16xf32>
        %sub3A_395 = arith.constant 1.000000e+00 : f32
        %sub3A_396 = vector.broadcast %sub3A_395 : f32 to vector<16xf32>
        %sub3A_397 = arith.subf %sub3A_396, %sub3A_391 : vector<16xf32>
        %mul3A_398 = arith.constant 256 : i32
        %mul3A_399 = vector.broadcast %mul3A_398 : i32 to vector<16xi32>
        %mul3A_400 = arith.muli %convert_element_type3A_387, %mul3A_399 : vector<16xi32>
        %add3A_401 = arith.addi %mul3A_400, %convert_element_type3A_386 : vector<16xi32>
        %mul3A_402 = arith.mulf %sub3A_394, %sub3A_397 : vector<16xf32>
        tpu.vector_store_idx %arg7[%add3A_401], %mul3A_402 {add = true} : memref<65536xf32, #tpu.memory_space<vmem>>[vector<16xi32>], vector<16xf32>,
        %add3A_403 = arith.constant 1 : i32
        %add3A_404 = vector.broadcast %add3A_403 : i32 to vector<16xi32>
        %add3A_405 = arith.addi %add3A_401, %add3A_404 : vector<16xi32>
        %mul3A_406 = arith.mulf %sub3A_389, %sub3A_397 : vector<16xf32>
        tpu.vector_store_idx %arg7[%add3A_405], %mul3A_406 {add = true} : memref<65536xf32, #tpu.memory_space<vmem>>[vector<16xi32>], vector<16xf32>,
        %add3A_407 = arith.constant 256 : i32
        %add3A_408 = vector.broadcast %add3A_407 : i32 to vector<16xi32>
        %add3A_409 = arith.addi %add3A_401, %add3A_408 : vector<16xi32>
        %mul3A_410 = arith.mulf %sub3A_394, %sub3A_391 : vector<16xf32>
        tpu.vector_store_idx %arg7[%add3A_409], %mul3A_410 {add = true} : memref<65536xf32, #tpu.memory_space<vmem>>[vector<16xi32>], vector<16xf32>,
        %add3A_411 = arith.constant 256 : i32
        %add3A_412 = vector.broadcast %add3A_411 : i32 to vector<16xi32>
        %add3A_413 = arith.addi %add3A_401, %add3A_412 : vector<16xi32>
        %add3A_414 = arith.constant 1 : i32
        %add3A_415 = vector.broadcast %add3A_414 : i32 to vector<16xi32>
        %add3A_416 = arith.addi %add3A_413, %add3A_415 : vector<16xi32>
        %mul3A_417 = arith.mulf %sub3A_389, %sub3A_391 : vector<16xf32>
        tpu.vector_store_idx %arg7[%add3A_416], %mul3A_417 {add = true} : memref<65536xf32, #tpu.memory_space<vmem>>[vector<16xi32>], vector<16xf32>,
        %add3A_418 = arith.constant 144 : i32
        %add3A_419 = arith.addi %add3A_59, %add3A_418 : i32
        %get3A_420 = arith.index_cast %add3A_419 : i32 to index
        %get3A_421 = tpu.vector_load %arg5[%get3A_420] {strides = array<i32>} : memref<20000xf32, #tpu.memory_space<vmem>>, vector<16xf32>,
        %add3A_422 = arith.constant 144 : i32
        %add3A_423 = arith.addi %add3A_59, %add3A_422 : i32
        %get3A_424 = arith.index_cast %add3A_423 : i32 to index
        %get3A_425 = tpu.vector_load %arg6[%get3A_424] {strides = array<i32>} : memref<20000xf32, #tpu.memory_space<vmem>>, vector<16xf32>,
        %convert_element_type3A_426 = arith.fptosi %get3A_421 : vector<16xf32> to vector<16xi32>
        %convert_element_type3A_427 = arith.fptosi %get3A_425 : vector<16xf32> to vector<16xi32>
        %convert_element_type3A_428 = arith.sitofp %convert_element_type3A_426 : vector<16xi32> to vector<16xf32>
        %sub3A_429 = arith.subf %get3A_421, %convert_element_type3A_428 : vector<16xf32>
        %convert_element_type3A_430 = arith.sitofp %convert_element_type3A_427 : vector<16xi32> to vector<16xf32>
        %sub3A_431 = arith.subf %get3A_425, %convert_element_type3A_430 : vector<16xf32>
        %sub3A_432 = arith.constant 1.000000e+00 : f32
        %sub3A_433 = vector.broadcast %sub3A_432 : f32 to vector<16xf32>
        %sub3A_434 = arith.subf %sub3A_433, %sub3A_429 : vector<16xf32>
        %sub3A_435 = arith.constant 1.000000e+00 : f32
        %sub3A_436 = vector.broadcast %sub3A_435 : f32 to vector<16xf32>
        %sub3A_437 = arith.subf %sub3A_436, %sub3A_431 : vector<16xf32>
        %mul3A_438 = arith.constant 256 : i32
        %mul3A_439 = vector.broadcast %mul3A_438 : i32 to vector<16xi32>
        %mul3A_440 = arith.muli %convert_element_type3A_427, %mul3A_439 : vector<16xi32>
        %add3A_441 = arith.addi %mul3A_440, %convert_element_type3A_426 : vector<16xi32>
        %mul3A_442 = arith.mulf %sub3A_434, %sub3A_437 : vector<16xf32>
        tpu.vector_store_idx %arg7[%add3A_441], %mul3A_442 {add = true} : memref<65536xf32, #tpu.memory_space<vmem>>[vector<16xi32>], vector<16xf32>,
        %add3A_443 = arith.constant 1 : i32
        %add3A_444 = vector.broadcast %add3A_443 : i32 to vector<16xi32>
        %add3A_445 = arith.addi %add3A_441, %add3A_444 : vector<16xi32>
        %mul3A_446 = arith.mulf %sub3A_429, %sub3A_437 : vector<16xf32>
        tpu.vector_store_idx %arg7[%add3A_445], %mul3A_446 {add = true} : memref<65536xf32, #tpu.memory_space<vmem>>[vector<16xi32>], vector<16xf32>,
        %add3A_447 = arith.constant 256 : i32
        %add3A_448 = vector.broadcast %add3A_447 : i32 to vector<16xi32>
        %add3A_449 = arith.addi %add3A_441, %add3A_448 : vector<16xi32>
        %mul3A_450 = arith.mulf %sub3A_434, %sub3A_431 : vector<16xf32>
        tpu.vector_store_idx %arg7[%add3A_449], %mul3A_450 {add = true} : memref<65536xf32, #tpu.memory_space<vmem>>[vector<16xi32>], vector<16xf32>,
        %add3A_451 = arith.constant 256 : i32
        %add3A_452 = vector.broadcast %add3A_451 : i32 to vector<16xi32>
        %add3A_453 = arith.addi %add3A_441, %add3A_452 : vector<16xi32>
        %add3A_454 = arith.constant 1 : i32
        %add3A_455 = vector.broadcast %add3A_454 : i32 to vector<16xi32>
        %add3A_456 = arith.addi %add3A_453, %add3A_455 : vector<16xi32>
        %mul3A_457 = arith.mulf %sub3A_429, %sub3A_431 : vector<16xf32>
        tpu.vector_store_idx %arg7[%add3A_456], %mul3A_457 {add = true} : memref<65536xf32, #tpu.memory_space<vmem>>[vector<16xi32>], vector<16xf32>,
        %add3A_458 = arith.constant 160 : i32
        %add3A_459 = arith.addi %add3A_59, %add3A_458 : i32
        %get3A_460 = arith.index_cast %add3A_459 : i32 to index
        %get3A_461 = tpu.vector_load %arg5[%get3A_460] {strides = array<i32>} : memref<20000xf32, #tpu.memory_space<vmem>>, vector<16xf32>,
        %add3A_462 = arith.constant 160 : i32
        %add3A_463 = arith.addi %add3A_59, %add3A_462 : i32
        %get3A_464 = arith.index_cast %add3A_463 : i32 to index
        %get3A_465 = tpu.vector_load %arg6[%get3A_464] {strides = array<i32>} : memref<20000xf32, #tpu.memory_space<vmem>>, vector<16xf32>,
        %convert_element_type3A_466 = arith.fptosi %get3A_461 : vector<16xf32> to vector<16xi32>
        %convert_element_type3A_467 = arith.fptosi %get3A_465 : vector<16xf32> to vector<16xi32>
        %convert_element_type3A_468 = arith.sitofp %convert_element_type3A_466 : vector<16xi32> to vector<16xf32>
        %sub3A_469 = arith.subf %get3A_461, %convert_element_type3A_468 : vector<16xf32>
        %convert_element_type3A_470 = arith.sitofp %convert_element_type3A_467 : vector<16xi32> to vector<16xf32>
        %sub3A_471 = arith.subf %get3A_465, %convert_element_type3A_470 : vector<16xf32>
        %sub3A_472 = arith.constant 1.000000e+00 : f32
        %sub3A_473 = vector.broadcast %sub3A_472 : f32 to vector<16xf32>
        %sub3A_474 = arith.subf %sub3A_473, %sub3A_469 : vector<16xf32>
        %sub3A_475 = arith.constant 1.000000e+00 : f32
        %sub3A_476 = vector.broadcast %sub3A_475 : f32 to vector<16xf32>
        %sub3A_477 = arith.subf %sub3A_476, %sub3A_471 : vector<16xf32>
        %mul3A_478 = arith.constant 256 : i32
        %mul3A_479 = vector.broadcast %mul3A_478 : i32 to vector<16xi32>
        %mul3A_480 = arith.muli %convert_element_type3A_467, %mul3A_479 : vector<16xi32>
        %add3A_481 = arith.addi %mul3A_480, %convert_element_type3A_466 : vector<16xi32>
        %mul3A_482 = arith.mulf %sub3A_474, %sub3A_477 : vector<16xf32>
        tpu.vector_store_idx %arg7[%add3A_481], %mul3A_482 {add = true} : memref<65536xf32, #tpu.memory_space<vmem>>[vector<16xi32>], vector<16xf32>,
        %add3A_483 = arith.constant 1 : i32
        %add3A_484 = vector.broadcast %add3A_483 : i32 to vector<16xi32>
        %add3A_485 = arith.addi %add3A_481, %add3A_484 : vector<16xi32>
        %mul3A_486 = arith.mulf %sub3A_469, %sub3A_477 : vector<16xf32>
        tpu.vector_store_idx %arg7[%add3A_485], %mul3A_486 {add = true} : memref<65536xf32, #tpu.memory_space<vmem>>[vector<16xi32>], vector<16xf32>,
        %add3A_487 = arith.constant 256 : i32
        %add3A_488 = vector.broadcast %add3A_487 : i32 to vector<16xi32>
        %add3A_489 = arith.addi %add3A_481, %add3A_488 : vector<16xi32>
        %mul3A_490 = arith.mulf %sub3A_474, %sub3A_471 : vector<16xf32>
        tpu.vector_store_idx %arg7[%add3A_489], %mul3A_490 {add = true} : memref<65536xf32, #tpu.memory_space<vmem>>[vector<16xi32>], vector<16xf32>,
        %add3A_491 = arith.constant 256 : i32
        %add3A_492 = vector.broadcast %add3A_491 : i32 to vector<16xi32>
        %add3A_493 = arith.addi %add3A_481, %add3A_492 : vector<16xi32>
        %add3A_494 = arith.constant 1 : i32
        %add3A_495 = vector.broadcast %add3A_494 : i32 to vector<16xi32>
        %add3A_496 = arith.addi %add3A_493, %add3A_495 : vector<16xi32>
        %mul3A_497 = arith.mulf %sub3A_469, %sub3A_471 : vector<16xf32>
        tpu.vector_store_idx %arg7[%add3A_496], %mul3A_497 {add = true} : memref<65536xf32, #tpu.memory_space<vmem>>[vector<16xi32>], vector<16xf32>,
        %add3A_498 = arith.constant 176 : i32
        %add3A_499 = arith.addi %add3A_59, %add3A_498 : i32
        %get3A_500 = arith.index_cast %add3A_499 : i32 to index
        %get3A_501 = tpu.vector_load %arg5[%get3A_500] {strides = array<i32>} : memref<20000xf32, #tpu.memory_space<vmem>>, vector<16xf32>,
        %add3A_502 = arith.constant 176 : i32
        %add3A_503 = arith.addi %add3A_59, %add3A_502 : i32
        %get3A_504 = arith.index_cast %add3A_503 : i32 to index
        %get3A_505 = tpu.vector_load %arg6[%get3A_504] {strides = array<i32>} : memref<20000xf32, #tpu.memory_space<vmem>>, vector<16xf32>,
        %convert_element_type3A_506 = arith.fptosi %get3A_501 : vector<16xf32> to vector<16xi32>
        %convert_element_type3A_507 = arith.fptosi %get3A_505 : vector<16xf32> to vector<16xi32>
        %convert_element_type3A_508 = arith.sitofp %convert_element_type3A_506 : vector<16xi32> to vector<16xf32>
        %sub3A_509 = arith.subf %get3A_501, %convert_element_type3A_508 : vector<16xf32>
        %convert_element_type3A_510 = arith.sitofp %convert_element_type3A_507 : vector<16xi32> to vector<16xf32>
        %sub3A_511 = arith.subf %get3A_505, %convert_element_type3A_510 : vector<16xf32>
        %sub3A_512 = arith.constant 1.000000e+00 : f32
        %sub3A_513 = vector.broadcast %sub3A_512 : f32 to vector<16xf32>
        %sub3A_514 = arith.subf %sub3A_513, %sub3A_509 : vector<16xf32>
        %sub3A_515 = arith.constant 1.000000e+00 : f32
        %sub3A_516 = vector.broadcast %sub3A_515 : f32 to vector<16xf32>
        %sub3A_517 = arith.subf %sub3A_516, %sub3A_511 : vector<16xf32>
        %mul3A_518 = arith.constant 256 : i32
        %mul3A_519 = vector.broadcast %mul3A_518 : i32 to vector<16xi32>
        %mul3A_520 = arith.muli %convert_element_type3A_507, %mul3A_519 : vector<16xi32>
        %add3A_521 = arith.addi %mul3A_520, %convert_element_type3A_506 : vector<16xi32>
        %mul3A_522 = arith.mulf %sub3A_514, %sub3A_517 : vector<16xf32>
        tpu.vector_store_idx %arg7[%add3A_521], %mul3A_522 {add = true} : memref<65536xf32, #tpu.memory_space<vmem>>[vector<16xi32>], vector<16xf32>,
        %add3A_523 = arith.constant 1 : i32
        %add3A_524 = vector.broadcast %add3A_523 : i32 to vector<16xi32>
        %add3A_525 = arith.addi %add3A_521, %add3A_524 : vector<16xi32>
        %mul3A_526 = arith.mulf %sub3A_509, %sub3A_517 : vector<16xf32>
        tpu.vector_store_idx %arg7[%add3A_525], %mul3A_526 {add = true} : memref<65536xf32, #tpu.memory_space<vmem>>[vector<16xi32>], vector<16xf32>,
        %add3A_527 = arith.constant 256 : i32
        %add3A_528 = vector.broadcast %add3A_527 : i32 to vector<16xi32>
        %add3A_529 = arith.addi %add3A_521, %add3A_528 : vector<16xi32>
        %mul3A_530 = arith.mulf %sub3A_514, %sub3A_511 : vector<16xf32>
        tpu.vector_store_idx %arg7[%add3A_529], %mul3A_530 {add = true} : memref<65536xf32, #tpu.memory_space<vmem>>[vector<16xi32>], vector<16xf32>,
        %add3A_531 = arith.constant 256 : i32
        %add3A_532 = vector.broadcast %add3A_531 : i32 to vector<16xi32>
        %add3A_533 = arith.addi %add3A_521, %add3A_532 : vector<16xi32>
        %add3A_534 = arith.constant 1 : i32
        %add3A_535 = vector.broadcast %add3A_534 : i32 to vector<16xi32>
        %add3A_536 = arith.addi %add3A_533, %add3A_535 : vector<16xi32>
        %mul3A_537 = arith.mulf %sub3A_509, %sub3A_511 : vector<16xf32>
        tpu.vector_store_idx %arg7[%add3A_536], %mul3A_537 {add = true} : memref<65536xf32, #tpu.memory_space<vmem>>[vector<16xi32>], vector<16xf32>,
        %add3A_538 = arith.constant 192 : i32
        %add3A_539 = arith.addi %add3A_59, %add3A_538 : i32
        %get3A_540 = arith.index_cast %add3A_539 : i32 to index
        %get3A_541 = tpu.vector_load %arg5[%get3A_540] {strides = array<i32>} : memref<20000xf32, #tpu.memory_space<vmem>>, vector<16xf32>,
        %add3A_542 = arith.constant 192 : i32
        %add3A_543 = arith.addi %add3A_59, %add3A_542 : i32
        %get3A_544 = arith.index_cast %add3A_543 : i32 to index
        %get3A_545 = tpu.vector_load %arg6[%get3A_544] {strides = array<i32>} : memref<20000xf32, #tpu.memory_space<vmem>>, vector<16xf32>,
        %convert_element_type3A_546 = arith.fptosi %get3A_541 : vector<16xf32> to vector<16xi32>
        %convert_element_type3A_547 = arith.fptosi %get3A_545 : vector<16xf32> to vector<16xi32>
        %convert_element_type3A_548 = arith.sitofp %convert_element_type3A_546 : vector<16xi32> to vector<16xf32>
        %sub3A_549 = arith.subf %get3A_541, %convert_element_type3A_548 : vector<16xf32>
        %convert_element_type3A_550 = arith.sitofp %convert_element_type3A_547 : vector<16xi32> to vector<16xf32>
        %sub3A_551 = arith.subf %get3A_545, %convert_element_type3A_550 : vector<16xf32>
        %sub3A_552 = arith.constant 1.000000e+00 : f32
        %sub3A_553 = vector.broadcast %sub3A_552 : f32 to vector<16xf32>
        %sub3A_554 = arith.subf %sub3A_553, %sub3A_549 : vector<16xf32>
        %sub3A_555 = arith.constant 1.000000e+00 : f32
        %sub3A_556 = vector.broadcast %sub3A_555 : f32 to vector<16xf32>
        %sub3A_557 = arith.subf %sub3A_556, %sub3A_551 : vector<16xf32>
        %mul3A_558 = arith.constant 256 : i32
        %mul3A_559 = vector.broadcast %mul3A_558 : i32 to vector<16xi32>
        %mul3A_560 = arith.muli %convert_element_type3A_547, %mul3A_559 : vector<16xi32>
        %add3A_561 = arith.addi %mul3A_560, %convert_element_type3A_546 : vector<16xi32>
        %mul3A_562 = arith.mulf %sub3A_554, %sub3A_557 : vector<16xf32>
        tpu.vector_store_idx %arg7[%add3A_561], %mul3A_562 {add = true} : memref<65536xf32, #tpu.memory_space<vmem>>[vector<16xi32>], vector<16xf32>,
        %add3A_563 = arith.constant 1 : i32
        %add3A_564 = vector.broadcast %add3A_563 : i32 to vector<16xi32>
        %add3A_565 = arith.addi %add3A_561, %add3A_564 : vector<16xi32>
        %mul3A_566 = arith.mulf %sub3A_549, %sub3A_557 : vector<16xf32>
        tpu.vector_store_idx %arg7[%add3A_565], %mul3A_566 {add = true} : memref<65536xf32, #tpu.memory_space<vmem>>[vector<16xi32>], vector<16xf32>,
        %add3A_567 = arith.constant 256 : i32
        %add3A_568 = vector.broadcast %add3A_567 : i32 to vector<16xi32>
        %add3A_569 = arith.addi %add3A_561, %add3A_568 : vector<16xi32>
        %mul3A_570 = arith.mulf %sub3A_554, %sub3A_551 : vector<16xf32>
        tpu.vector_store_idx %arg7[%add3A_569], %mul3A_570 {add = true} : memref<65536xf32, #tpu.memory_space<vmem>>[vector<16xi32>], vector<16xf32>,
        %add3A_571 = arith.constant 256 : i32
        %add3A_572 = vector.broadcast %add3A_571 : i32 to vector<16xi32>
        %add3A_573 = arith.addi %add3A_561, %add3A_572 : vector<16xi32>
        %add3A_574 = arith.constant 1 : i32
        %add3A_575 = vector.broadcast %add3A_574 : i32 to vector<16xi32>
        %add3A_576 = arith.addi %add3A_573, %add3A_575 : vector<16xi32>
        %mul3A_577 = arith.mulf %sub3A_549, %sub3A_551 : vector<16xf32>
        tpu.vector_store_idx %arg7[%add3A_576], %mul3A_577 {add = true} : memref<65536xf32, #tpu.memory_space<vmem>>[vector<16xi32>], vector<16xf32>,
        %add3A_578 = arith.constant 208 : i32
        %add3A_579 = arith.addi %add3A_59, %add3A_578 : i32
        %get3A_580 = arith.index_cast %add3A_579 : i32 to index
        %get3A_581 = tpu.vector_load %arg5[%get3A_580] {strides = array<i32>} : memref<20000xf32, #tpu.memory_space<vmem>>, vector<16xf32>,
        %add3A_582 = arith.constant 208 : i32
        %add3A_583 = arith.addi %add3A_59, %add3A_582 : i32
        %get3A_584 = arith.index_cast %add3A_583 : i32 to index
        %get3A_585 = tpu.vector_load %arg6[%get3A_584] {strides = array<i32>} : memref<20000xf32, #tpu.memory_space<vmem>>, vector<16xf32>,
        %convert_element_type3A_586 = arith.fptosi %get3A_581 : vector<16xf32> to vector<16xi32>
        %convert_element_type3A_587 = arith.fptosi %get3A_585 : vector<16xf32> to vector<16xi32>
        %convert_element_type3A_588 = arith.sitofp %convert_element_type3A_586 : vector<16xi32> to vector<16xf32>
        %sub3A_589 = arith.subf %get3A_581, %convert_element_type3A_588 : vector<16xf32>
        %convert_element_type3A_590 = arith.sitofp %convert_element_type3A_587 : vector<16xi32> to vector<16xf32>
        %sub3A_591 = arith.subf %get3A_585, %convert_element_type3A_590 : vector<16xf32>
        %sub3A_592 = arith.constant 1.000000e+00 : f32
        %sub3A_593 = vector.broadcast %sub3A_592 : f32 to vector<16xf32>
        %sub3A_594 = arith.subf %sub3A_593, %sub3A_589 : vector<16xf32>
        %sub3A_595 = arith.constant 1.000000e+00 : f32
        %sub3A_596 = vector.broadcast %sub3A_595 : f32 to vector<16xf32>
        %sub3A_597 = arith.subf %sub3A_596, %sub3A_591 : vector<16xf32>
        %mul3A_598 = arith.constant 256 : i32
        %mul3A_599 = vector.broadcast %mul3A_598 : i32 to vector<16xi32>
        %mul3A_600 = arith.muli %convert_element_type3A_587, %mul3A_599 : vector<16xi32>
        %add3A_601 = arith.addi %mul3A_600, %convert_element_type3A_586 : vector<16xi32>
        %mul3A_602 = arith.mulf %sub3A_594, %sub3A_597 : vector<16xf32>
        tpu.vector_store_idx %arg7[%add3A_601], %mul3A_602 {add = true} : memref<65536xf32, #tpu.memory_space<vmem>>[vector<16xi32>], vector<16xf32>,
        %add3A_603 = arith.constant 1 : i32
        %add3A_604 = vector.broadcast %add3A_603 : i32 to vector<16xi32>
        %add3A_605 = arith.addi %add3A_601, %add3A_604 : vector<16xi32>
        %mul3A_606 = arith.mulf %sub3A_589, %sub3A_597 : vector<16xf32>
        tpu.vector_store_idx %arg7[%add3A_605], %mul3A_606 {add = true} : memref<65536xf32, #tpu.memory_space<vmem>>[vector<16xi32>], vector<16xf32>,
        %add3A_607 = arith.constant 256 : i32
        %add3A_608 = vector.broadcast %add3A_607 : i32 to vector<16xi32>
        %add3A_609 = arith.addi %add3A_601, %add3A_608 : vector<16xi32>
        %mul3A_610 = arith.mulf %sub3A_594, %sub3A_591 : vector<16xf32>
        tpu.vector_store_idx %arg7[%add3A_609], %mul3A_610 {add = true} : memref<65536xf32, #tpu.memory_space<vmem>>[vector<16xi32>], vector<16xf32>,
        %add3A_611 = arith.constant 256 : i32
        %add3A_612 = vector.broadcast %add3A_611 : i32 to vector<16xi32>
        %add3A_613 = arith.addi %add3A_601, %add3A_612 : vector<16xi32>
        %add3A_614 = arith.constant 1 : i32
        %add3A_615 = vector.broadcast %add3A_614 : i32 to vector<16xi32>
        %add3A_616 = arith.addi %add3A_613, %add3A_615 : vector<16xi32>
        %mul3A_617 = arith.mulf %sub3A_589, %sub3A_591 : vector<16xf32>
        tpu.vector_store_idx %arg7[%add3A_616], %mul3A_617 {add = true} : memref<65536xf32, #tpu.memory_space<vmem>>[vector<16xi32>], vector<16xf32>,
        %add3A_618 = arith.constant 224 : i32
        %add3A_619 = arith.addi %add3A_59, %add3A_618 : i32
        %get3A_620 = arith.index_cast %add3A_619 : i32 to index
        %get3A_621 = tpu.vector_load %arg5[%get3A_620] {strides = array<i32>} : memref<20000xf32, #tpu.memory_space<vmem>>, vector<16xf32>,
        %add3A_622 = arith.constant 224 : i32
        %add3A_623 = arith.addi %add3A_59, %add3A_622 : i32
        %get3A_624 = arith.index_cast %add3A_623 : i32 to index
        %get3A_625 = tpu.vector_load %arg6[%get3A_624] {strides = array<i32>} : memref<20000xf32, #tpu.memory_space<vmem>>, vector<16xf32>,
        %convert_element_type3A_626 = arith.fptosi %get3A_621 : vector<16xf32> to vector<16xi32>
        %convert_element_type3A_627 = arith.fptosi %get3A_625 : vector<16xf32> to vector<16xi32>
        %convert_element_type3A_628 = arith.sitofp %convert_element_type3A_626 : vector<16xi32> to vector<16xf32>
        %sub3A_629 = arith.subf %get3A_621, %convert_element_type3A_628 : vector<16xf32>
        %convert_element_type3A_630 = arith.sitofp %convert_element_type3A_627 : vector<16xi32> to vector<16xf32>
        %sub3A_631 = arith.subf %get3A_625, %convert_element_type3A_630 : vector<16xf32>
        %sub3A_632 = arith.constant 1.000000e+00 : f32
        %sub3A_633 = vector.broadcast %sub3A_632 : f32 to vector<16xf32>
        %sub3A_634 = arith.subf %sub3A_633, %sub3A_629 : vector<16xf32>
        %sub3A_635 = arith.constant 1.000000e+00 : f32
        %sub3A_636 = vector.broadcast %sub3A_635 : f32 to vector<16xf32>
        %sub3A_637 = arith.subf %sub3A_636, %sub3A_631 : vector<16xf32>
        %mul3A_638 = arith.constant 256 : i32
        %mul3A_639 = vector.broadcast %mul3A_638 : i32 to vector<16xi32>
        %mul3A_640 = arith.muli %convert_element_type3A_627, %mul3A_639 : vector<16xi32>
        %add3A_641 = arith.addi %mul3A_640, %convert_element_type3A_626 : vector<16xi32>
        %mul3A_642 = arith.mulf %sub3A_634, %sub3A_637 : vector<16xf32>
        tpu.vector_store_idx %arg7[%add3A_641], %mul3A_642 {add = true} : memref<65536xf32, #tpu.memory_space<vmem>>[vector<16xi32>], vector<16xf32>,
        %add3A_643 = arith.constant 1 : i32
        %add3A_644 = vector.broadcast %add3A_643 : i32 to vector<16xi32>
        %add3A_645 = arith.addi %add3A_641, %add3A_644 : vector<16xi32>
        %mul3A_646 = arith.mulf %sub3A_629, %sub3A_637 : vector<16xf32>
        tpu.vector_store_idx %arg7[%add3A_645], %mul3A_646 {add = true} : memref<65536xf32, #tpu.memory_space<vmem>>[vector<16xi32>], vector<16xf32>,
        %add3A_647 = arith.constant 256 : i32
        %add3A_648 = vector.broadcast %add3A_647 : i32 to vector<16xi32>
        %add3A_649 = arith.addi %add3A_641, %add3A_648 : vector<16xi32>
        %mul3A_650 = arith.mulf %sub3A_634, %sub3A_631 : vector<16xf32>
        tpu.vector_store_idx %arg7[%add3A_649], %mul3A_650 {add = true} : memref<65536xf32, #tpu.memory_space<vmem>>[vector<16xi32>], vector<16xf32>,
        %add3A_651 = arith.constant 256 : i32
        %add3A_652 = vector.broadcast %add3A_651 : i32 to vector<16xi32>
        %add3A_653 = arith.addi %add3A_641, %add3A_652 : vector<16xi32>
        %add3A_654 = arith.constant 1 : i32
        %add3A_655 = vector.broadcast %add3A_654 : i32 to vector<16xi32>
        %add3A_656 = arith.addi %add3A_653, %add3A_655 : vector<16xi32>
        %mul3A_657 = arith.mulf %sub3A_629, %sub3A_631 : vector<16xf32>
        tpu.vector_store_idx %arg7[%add3A_656], %mul3A_657 {add = true} : memref<65536xf32, #tpu.memory_space<vmem>>[vector<16xi32>], vector<16xf32>,
        %add3A_658 = arith.constant 240 : i32
        %add3A_659 = arith.addi %add3A_59, %add3A_658 : i32
        %get3A_660 = arith.index_cast %add3A_659 : i32 to index
        %get3A_661 = tpu.vector_load %arg5[%get3A_660] {strides = array<i32>} : memref<20000xf32, #tpu.memory_space<vmem>>, vector<16xf32>,
        %add3A_662 = arith.constant 240 : i32
        %add3A_663 = arith.addi %add3A_59, %add3A_662 : i32
        %get3A_664 = arith.index_cast %add3A_663 : i32 to index
        %get3A_665 = tpu.vector_load %arg6[%get3A_664] {strides = array<i32>} : memref<20000xf32, #tpu.memory_space<vmem>>, vector<16xf32>,
        %convert_element_type3A_666 = arith.fptosi %get3A_661 : vector<16xf32> to vector<16xi32>
        %convert_element_type3A_667 = arith.fptosi %get3A_665 : vector<16xf32> to vector<16xi32>
        %convert_element_type3A_668 = arith.sitofp %convert_element_type3A_666 : vector<16xi32> to vector<16xf32>
        %sub3A_669 = arith.subf %get3A_661, %convert_element_type3A_668 : vector<16xf32>
        %convert_element_type3A_670 = arith.sitofp %convert_element_type3A_667 : vector<16xi32> to vector<16xf32>
        %sub3A_671 = arith.subf %get3A_665, %convert_element_type3A_670 : vector<16xf32>
        %sub3A_672 = arith.constant 1.000000e+00 : f32
        %sub3A_673 = vector.broadcast %sub3A_672 : f32 to vector<16xf32>
        %sub3A_674 = arith.subf %sub3A_673, %sub3A_669 : vector<16xf32>
        %sub3A_675 = arith.constant 1.000000e+00 : f32
        %sub3A_676 = vector.broadcast %sub3A_675 : f32 to vector<16xf32>
        %sub3A_677 = arith.subf %sub3A_676, %sub3A_671 : vector<16xf32>
        %mul3A_678 = arith.constant 256 : i32
        %mul3A_679 = vector.broadcast %mul3A_678 : i32 to vector<16xi32>
        %mul3A_680 = arith.muli %convert_element_type3A_667, %mul3A_679 : vector<16xi32>
        %add3A_681 = arith.addi %mul3A_680, %convert_element_type3A_666 : vector<16xi32>
        %mul3A_682 = arith.mulf %sub3A_674, %sub3A_677 : vector<16xf32>
        tpu.vector_store_idx %arg7[%add3A_681], %mul3A_682 {add = true} : memref<65536xf32, #tpu.memory_space<vmem>>[vector<16xi32>], vector<16xf32>,
        %add3A_683 = arith.constant 1 : i32
        %add3A_684 = vector.broadcast %add3A_683 : i32 to vector<16xi32>
        %add3A_685 = arith.addi %add3A_681, %add3A_684 : vector<16xi32>
        %mul3A_686 = arith.mulf %sub3A_669, %sub3A_677 : vector<16xf32>
        tpu.vector_store_idx %arg7[%add3A_685], %mul3A_686 {add = true} : memref<65536xf32, #tpu.memory_space<vmem>>[vector<16xi32>], vector<16xf32>,
        %add3A_687 = arith.constant 256 : i32
        %add3A_688 = vector.broadcast %add3A_687 : i32 to vector<16xi32>
        %add3A_689 = arith.addi %add3A_681, %add3A_688 : vector<16xi32>
        %mul3A_690 = arith.mulf %sub3A_674, %sub3A_671 : vector<16xf32>
        tpu.vector_store_idx %arg7[%add3A_689], %mul3A_690 {add = true} : memref<65536xf32, #tpu.memory_space<vmem>>[vector<16xi32>], vector<16xf32>,
        %add3A_691 = arith.constant 256 : i32
        %add3A_692 = vector.broadcast %add3A_691 : i32 to vector<16xi32>
        %add3A_693 = arith.addi %add3A_681, %add3A_692 : vector<16xi32>
        %add3A_694 = arith.constant 1 : i32
        %add3A_695 = vector.broadcast %add3A_694 : i32 to vector<16xi32>
        %add3A_696 = arith.addi %add3A_693, %add3A_695 : vector<16xi32>
        %mul3A_697 = arith.mulf %sub3A_669, %sub3A_671 : vector<16xf32>
        tpu.vector_store_idx %arg7[%add3A_696], %mul3A_697 {add = true} : memref<65536xf32, #tpu.memory_space<vmem>>[vector<16xi32>], vector<16xf32>,
        %add3A_698 = arith.constant 256 : i32
        %add3A_699 = arith.addi %add3A_59, %add3A_698 : i32
        %get3A_700 = arith.index_cast %add3A_699 : i32 to index
        %get3A_701 = tpu.vector_load %arg5[%get3A_700] {strides = array<i32>} : memref<20000xf32, #tpu.memory_space<vmem>>, vector<16xf32>,
        %add3A_702 = arith.constant 256 : i32
        %add3A_703 = arith.addi %add3A_59, %add3A_702 : i32
        %get3A_704 = arith.index_cast %add3A_703 : i32 to index
        %get3A_705 = tpu.vector_load %arg6[%get3A_704] {strides = array<i32>} : memref<20000xf32, #tpu.memory_space<vmem>>, vector<16xf32>,
        %convert_element_type3A_706 = arith.fptosi %get3A_701 : vector<16xf32> to vector<16xi32>
        %convert_element_type3A_707 = arith.fptosi %get3A_705 : vector<16xf32> to vector<16xi32>
        %convert_element_type3A_708 = arith.sitofp %convert_element_type3A_706 : vector<16xi32> to vector<16xf32>
        %sub3A_709 = arith.subf %get3A_701, %convert_element_type3A_708 : vector<16xf32>
        %convert_element_type3A_710 = arith.sitofp %convert_element_type3A_707 : vector<16xi32> to vector<16xf32>
        %sub3A_711 = arith.subf %get3A_705, %convert_element_type3A_710 : vector<16xf32>
        %sub3A_712 = arith.constant 1.000000e+00 : f32
        %sub3A_713 = vector.broadcast %sub3A_712 : f32 to vector<16xf32>
        %sub3A_714 = arith.subf %sub3A_713, %sub3A_709 : vector<16xf32>
        %sub3A_715 = arith.constant 1.000000e+00 : f32
        %sub3A_716 = vector.broadcast %sub3A_715 : f32 to vector<16xf32>
        %sub3A_717 = arith.subf %sub3A_716, %sub3A_711 : vector<16xf32>
        %mul3A_718 = arith.constant 256 : i32
        %mul3A_719 = vector.broadcast %mul3A_718 : i32 to vector<16xi32>
        %mul3A_720 = arith.muli %convert_element_type3A_707, %mul3A_719 : vector<16xi32>
        %add3A_721 = arith.addi %mul3A_720, %convert_element_type3A_706 : vector<16xi32>
        %mul3A_722 = arith.mulf %sub3A_714, %sub3A_717 : vector<16xf32>
        tpu.vector_store_idx %arg7[%add3A_721], %mul3A_722 {add = true} : memref<65536xf32, #tpu.memory_space<vmem>>[vector<16xi32>], vector<16xf32>,
        %add3A_723 = arith.constant 1 : i32
        %add3A_724 = vector.broadcast %add3A_723 : i32 to vector<16xi32>
        %add3A_725 = arith.addi %add3A_721, %add3A_724 : vector<16xi32>
        %mul3A_726 = arith.mulf %sub3A_709, %sub3A_717 : vector<16xf32>
        tpu.vector_store_idx %arg7[%add3A_725], %mul3A_726 {add = true} : memref<65536xf32, #tpu.memory_space<vmem>>[vector<16xi32>], vector<16xf32>,
        %add3A_727 = arith.constant 256 : i32
        %add3A_728 = vector.broadcast %add3A_727 : i32 to vector<16xi32>
        %add3A_729 = arith.addi %add3A_721, %add3A_728 : vector<16xi32>
        %mul3A_730 = arith.mulf %sub3A_714, %sub3A_711 : vector<16xf32>
        tpu.vector_store_idx %arg7[%add3A_729], %mul3A_730 {add = true} : memref<65536xf32, #tpu.memory_space<vmem>>[vector<16xi32>], vector<16xf32>,
        %add3A_731 = arith.constant 256 : i32
        %add3A_732 = vector.broadcast %add3A_731 : i32 to vector<16xi32>
        %add3A_733 = arith.addi %add3A_721, %add3A_732 : vector<16xi32>
        %add3A_734 = arith.constant 1 : i32
        %add3A_735 = vector.broadcast %add3A_734 : i32 to vector<16xi32>
        %add3A_736 = arith.addi %add3A_733, %add3A_735 : vector<16xi32>
        %mul3A_737 = arith.mulf %sub3A_709, %sub3A_711 : vector<16xf32>
        tpu.vector_store_idx %arg7[%add3A_736], %mul3A_737 {add = true} : memref<65536xf32, #tpu.memory_space<vmem>>[vector<16xi32>], vector<16xf32>,
        %add3A_738 = arith.constant 272 : i32
        %add3A_739 = arith.addi %add3A_59, %add3A_738 : i32
        %get3A_740 = arith.index_cast %add3A_739 : i32 to index
        %get3A_741 = tpu.vector_load %arg5[%get3A_740] {strides = array<i32>} : memref<20000xf32, #tpu.memory_space<vmem>>, vector<16xf32>,
        %add3A_742 = arith.constant 272 : i32
        %add3A_743 = arith.addi %add3A_59, %add3A_742 : i32
        %get3A_744 = arith.index_cast %add3A_743 : i32 to index
        %get3A_745 = tpu.vector_load %arg6[%get3A_744] {strides = array<i32>} : memref<20000xf32, #tpu.memory_space<vmem>>, vector<16xf32>,
        %convert_element_type3A_746 = arith.fptosi %get3A_741 : vector<16xf32> to vector<16xi32>
        %convert_element_type3A_747 = arith.fptosi %get3A_745 : vector<16xf32> to vector<16xi32>
        %convert_element_type3A_748 = arith.sitofp %convert_element_type3A_746 : vector<16xi32> to vector<16xf32>
        %sub3A_749 = arith.subf %get3A_741, %convert_element_type3A_748 : vector<16xf32>
        %convert_element_type3A_750 = arith.sitofp %convert_element_type3A_747 : vector<16xi32> to vector<16xf32>
        %sub3A_751 = arith.subf %get3A_745, %convert_element_type3A_750 : vector<16xf32>
        %sub3A_752 = arith.constant 1.000000e+00 : f32
        %sub3A_753 = vector.broadcast %sub3A_752 : f32 to vector<16xf32>
        %sub3A_754 = arith.subf %sub3A_753, %sub3A_749 : vector<16xf32>
        %sub3A_755 = arith.constant 1.000000e+00 : f32
        %sub3A_756 = vector.broadcast %sub3A_755 : f32 to vector<16xf32>
        %sub3A_757 = arith.subf %sub3A_756, %sub3A_751 : vector<16xf32>
        %mul3A_758 = arith.constant 256 : i32
        %mul3A_759 = vector.broadcast %mul3A_758 : i32 to vector<16xi32>
        %mul3A_760 = arith.muli %convert_element_type3A_747, %mul3A_759 : vector<16xi32>
        %add3A_761 = arith.addi %mul3A_760, %convert_element_type3A_746 : vector<16xi32>
        %mul3A_762 = arith.mulf %sub3A_754, %sub3A_757 : vector<16xf32>
        tpu.vector_store_idx %arg7[%add3A_761], %mul3A_762 {add = true} : memref<65536xf32, #tpu.memory_space<vmem>>[vector<16xi32>], vector<16xf32>,
        %add3A_763 = arith.constant 1 : i32
        %add3A_764 = vector.broadcast %add3A_763 : i32 to vector<16xi32>
        %add3A_765 = arith.addi %add3A_761, %add3A_764 : vector<16xi32>
        %mul3A_766 = arith.mulf %sub3A_749, %sub3A_757 : vector<16xf32>
        tpu.vector_store_idx %arg7[%add3A_765], %mul3A_766 {add = true} : memref<65536xf32, #tpu.memory_space<vmem>>[vector<16xi32>], vector<16xf32>,
        %add3A_767 = arith.constant 256 : i32
        %add3A_768 = vector.broadcast %add3A_767 : i32 to vector<16xi32>
        %add3A_769 = arith.addi %add3A_761, %add3A_768 : vector<16xi32>
        %mul3A_770 = arith.mulf %sub3A_754, %sub3A_751 : vector<16xf32>
        tpu.vector_store_idx %arg7[%add3A_769], %mul3A_770 {add = true} : memref<65536xf32, #tpu.memory_space<vmem>>[vector<16xi32>], vector<16xf32>,
        %add3A_771 = arith.constant 256 : i32
        %add3A_772 = vector.broadcast %add3A_771 : i32 to vector<16xi32>
        %add3A_773 = arith.addi %add3A_761, %add3A_772 : vector<16xi32>
        %add3A_774 = arith.constant 1 : i32
        %add3A_775 = vector.broadcast %add3A_774 : i32 to vector<16xi32>
        %add3A_776 = arith.addi %add3A_773, %add3A_775 : vector<16xi32>
        %mul3A_777 = arith.mulf %sub3A_749, %sub3A_751 : vector<16xf32>
        tpu.vector_store_idx %arg7[%add3A_776], %mul3A_777 {add = true} : memref<65536xf32, #tpu.memory_space<vmem>>[vector<16xi32>], vector<16xf32>,
        %add3A_778 = arith.constant 288 : i32
        %add3A_779 = arith.addi %add3A_59, %add3A_778 : i32
        %get3A_780 = arith.index_cast %add3A_779 : i32 to index
        %get3A_781 = tpu.vector_load %arg5[%get3A_780] {strides = array<i32>} : memref<20000xf32, #tpu.memory_space<vmem>>, vector<16xf32>,
        %add3A_782 = arith.constant 288 : i32
        %add3A_783 = arith.addi %add3A_59, %add3A_782 : i32
        %get3A_784 = arith.index_cast %add3A_783 : i32 to index
        %get3A_785 = tpu.vector_load %arg6[%get3A_784] {strides = array<i32>} : memref<20000xf32, #tpu.memory_space<vmem>>, vector<16xf32>,
        %convert_element_type3A_786 = arith.fptosi %get3A_781 : vector<16xf32> to vector<16xi32>
        %convert_element_type3A_787 = arith.fptosi %get3A_785 : vector<16xf32> to vector<16xi32>
        %convert_element_type3A_788 = arith.sitofp %convert_element_type3A_786 : vector<16xi32> to vector<16xf32>
        %sub3A_789 = arith.subf %get3A_781, %convert_element_type3A_788 : vector<16xf32>
        %convert_element_type3A_790 = arith.sitofp %convert_element_type3A_787 : vector<16xi32> to vector<16xf32>
        %sub3A_791 = arith.subf %get3A_785, %convert_element_type3A_790 : vector<16xf32>
        %sub3A_792 = arith.constant 1.000000e+00 : f32
        %sub3A_793 = vector.broadcast %sub3A_792 : f32 to vector<16xf32>
        %sub3A_794 = arith.subf %sub3A_793, %sub3A_789 : vector<16xf32>
        %sub3A_795 = arith.constant 1.000000e+00 : f32
        %sub3A_796 = vector.broadcast %sub3A_795 : f32 to vector<16xf32>
        %sub3A_797 = arith.subf %sub3A_796, %sub3A_791 : vector<16xf32>
        %mul3A_798 = arith.constant 256 : i32
        %mul3A_799 = vector.broadcast %mul3A_798 : i32 to vector<16xi32>
        %mul3A_800 = arith.muli %convert_element_type3A_787, %mul3A_799 : vector<16xi32>
        %add3A_801 = arith.addi %mul3A_800, %convert_element_type3A_786 : vector<16xi32>
        %mul3A_802 = arith.mulf %sub3A_794, %sub3A_797 : vector<16xf32>
        tpu.vector_store_idx %arg7[%add3A_801], %mul3A_802 {add = true} : memref<65536xf32, #tpu.memory_space<vmem>>[vector<16xi32>], vector<16xf32>,
        %add3A_803 = arith.constant 1 : i32
        %add3A_804 = vector.broadcast %add3A_803 : i32 to vector<16xi32>
        %add3A_805 = arith.addi %add3A_801, %add3A_804 : vector<16xi32>
        %mul3A_806 = arith.mulf %sub3A_789, %sub3A_797 : vector<16xf32>
        tpu.vector_store_idx %arg7[%add3A_805], %mul3A_806 {add = true} : memref<65536xf32, #tpu.memory_space<vmem>>[vector<16xi32>], vector<16xf32>,
        %add3A_807 = arith.constant 256 : i32
        %add3A_808 = vector.broadcast %add3A_807 : i32 to vector<16xi32>
        %add3A_809 = arith.addi %add3A_801, %add3A_808 : vector<16xi32>
        %mul3A_810 = arith.mulf %sub3A_794, %sub3A_791 : vector<16xf32>
        tpu.vector_store_idx %arg7[%add3A_809], %mul3A_810 {add = true} : memref<65536xf32, #tpu.memory_space<vmem>>[vector<16xi32>], vector<16xf32>,
        %add3A_811 = arith.constant 256 : i32
        %add3A_812 = vector.broadcast %add3A_811 : i32 to vector<16xi32>
        %add3A_813 = arith.addi %add3A_801, %add3A_812 : vector<16xi32>
        %add3A_814 = arith.constant 1 : i32
        %add3A_815 = vector.broadcast %add3A_814 : i32 to vector<16xi32>
        %add3A_816 = arith.addi %add3A_813, %add3A_815 : vector<16xi32>
        %mul3A_817 = arith.mulf %sub3A_789, %sub3A_791 : vector<16xf32>
        tpu.vector_store_idx %arg7[%add3A_816], %mul3A_817 {add = true} : memref<65536xf32, #tpu.memory_space<vmem>>[vector<16xi32>], vector<16xf32>,
        %add3A_818 = arith.constant 304 : i32
        %add3A_819 = arith.addi %add3A_59, %add3A_818 : i32
        %get3A_820 = arith.index_cast %add3A_819 : i32 to index
        %get3A_821 = tpu.vector_load %arg5[%get3A_820] {strides = array<i32>} : memref<20000xf32, #tpu.memory_space<vmem>>, vector<16xf32>,
        %add3A_822 = arith.constant 304 : i32
        %add3A_823 = arith.addi %add3A_59, %add3A_822 : i32
        %get3A_824 = arith.index_cast %add3A_823 : i32 to index
        %get3A_825 = tpu.vector_load %arg6[%get3A_824] {strides = array<i32>} : memref<20000xf32, #tpu.memory_space<vmem>>, vector<16xf32>,
        %convert_element_type3A_826 = arith.fptosi %get3A_821 : vector<16xf32> to vector<16xi32>
        %convert_element_type3A_827 = arith.fptosi %get3A_825 : vector<16xf32> to vector<16xi32>
        %convert_element_type3A_828 = arith.sitofp %convert_element_type3A_826 : vector<16xi32> to vector<16xf32>
        %sub3A_829 = arith.subf %get3A_821, %convert_element_type3A_828 : vector<16xf32>
        %convert_element_type3A_830 = arith.sitofp %convert_element_type3A_827 : vector<16xi32> to vector<16xf32>
        %sub3A_831 = arith.subf %get3A_825, %convert_element_type3A_830 : vector<16xf32>
        %sub3A_832 = arith.constant 1.000000e+00 : f32
        %sub3A_833 = vector.broadcast %sub3A_832 : f32 to vector<16xf32>
        %sub3A_834 = arith.subf %sub3A_833, %sub3A_829 : vector<16xf32>
        %sub3A_835 = arith.constant 1.000000e+00 : f32
        %sub3A_836 = vector.broadcast %sub3A_835 : f32 to vector<16xf32>
        %sub3A_837 = arith.subf %sub3A_836, %sub3A_831 : vector<16xf32>
        %mul3A_838 = arith.constant 256 : i32
        %mul3A_839 = vector.broadcast %mul3A_838 : i32 to vector<16xi32>
        %mul3A_840 = arith.muli %convert_element_type3A_827, %mul3A_839 : vector<16xi32>
        %add3A_841 = arith.addi %mul3A_840, %convert_element_type3A_826 : vector<16xi32>
        %mul3A_842 = arith.mulf %sub3A_834, %sub3A_837 : vector<16xf32>
        tpu.vector_store_idx %arg7[%add3A_841], %mul3A_842 {add = true} : memref<65536xf32, #tpu.memory_space<vmem>>[vector<16xi32>], vector<16xf32>,
        %add3A_843 = arith.constant 1 : i32
        %add3A_844 = vector.broadcast %add3A_843 : i32 to vector<16xi32>
        %add3A_845 = arith.addi %add3A_841, %add3A_844 : vector<16xi32>
        %mul3A_846 = arith.mulf %sub3A_829, %sub3A_837 : vector<16xf32>
        tpu.vector_store_idx %arg7[%add3A_845], %mul3A_846 {add = true} : memref<65536xf32, #tpu.memory_space<vmem>>[vector<16xi32>], vector<16xf32>,
        %add3A_847 = arith.constant 256 : i32
        %add3A_848 = vector.broadcast %add3A_847 : i32 to vector<16xi32>
        %add3A_849 = arith.addi %add3A_841, %add3A_848 : vector<16xi32>
        %mul3A_850 = arith.mulf %sub3A_834, %sub3A_831 : vector<16xf32>
        tpu.vector_store_idx %arg7[%add3A_849], %mul3A_850 {add = true} : memref<65536xf32, #tpu.memory_space<vmem>>[vector<16xi32>], vector<16xf32>,
        %add3A_851 = arith.constant 256 : i32
        %add3A_852 = vector.broadcast %add3A_851 : i32 to vector<16xi32>
        %add3A_853 = arith.addi %add3A_841, %add3A_852 : vector<16xi32>
        %add3A_854 = arith.constant 1 : i32
        %add3A_855 = vector.broadcast %add3A_854 : i32 to vector<16xi32>
        %add3A_856 = arith.addi %add3A_853, %add3A_855 : vector<16xi32>
        %mul3A_857 = arith.mulf %sub3A_829, %sub3A_831 : vector<16xf32>
        tpu.vector_store_idx %arg7[%add3A_856], %mul3A_857 {add = true} : memref<65536xf32, #tpu.memory_space<vmem>>[vector<16xi32>], vector<16xf32>,
        %add3A_858 = arith.constant 320 : i32
        %add3A_859 = arith.addi %add3A_59, %add3A_858 : i32
        %get3A_860 = arith.index_cast %add3A_859 : i32 to index
        %get3A_861 = tpu.vector_load %arg5[%get3A_860] {strides = array<i32>} : memref<20000xf32, #tpu.memory_space<vmem>>, vector<16xf32>,
        %add3A_862 = arith.constant 320 : i32
        %add3A_863 = arith.addi %add3A_59, %add3A_862 : i32
        %get3A_864 = arith.index_cast %add3A_863 : i32 to index
        %get3A_865 = tpu.vector_load %arg6[%get3A_864] {strides = array<i32>} : memref<20000xf32, #tpu.memory_space<vmem>>, vector<16xf32>,
        %convert_element_type3A_866 = arith.fptosi %get3A_861 : vector<16xf32> to vector<16xi32>
        %convert_element_type3A_867 = arith.fptosi %get3A_865 : vector<16xf32> to vector<16xi32>
        %convert_element_type3A_868 = arith.sitofp %convert_element_type3A_866 : vector<16xi32> to vector<16xf32>
        %sub3A_869 = arith.subf %get3A_861, %convert_element_type3A_868 : vector<16xf32>
        %convert_element_type3A_870 = arith.sitofp %convert_element_type3A_867 : vector<16xi32> to vector<16xf32>
        %sub3A_871 = arith.subf %get3A_865, %convert_element_type3A_870 : vector<16xf32>
        %sub3A_872 = arith.constant 1.000000e+00 : f32
        %sub3A_873 = vector.broadcast %sub3A_872 : f32 to vector<16xf32>
        %sub3A_874 = arith.subf %sub3A_873, %sub3A_869 : vector<16xf32>
        %sub3A_875 = arith.constant 1.000000e+00 : f32
        %sub3A_876 = vector.broadcast %sub3A_875 : f32 to vector<16xf32>
        %sub3A_877 = arith.subf %sub3A_876, %sub3A_871 : vector<16xf32>
        %mul3A_878 = arith.constant 256 : i32
        %mul3A_879 = vector.broadcast %mul3A_878 : i32 to vector<16xi32>
        %mul3A_880 = arith.muli %convert_element_type3A_867, %mul3A_879 : vector<16xi32>
        %add3A_881 = arith.addi %mul3A_880, %convert_element_type3A_866 : vector<16xi32>
        %mul3A_882 = arith.mulf %sub3A_874, %sub3A_877 : vector<16xf32>
        tpu.vector_store_idx %arg7[%add3A_881], %mul3A_882 {add = true} : memref<65536xf32, #tpu.memory_space<vmem>>[vector<16xi32>], vector<16xf32>,
        %add3A_883 = arith.constant 1 : i32
        %add3A_884 = vector.broadcast %add3A_883 : i32 to vector<16xi32>
        %add3A_885 = arith.addi %add3A_881, %add3A_884 : vector<16xi32>
        %mul3A_886 = arith.mulf %sub3A_869, %sub3A_877 : vector<16xf32>
        tpu.vector_store_idx %arg7[%add3A_885], %mul3A_886 {add = true} : memref<65536xf32, #tpu.memory_space<vmem>>[vector<16xi32>], vector<16xf32>,
        %add3A_887 = arith.constant 256 : i32
        %add3A_888 = vector.broadcast %add3A_887 : i32 to vector<16xi32>
        %add3A_889 = arith.addi %add3A_881, %add3A_888 : vector<16xi32>
        %mul3A_890 = arith.mulf %sub3A_874, %sub3A_871 : vector<16xf32>
        tpu.vector_store_idx %arg7[%add3A_889], %mul3A_890 {add = true} : memref<65536xf32, #tpu.memory_space<vmem>>[vector<16xi32>], vector<16xf32>,
        %add3A_891 = arith.constant 256 : i32
        %add3A_892 = vector.broadcast %add3A_891 : i32 to vector<16xi32>
        %add3A_893 = arith.addi %add3A_881, %add3A_892 : vector<16xi32>
        %add3A_894 = arith.constant 1 : i32
        %add3A_895 = vector.broadcast %add3A_894 : i32 to vector<16xi32>
        %add3A_896 = arith.addi %add3A_893, %add3A_895 : vector<16xi32>
        %mul3A_897 = arith.mulf %sub3A_869, %sub3A_871 : vector<16xf32>
        tpu.vector_store_idx %arg7[%add3A_896], %mul3A_897 {add = true} : memref<65536xf32, #tpu.memory_space<vmem>>[vector<16xi32>], vector<16xf32>,
        %add3A_898 = arith.constant 336 : i32
        %add3A_899 = arith.addi %add3A_59, %add3A_898 : i32
        %get3A_900 = arith.index_cast %add3A_899 : i32 to index
        %get3A_901 = tpu.vector_load %arg5[%get3A_900] {strides = array<i32>} : memref<20000xf32, #tpu.memory_space<vmem>>, vector<16xf32>,
        %add3A_902 = arith.constant 336 : i32
        %add3A_903 = arith.addi %add3A_59, %add3A_902 : i32
        %get3A_904 = arith.index_cast %add3A_903 : i32 to index
        %get3A_905 = tpu.vector_load %arg6[%get3A_904] {strides = array<i32>} : memref<20000xf32, #tpu.memory_space<vmem>>, vector<16xf32>,
        %convert_element_type3A_906 = arith.fptosi %get3A_901 : vector<16xf32> to vector<16xi32>
        %convert_element_type3A_907 = arith.fptosi %get3A_905 : vector<16xf32> to vector<16xi32>
        %convert_element_type3A_908 = arith.sitofp %convert_element_type3A_906 : vector<16xi32> to vector<16xf32>
        %sub3A_909 = arith.subf %get3A_901, %convert_element_type3A_908 : vector<16xf32>
        %convert_element_type3A_910 = arith.sitofp %convert_element_type3A_907 : vector<16xi32> to vector<16xf32>
        %sub3A_911 = arith.subf %get3A_905, %convert_element_type3A_910 : vector<16xf32>
        %sub3A_912 = arith.constant 1.000000e+00 : f32
        %sub3A_913 = vector.broadcast %sub3A_912 : f32 to vector<16xf32>
        %sub3A_914 = arith.subf %sub3A_913, %sub3A_909 : vector<16xf32>
        %sub3A_915 = arith.constant 1.000000e+00 : f32
        %sub3A_916 = vector.broadcast %sub3A_915 : f32 to vector<16xf32>
        %sub3A_917 = arith.subf %sub3A_916, %sub3A_911 : vector<16xf32>
        %mul3A_918 = arith.constant 256 : i32
        %mul3A_919 = vector.broadcast %mul3A_918 : i32 to vector<16xi32>
        %mul3A_920 = arith.muli %convert_element_type3A_907, %mul3A_919 : vector<16xi32>
        %add3A_921 = arith.addi %mul3A_920, %convert_element_type3A_906 : vector<16xi32>
        %mul3A_922 = arith.mulf %sub3A_914, %sub3A_917 : vector<16xf32>
        tpu.vector_store_idx %arg7[%add3A_921], %mul3A_922 {add = true} : memref<65536xf32, #tpu.memory_space<vmem>>[vector<16xi32>], vector<16xf32>,
        %add3A_923 = arith.constant 1 : i32
        %add3A_924 = vector.broadcast %add3A_923 : i32 to vector<16xi32>
        %add3A_925 = arith.addi %add3A_921, %add3A_924 : vector<16xi32>
        %mul3A_926 = arith.mulf %sub3A_909, %sub3A_917 : vector<16xf32>
        tpu.vector_store_idx %arg7[%add3A_925], %mul3A_926 {add = true} : memref<65536xf32, #tpu.memory_space<vmem>>[vector<16xi32>], vector<16xf32>,
        %add3A_927 = arith.constant 256 : i32
        %add3A_928 = vector.broadcast %add3A_927 : i32 to vector<16xi32>
        %add3A_929 = arith.addi %add3A_921, %add3A_928 : vector<16xi32>
        %mul3A_930 = arith.mulf %sub3A_914, %sub3A_911 : vector<16xf32>
        tpu.vector_store_idx %arg7[%add3A_929], %mul3A_930 {add = true} : memref<65536xf32, #tpu.memory_space<vmem>>[vector<16xi32>], vector<16xf32>,
        %add3A_931 = arith.constant 256 : i32
        %add3A_932 = vector.broadcast %add3A_931 : i32 to vector<16xi32>
        %add3A_933 = arith.addi %add3A_921, %add3A_932 : vector<16xi32>
        %add3A_934 = arith.constant 1 : i32
        %add3A_935 = vector.broadcast %add3A_934 : i32 to vector<16xi32>
        %add3A_936 = arith.addi %add3A_933, %add3A_935 : vector<16xi32>
        %mul3A_937 = arith.mulf %sub3A_909, %sub3A_911 : vector<16xf32>
        tpu.vector_store_idx %arg7[%add3A_936], %mul3A_937 {add = true} : memref<65536xf32, #tpu.memory_space<vmem>>[vector<16xi32>], vector<16xf32>,
        %add3A_938 = arith.constant 352 : i32
        %add3A_939 = arith.addi %add3A_59, %add3A_938 : i32
        %get3A_940 = arith.index_cast %add3A_939 : i32 to index
        %get3A_941 = tpu.vector_load %arg5[%get3A_940] {strides = array<i32>} : memref<20000xf32, #tpu.memory_space<vmem>>, vector<16xf32>,
        %add3A_942 = arith.constant 352 : i32
        %add3A_943 = arith.addi %add3A_59, %add3A_942 : i32
        %get3A_944 = arith.index_cast %add3A_943 : i32 to index
        %get3A_945 = tpu.vector_load %arg6[%get3A_944] {strides = array<i32>} : memref<20000xf32, #tpu.memory_space<vmem>>, vector<16xf32>,
        %convert_element_type3A_946 = arith.fptosi %get3A_941 : vector<16xf32> to vector<16xi32>
        %convert_element_type3A_947 = arith.fptosi %get3A_945 : vector<16xf32> to vector<16xi32>
        %convert_element_type3A_948 = arith.sitofp %convert_element_type3A_946 : vector<16xi32> to vector<16xf32>
        %sub3A_949 = arith.subf %get3A_941, %convert_element_type3A_948 : vector<16xf32>
        %convert_element_type3A_950 = arith.sitofp %convert_element_type3A_947 : vector<16xi32> to vector<16xf32>
        %sub3A_951 = arith.subf %get3A_945, %convert_element_type3A_950 : vector<16xf32>
        %sub3A_952 = arith.constant 1.000000e+00 : f32
        %sub3A_953 = vector.broadcast %sub3A_952 : f32 to vector<16xf32>
        %sub3A_954 = arith.subf %sub3A_953, %sub3A_949 : vector<16xf32>
        %sub3A_955 = arith.constant 1.000000e+00 : f32
        %sub3A_956 = vector.broadcast %sub3A_955 : f32 to vector<16xf32>
        %sub3A_957 = arith.subf %sub3A_956, %sub3A_951 : vector<16xf32>
        %mul3A_958 = arith.constant 256 : i32
        %mul3A_959 = vector.broadcast %mul3A_958 : i32 to vector<16xi32>
        %mul3A_960 = arith.muli %convert_element_type3A_947, %mul3A_959 : vector<16xi32>
        %add3A_961 = arith.addi %mul3A_960, %convert_element_type3A_946 : vector<16xi32>
        %mul3A_962 = arith.mulf %sub3A_954, %sub3A_957 : vector<16xf32>
        tpu.vector_store_idx %arg7[%add3A_961], %mul3A_962 {add = true} : memref<65536xf32, #tpu.memory_space<vmem>>[vector<16xi32>], vector<16xf32>,
        %add3A_963 = arith.constant 1 : i32
        %add3A_964 = vector.broadcast %add3A_963 : i32 to vector<16xi32>
        %add3A_965 = arith.addi %add3A_961, %add3A_964 : vector<16xi32>
        %mul3A_966 = arith.mulf %sub3A_949, %sub3A_957 : vector<16xf32>
        tpu.vector_store_idx %arg7[%add3A_965], %mul3A_966 {add = true} : memref<65536xf32, #tpu.memory_space<vmem>>[vector<16xi32>], vector<16xf32>,
        %add3A_967 = arith.constant 256 : i32
        %add3A_968 = vector.broadcast %add3A_967 : i32 to vector<16xi32>
        %add3A_969 = arith.addi %add3A_961, %add3A_968 : vector<16xi32>
        %mul3A_970 = arith.mulf %sub3A_954, %sub3A_951 : vector<16xf32>
        tpu.vector_store_idx %arg7[%add3A_969], %mul3A_970 {add = true} : memref<65536xf32, #tpu.memory_space<vmem>>[vector<16xi32>], vector<16xf32>,
        %add3A_971 = arith.constant 256 : i32
        %add3A_972 = vector.broadcast %add3A_971 : i32 to vector<16xi32>
        %add3A_973 = arith.addi %add3A_961, %add3A_972 : vector<16xi32>
        %add3A_974 = arith.constant 1 : i32
        %add3A_975 = vector.broadcast %add3A_974 : i32 to vector<16xi32>
        %add3A_976 = arith.addi %add3A_973, %add3A_975 : vector<16xi32>
        %mul3A_977 = arith.mulf %sub3A_949, %sub3A_951 : vector<16xf32>
        tpu.vector_store_idx %arg7[%add3A_976], %mul3A_977 {add = true} : memref<65536xf32, #tpu.memory_space<vmem>>[vector<16xi32>], vector<16xf32>,
        %add3A_978 = arith.constant 368 : i32
        %add3A_979 = arith.addi %add3A_59, %add3A_978 : i32
        %get3A_980 = arith.index_cast %add3A_979 : i32 to index
        %get3A_981 = tpu.vector_load %arg5[%get3A_980] {strides = array<i32>} : memref<20000xf32, #tpu.memory_space<vmem>>, vector<16xf32>,
        %add3A_982 = arith.constant 368 : i32
        %add3A_983 = arith.addi %add3A_59, %add3A_982 : i32
        %get3A_984 = arith.index_cast %add3A_983 : i32 to index
        %get3A_985 = tpu.vector_load %arg6[%get3A_984] {strides = array<i32>} : memref<20000xf32, #tpu.memory_space<vmem>>, vector<16xf32>,
        %convert_element_type3A_986 = arith.fptosi %get3A_981 : vector<16xf32> to vector<16xi32>
        %convert_element_type3A_987 = arith.fptosi %get3A_985 : vector<16xf32> to vector<16xi32>
        %convert_element_type3A_988 = arith.sitofp %convert_element_type3A_986 : vector<16xi32> to vector<16xf32>
        %sub3A_989 = arith.subf %get3A_981, %convert_element_type3A_988 : vector<16xf32>
        %convert_element_type3A_990 = arith.sitofp %convert_element_type3A_987 : vector<16xi32> to vector<16xf32>
        %sub3A_991 = arith.subf %get3A_985, %convert_element_type3A_990 : vector<16xf32>
        %sub3A_992 = arith.constant 1.000000e+00 : f32
        %sub3A_993 = vector.broadcast %sub3A_992 : f32 to vector<16xf32>
        %sub3A_994 = arith.subf %sub3A_993, %sub3A_989 : vector<16xf32>
        %sub3A_995 = arith.constant 1.000000e+00 : f32
        %sub3A_996 = vector.broadcast %sub3A_995 : f32 to vector<16xf32>
        %sub3A_997 = arith.subf %sub3A_996, %sub3A_991 : vector<16xf32>
        %mul3A_998 = arith.constant 256 : i32
        %mul3A_999 = vector.broadcast %mul3A_998 : i32 to vector<16xi32>
        %mul3A_1000 = arith.muli %convert_element_type3A_987, %mul3A_999 : vector<16xi32>
        %add3A_1001 = arith.addi %mul3A_1000, %convert_element_type3A_986 : vector<16xi32>
        %mul3A_1002 = arith.mulf %sub3A_994, %sub3A_997 : vector<16xf32>
        tpu.vector_store_idx %arg7[%add3A_1001], %mul3A_1002 {add = true} : memref<65536xf32, #tpu.memory_space<vmem>>[vector<16xi32>], vector<16xf32>,
        %add3A_1003 = arith.constant 1 : i32
        %add3A_1004 = vector.broadcast %add3A_1003 : i32 to vector<16xi32>
        %add3A_1005 = arith.addi %add3A_1001, %add3A_1004 : vector<16xi32>
        %mul3A_1006 = arith.mulf %sub3A_989, %sub3A_997 : vector<16xf32>
        tpu.vector_store_idx %arg7[%add3A_1005], %mul3A_1006 {add = true} : memref<65536xf32, #tpu.memory_space<vmem>>[vector<16xi32>], vector<16xf32>,
        %add3A_1007 = arith.constant 256 : i32
        %add3A_1008 = vector.broadcast %add3A_1007 : i32 to vector<16xi32>
        %add3A_1009 = arith.addi %add3A_1001, %add3A_1008 : vector<16xi32>
        %mul3A_1010 = arith.mulf %sub3A_994, %sub3A_991 : vector<16xf32>
        tpu.vector_store_idx %arg7[%add3A_1009], %mul3A_1010 {add = true} : memref<65536xf32, #tpu.memory_space<vmem>>[vector<16xi32>], vector<16xf32>,
        %add3A_1011 = arith.constant 256 : i32
        %add3A_1012 = vector.broadcast %add3A_1011 : i32 to vector<16xi32>
        %add3A_1013 = arith.addi %add3A_1001, %add3A_1012 : vector<16xi32>
        %add3A_1014 = arith.constant 1 : i32
        %add3A_1015 = vector.broadcast %add3A_1014 : i32 to vector<16xi32>
        %add3A_1016 = arith.addi %add3A_1013, %add3A_1015 : vector<16xi32>
        %mul3A_1017 = arith.mulf %sub3A_989, %sub3A_991 : vector<16xf32>
        tpu.vector_store_idx %arg7[%add3A_1016], %mul3A_1017 {add = true} : memref<65536xf32, #tpu.memory_space<vmem>>[vector<16xi32>], vector<16xf32>,
        %add3A_1018 = arith.constant 384 : i32
        %add3A_1019 = arith.addi %add3A_59, %add3A_1018 : i32
        %get3A_1020 = arith.index_cast %add3A_1019 : i32 to index
        %get3A_1021 = tpu.vector_load %arg5[%get3A_1020] {strides = array<i32>} : memref<20000xf32, #tpu.memory_space<vmem>>, vector<16xf32>,
        %add3A_1022 = arith.constant 384 : i32
        %add3A_1023 = arith.addi %add3A_59, %add3A_1022 : i32
        %get3A_1024 = arith.index_cast %add3A_1023 : i32 to index
        %get3A_1025 = tpu.vector_load %arg6[%get3A_1024] {strides = array<i32>} : memref<20000xf32, #tpu.memory_space<vmem>>, vector<16xf32>,
        %convert_element_type3A_1026 = arith.fptosi %get3A_1021 : vector<16xf32> to vector<16xi32>
        %convert_element_type3A_1027 = arith.fptosi %get3A_1025 : vector<16xf32> to vector<16xi32>
        %convert_element_type3A_1028 = arith.sitofp %convert_element_type3A_1026 : vector<16xi32> to vector<16xf32>
        %sub3A_1029 = arith.subf %get3A_1021, %convert_element_type3A_1028 : vector<16xf32>
        %convert_element_type3A_1030 = arith.sitofp %convert_element_type3A_1027 : vector<16xi32> to vector<16xf32>
        %sub3A_1031 = arith.subf %get3A_1025, %convert_element_type3A_1030 : vector<16xf32>
        %sub3A_1032 = arith.constant 1.000000e+00 : f32
        %sub3A_1033 = vector.broadcast %sub3A_1032 : f32 to vector<16xf32>
        %sub3A_1034 = arith.subf %sub3A_1033, %sub3A_1029 : vector<16xf32>
        %sub3A_1035 = arith.constant 1.000000e+00 : f32
        %sub3A_1036 = vector.broadcast %sub3A_1035 : f32 to vector<16xf32>
        %sub3A_1037 = arith.subf %sub3A_1036, %sub3A_1031 : vector<16xf32>
        %mul3A_1038 = arith.constant 256 : i32
        %mul3A_1039 = vector.broadcast %mul3A_1038 : i32 to vector<16xi32>
        %mul3A_1040 = arith.muli %convert_element_type3A_1027, %mul3A_1039 : vector<16xi32>
        %add3A_1041 = arith.addi %mul3A_1040, %convert_element_type3A_1026 : vector<16xi32>
        %mul3A_1042 = arith.mulf %sub3A_1034, %sub3A_1037 : vector<16xf32>
        tpu.vector_store_idx %arg7[%add3A_1041], %mul3A_1042 {add = true} : memref<65536xf32, #tpu.memory_space<vmem>>[vector<16xi32>], vector<16xf32>,
        %add3A_1043 = arith.constant 1 : i32
        %add3A_1044 = vector.broadcast %add3A_1043 : i32 to vector<16xi32>
        %add3A_1045 = arith.addi %add3A_1041, %add3A_1044 : vector<16xi32>
        %mul3A_1046 = arith.mulf %sub3A_1029, %sub3A_1037 : vector<16xf32>
        tpu.vector_store_idx %arg7[%add3A_1045], %mul3A_1046 {add = true} : memref<65536xf32, #tpu.memory_space<vmem>>[vector<16xi32>], vector<16xf32>,
        %add3A_1047 = arith.constant 256 : i32
        %add3A_1048 = vector.broadcast %add3A_1047 : i32 to vector<16xi32>
        %add3A_1049 = arith.addi %add3A_1041, %add3A_1048 : vector<16xi32>
        %mul3A_1050 = arith.mulf %sub3A_1034, %sub3A_1031 : vector<16xf32>
        tpu.vector_store_idx %arg7[%add3A_1049], %mul3A_1050 {add = true} : memref<65536xf32, #tpu.memory_space<vmem>>[vector<16xi32>], vector<16xf32>,
        %add3A_1051 = arith.constant 256 : i32
        %add3A_1052 = vector.broadcast %add3A_1051 : i32 to vector<16xi32>
        %add3A_1053 = arith.addi %add3A_1041, %add3A_1052 : vector<16xi32>
        %add3A_1054 = arith.constant 1 : i32
        %add3A_1055 = vector.broadcast %add3A_1054 : i32 to vector<16xi32>
        %add3A_1056 = arith.addi %add3A_1053, %add3A_1055 : vector<16xi32>
        %mul3A_1057 = arith.mulf %sub3A_1029, %sub3A_1031 : vector<16xf32>
        tpu.vector_store_idx %arg7[%add3A_1056], %mul3A_1057 {add = true} : memref<65536xf32, #tpu.memory_space<vmem>>[vector<16xi32>], vector<16xf32>,
      }
      %scan3A_55 = arith.constant 25 : i32
    }
    %scan3A_27 = arith.constant 10 : i32
    %mul3A_28 = arith.constant 65536 : i32
    %mul3A_29 = arith.muli %add3A, %mul3A_28 : i32
    "tpu.region"() ({
      %run_scoped3A = tpu.sem_alloc : memref<!tpu.dma_semaphore, #tpu.memory_space<semaphore_mem>>
      %dma_start3A_30 = tpu.memref_slice %arg4[%mul3A_29] : memref<2097152xf32, #tpu.memory_space<hbm>> -> memref<65536xf32, #tpu.memory_space<hbm>>
      %dma_start3A_31 = tpu.memref_slice %arg4[%mul3A_29] : memref<2097152xf32, #tpu.memory_space<hbm>> -> memref<65536xf32, #tpu.memory_space<hbm>>
      tpu.enqueue_dma source(%arg7 : memref<65536xf32, #tpu.memory_space<vmem>>) target(%dma_start3A_31 : memref<65536xf32, #tpu.memory_space<hbm>>) target_semaphore(%run_scoped3A : memref<!tpu.dma_semaphore, #tpu.memory_space<semaphore_mem>>)
      %dma_wait3A = tpu.memref_slice %arg4[%mul3A_29] : memref<2097152xf32, #tpu.memory_space<hbm>> -> memref<65536xf32, #tpu.memory_space<hbm>>
      %dma_wait3A_32 = tpu.memref_slice %arg4[%mul3A_29] : memref<2097152xf32, #tpu.memory_space<hbm>> -> memref<65536xf32, #tpu.memory_space<hbm>>
      tpu.wait_dma2 semaphore(%run_scoped3A : memref<!tpu.dma_semaphore, #tpu.memory_space<semaphore_mem>>) src(%arg7 : memref<65536xf32, #tpu.memory_space<vmem>>) dst(%dma_wait3A_32 : memref<65536xf32, #tpu.memory_space<hbm>>)
      tpu.yield
    }) : () -> ()
    return
  }
}

module attributes {stable_mosaic.version = 14 : i64} {
  func.func @_transform_body(%arg0: i32, %arg1: memref<32x8xf32, #tpu.memory_space<vmem>>, %arg2: memref<32x8xf32, #tpu.memory_space<vmem>>, %arg3: memref<32x8xf32, #tpu.memory_space<vmem>>, %arg4: memref<2048x8xf32, #tpu.memory_space<vmem>>, %arg5: memref<8x2048xf32, #tpu.memory_space<vmem>>, %arg6: memref<32x9xf32, #tpu.memory_space<vmem>>, %arg7: memref<32x2xf32, #tpu.memory_space<vmem>>, %arg8: memref<32x2048xf32, #tpu.memory_space<vmem>>, %arg9: memref<32x2048xf32, #tpu.memory_space<vmem>>) attributes {dimension_semantics = [#tpu.dimension_semantics<arbitrary>], iteration_bounds = array<i64: 50>, scalar_prefetch = 0 : i64, scratch_operands = 0 : i64, tpu.core_type = #tpu.core_type<tc>, window_params = [{pipeline_mode = #tpu.pipeline_mode<synchronous>, transform_indices = @transform_0, window_bounds = array<i64: 32, 8>}, {pipeline_mode = #tpu.pipeline_mode<synchronous>, transform_indices = @transform_1, window_bounds = array<i64: 32, 8>}, {pipeline_mode = #tpu.pipeline_mode<synchronous>, transform_indices = @transform_2, window_bounds = array<i64: 32, 8>}, {transform_indices = @transform_3, window_bounds = array<i64: 2048, 8>}, {transform_indices = @transform_4, window_bounds = array<i64: 8, 2048>}, {pipeline_mode = #tpu.pipeline_mode<synchronous>, transform_indices = @transform_5, window_bounds = array<i64: 32, 9>}, {pipeline_mode = #tpu.pipeline_mode<synchronous>, transform_indices = @transform_6, window_bounds = array<i64: 32, 2>}, {transform_indices = @transform_7, window_bounds = array<i64: 32, 2048>}, {transform_indices = @transform_8, window_bounds = array<i64: 32, 2048>}]} {
    %get3A = arith.constant 0 : index
    %get3A_0 = arith.constant 0 : index
    %get3A_1 = vector.load %arg4[%get3A, %get3A_0] : memref<2048x8xf32, #tpu.memory_space<vmem>>, vector<2048x8xf32>
    %get3A_2 = arith.constant 0 : index
    %get3A_3 = arith.constant 0 : index
    %get3A_4 = vector.load %arg1[%get3A_2, %get3A_3] : memref<32x8xf32, #tpu.memory_space<vmem>>, vector<32x8xf32>
    %dot_general3A = arith.constant dense<0.000000e+00> : vector<32x2048xf32>
    %dot_general3A_5 = tpu.matmul %get3A_4, %get3A_1, %dot_general3A {dimension_numbers = #tpu.dot_dimension_numbers<[1], [1], [0], [0], [0, 0, 1, 0], [], []>, transpose_lhs_hint = false} : vector<32x8xf32>, vector<2048x8xf32>, vector<32x2048xf32> -> vector<32x2048xf32>
    %get3A_6 = arith.constant 0 : index
    %get3A_7 = arith.constant 0 : index
    %get3A_8 = vector.load %arg2[%get3A_6, %get3A_7] : memref<32x8xf32, #tpu.memory_space<vmem>>, vector<32x8xf32>
    %dot_general3A_9 = arith.constant dense<0.000000e+00> : vector<32x2048xf32>
    %dot_general3A_10 = tpu.matmul %get3A_8, %get3A_1, %dot_general3A_9 {dimension_numbers = #tpu.dot_dimension_numbers<[1], [1], [0], [0], [0, 0, 1, 0], [], []>, transpose_lhs_hint = false} : vector<32x8xf32>, vector<2048x8xf32>, vector<32x2048xf32> -> vector<32x2048xf32>
    %get3A_11 = arith.constant 0 : index
    %get3A_12 = arith.constant 0 : index
    %get3A_13 = vector.load %arg3[%get3A_11, %get3A_12] : memref<32x8xf32, #tpu.memory_space<vmem>>, vector<32x8xf32>
    %dot_general3A_14 = arith.constant dense<0.000000e+00> : vector<32x2048xf32>
    %dot_general3A_15 = tpu.matmul %get3A_13, %get3A_1, %dot_general3A_14 {dimension_numbers = #tpu.dot_dimension_numbers<[1], [1], [0], [0], [0, 0, 1, 0], [], []>, transpose_lhs_hint = false} : vector<32x8xf32>, vector<2048x8xf32>, vector<32x2048xf32> -> vector<32x2048xf32>
    %get3A_16 = arith.constant 0 : index
    %get3A_17 = arith.constant 0 : index
    %get3A_18 = vector.load %arg5[%get3A_16, %get3A_17] : memref<8x2048xf32, #tpu.memory_space<vmem>>, vector<1x2048xf32>
    %add3A = vector.broadcast %get3A_18 : vector<1x2048xf32> to vector<32x2048xf32>
    %add3A_19 = arith.addf %dot_general3A_5, %add3A : vector<32x2048xf32>
    %get3A_20 = arith.constant 1 : index
    %get3A_21 = arith.constant 0 : index
    %get3A_22 = vector.load %arg5[%get3A_20, %get3A_21] : memref<8x2048xf32, #tpu.memory_space<vmem>>, vector<1x2048xf32>
    %add3A_23 = vector.broadcast %get3A_22 : vector<1x2048xf32> to vector<32x2048xf32>
    %add3A_24 = arith.addf %dot_general3A_10, %add3A_23 : vector<32x2048xf32>
    %get3A_25 = arith.constant 2 : index
    %get3A_26 = arith.constant 0 : index
    %get3A_27 = vector.load %arg5[%get3A_25, %get3A_26] : memref<8x2048xf32, #tpu.memory_space<vmem>>, vector<1x2048xf32>
    %add3A_28 = vector.broadcast %get3A_27 : vector<1x2048xf32> to vector<32x2048xf32>
    %add3A_29 = arith.addf %dot_general3A_15, %add3A_28 : vector<32x2048xf32>
    %get3A_30 = arith.constant 0 : index
    %get3A_31 = arith.constant 0 : index
    %get3A_32 = vector.load %arg6[%get3A_30, %get3A_31] : memref<32x9xf32, #tpu.memory_space<vmem>>, vector<32x9xf32>
    %get3A_33 = arith.constant 0 : index
    %get3A_34 = arith.constant 0 : index
    %get3A_35 = vector.load %arg7[%get3A_33, %get3A_34] : memref<32x2xf32, #tpu.memory_space<vmem>>, vector<32x2xf32>
    %slice3A = vector.extract_strided_slice %get3A_32 {offsets = [0, 0], sizes = [32, 1], strides = [1, 1]} : vector<32x9xf32> to vector<32x1xf32>
    %mul3A = vector.broadcast %slice3A : vector<32x1xf32> to vector<32x2048xf32>
    %mul3A_36 = arith.mulf %mul3A, %add3A_19 : vector<32x2048xf32>
    %slice3A_37 = vector.extract_strided_slice %get3A_32 {offsets = [0, 1], sizes = [32, 1], strides = [1, 1]} : vector<32x9xf32> to vector<32x1xf32>
    %mul3A_38 = vector.broadcast %slice3A_37 : vector<32x1xf32> to vector<32x2048xf32>
    %mul3A_39 = arith.mulf %mul3A_38, %add3A_24 : vector<32x2048xf32>
    %add3A_40 = arith.addf %mul3A_36, %mul3A_39 : vector<32x2048xf32>
    %slice3A_41 = vector.extract_strided_slice %get3A_32 {offsets = [0, 2], sizes = [32, 1], strides = [1, 1]} : vector<32x9xf32> to vector<32x1xf32>
    %mul3A_42 = vector.broadcast %slice3A_41 : vector<32x1xf32> to vector<32x2048xf32>
    %mul3A_43 = arith.mulf %mul3A_42, %add3A_29 : vector<32x2048xf32>
    %add3A_44 = arith.addf %add3A_40, %mul3A_43 : vector<32x2048xf32>
    %slice3A_45 = vector.extract_strided_slice %get3A_35 {offsets = [0, 0], sizes = [32, 1], strides = [1, 1]} : vector<32x2xf32> to vector<32x1xf32>
    %add3A_46 = vector.broadcast %slice3A_45 : vector<32x1xf32> to vector<32x2048xf32>
    %add3A_47 = arith.addf %add3A_44, %add3A_46 : vector<32x2048xf32>
    %add3A_48 = arith.constant 1.280000e+02 : f32
    %add3A_49 = vector.broadcast %add3A_48 : f32 to vector<32x2048xf32>
    %add3A_50 = arith.addf %add3A_47, %add3A_49 : vector<32x2048xf32>
    %slice3A_51 = vector.extract_strided_slice %get3A_32 {offsets = [0, 3], sizes = [32, 1], strides = [1, 1]} : vector<32x9xf32> to vector<32x1xf32>
    %mul3A_52 = vector.broadcast %slice3A_51 : vector<32x1xf32> to vector<32x2048xf32>
    %mul3A_53 = arith.mulf %mul3A_52, %add3A_19 : vector<32x2048xf32>
    %slice3A_54 = vector.extract_strided_slice %get3A_32 {offsets = [0, 4], sizes = [32, 1], strides = [1, 1]} : vector<32x9xf32> to vector<32x1xf32>
    %mul3A_55 = vector.broadcast %slice3A_54 : vector<32x1xf32> to vector<32x2048xf32>
    %mul3A_56 = arith.mulf %mul3A_55, %add3A_24 : vector<32x2048xf32>
    %add3A_57 = arith.addf %mul3A_53, %mul3A_56 : vector<32x2048xf32>
    %slice3A_58 = vector.extract_strided_slice %get3A_32 {offsets = [0, 5], sizes = [32, 1], strides = [1, 1]} : vector<32x9xf32> to vector<32x1xf32>
    %mul3A_59 = vector.broadcast %slice3A_58 : vector<32x1xf32> to vector<32x2048xf32>
    %mul3A_60 = arith.mulf %mul3A_59, %add3A_29 : vector<32x2048xf32>
    %add3A_61 = arith.addf %add3A_57, %mul3A_60 : vector<32x2048xf32>
    %slice3A_62 = vector.extract_strided_slice %get3A_35 {offsets = [0, 1], sizes = [32, 1], strides = [1, 1]} : vector<32x2xf32> to vector<32x1xf32>
    %add3A_63 = vector.broadcast %slice3A_62 : vector<32x1xf32> to vector<32x2048xf32>
    %add3A_64 = arith.addf %add3A_61, %add3A_63 : vector<32x2048xf32>
    %add3A_65 = arith.constant 1.280000e+02 : f32
    %add3A_66 = vector.broadcast %add3A_65 : f32 to vector<32x2048xf32>
    %add3A_67 = arith.addf %add3A_64, %add3A_66 : vector<32x2048xf32>
    %jit3A = arith.constant 0.000000e+00 : f32
    %jit3A_68 = arith.constant 254.999893 : f32
    %max3A = vector.broadcast %jit3A : f32 to vector<32x2048xf32>
    %max3A_69 = arith.maximumf %max3A, %add3A_50 : vector<32x2048xf32>
    %min3A = vector.broadcast %jit3A_68 : f32 to vector<32x2048xf32>
    %min3A_70 = arith.minimumf %min3A, %max3A_69 : vector<32x2048xf32>
    %swap3A = arith.constant 0 : index
    %swap3A_71 = arith.constant 0 : index
    %swap3A_72 = vector.load %arg8[%swap3A, %swap3A_71] : memref<32x2048xf32, #tpu.memory_space<vmem>>, vector<32x2048xf32>
    tpu.vector_store %arg8[%swap3A, %swap3A_71], %min3A_70 {strides = array<i32>} : memref<32x2048xf32, #tpu.memory_space<vmem>>, vector<32x2048xf32>,
    %jit3A_73 = arith.constant 0.000000e+00 : f32
    %jit3A_74 = arith.constant 254.999893 : f32
    %max3A_75 = vector.broadcast %jit3A_73 : f32 to vector<32x2048xf32>
    %max3A_76 = arith.maximumf %max3A_75, %add3A_67 : vector<32x2048xf32>
    %min3A_77 = vector.broadcast %jit3A_74 : f32 to vector<32x2048xf32>
    %min3A_78 = arith.minimumf %min3A_77, %max3A_76 : vector<32x2048xf32>
    %swap3A_79 = arith.constant 0 : index
    %swap3A_80 = arith.constant 0 : index
    %swap3A_81 = vector.load %arg9[%swap3A_79, %swap3A_80] : memref<32x2048xf32, #tpu.memory_space<vmem>>, vector<32x2048xf32>
    tpu.vector_store %arg9[%swap3A_79, %swap3A_80], %min3A_78 {strides = array<i32>} : memref<32x2048xf32, #tpu.memory_space<vmem>>, vector<32x2048xf32>,
    return
  }
  func.func @transform_0(%arg0: i32) -> (i32, i32) {
    %c0_i32 = arith.constant 0 : i32
    %c0_i32_0 = arith.constant 0 : i32
    %c0_i32_1 = arith.constant 0 : i32
    return %c0_i32, %c0_i32_0 : i32, i32
  }
  func.func @transform_1(%arg0: i32) -> (i32, i32) {
    %c0_i32 = arith.constant 0 : i32
    %c0_i32_0 = arith.constant 0 : i32
    %c0_i32_1 = arith.constant 0 : i32
    return %c0_i32, %c0_i32_0 : i32, i32
  }
  func.func @transform_2(%arg0: i32) -> (i32, i32) {
    %c0_i32 = arith.constant 0 : i32
    %c0_i32_0 = arith.constant 0 : i32
    %c0_i32_1 = arith.constant 0 : i32
    return %c0_i32, %c0_i32_0 : i32, i32
  }
  func.func @transform_3(%arg0: i32) -> (i32, i32) {
    %c0_i32 = arith.constant 0 : i32
    %c0_i32_0 = arith.constant 0 : i32
    return %arg0, %c0_i32 : i32, i32
  }
  func.func @transform_4(%arg0: i32) -> (i32, i32) {
    %c0_i32 = arith.constant 0 : i32
    %c0_i32_0 = arith.constant 0 : i32
    return %c0_i32, %arg0 : i32, i32
  }
  func.func @transform_5(%arg0: i32) -> (i32, i32) {
    %c0_i32 = arith.constant 0 : i32
    %c0_i32_0 = arith.constant 0 : i32
    %c0_i32_1 = arith.constant 0 : i32
    return %c0_i32, %c0_i32_0 : i32, i32
  }
  func.func @transform_6(%arg0: i32) -> (i32, i32) {
    %c0_i32 = arith.constant 0 : i32
    %c0_i32_0 = arith.constant 0 : i32
    %c0_i32_1 = arith.constant 0 : i32
    return %c0_i32, %c0_i32_0 : i32, i32
  }
  func.func @transform_7(%arg0: i32) -> (i32, i32) {
    %c0_i32 = arith.constant 0 : i32
    %c0_i32_0 = arith.constant 0 : i32
    return %c0_i32, %arg0 : i32, i32
  }
  func.func @transform_8(%arg0: i32) -> (i32, i32) {
    %c0_i32 = arith.constant 0 : i32
    %c0_i32_0 = arith.constant 0 : i32
    return %c0_i32, %arg0 : i32, i32
  }
}

module attributes {stable_mosaic.version = 14 : i64} {
  func.func @_dft_body(%arg0: i32, %arg1: memref<8x256x256xf32, #tpu.memory_space<vmem>>, %arg2: memref<8x256x129xf32, #tpu.memory_space<vmem>>, %arg3: memref<256x129xf32, #tpu.memory_space<vmem>>, %arg4: memref<256x129xf32, #tpu.memory_space<vmem>>, %arg5: memref<256x256xf32, #tpu.memory_space<vmem>>, %arg6: memref<256x256xf32, #tpu.memory_space<vmem>>, %arg7: memref<256x256xf32, #tpu.memory_space<vmem>>, %arg8: memref<256x256xf32, #tpu.memory_space<vmem>>, %arg9: memref<129x256xf32, #tpu.memory_space<vmem>>, %arg10: memref<129x256xf32, #tpu.memory_space<vmem>>, %arg11: memref<8x256x256xf32, #tpu.memory_space<vmem>>) attributes {dimension_semantics = [#tpu.dimension_semantics<arbitrary>], iteration_bounds = array<i64: 4>, scalar_prefetch = 0 : i64, scratch_operands = 0 : i64, tpu.core_type = #tpu.core_type<tc>, window_params = [{transform_indices = @transform_0, window_bounds = array<i64: 8, 256, 256>}, {transform_indices = @transform_1, window_bounds = array<i64: 8, 256, 129>}, {pipeline_mode = #tpu.pipeline_mode<synchronous>, transform_indices = @transform_2, window_bounds = array<i64: 256, 129>}, {pipeline_mode = #tpu.pipeline_mode<synchronous>, transform_indices = @transform_3, window_bounds = array<i64: 256, 129>}, {pipeline_mode = #tpu.pipeline_mode<synchronous>, transform_indices = @transform_4, window_bounds = array<i64: 256, 256>}, {pipeline_mode = #tpu.pipeline_mode<synchronous>, transform_indices = @transform_5, window_bounds = array<i64: 256, 256>}, {pipeline_mode = #tpu.pipeline_mode<synchronous>, transform_indices = @transform_6, window_bounds = array<i64: 256, 256>}, {pipeline_mode = #tpu.pipeline_mode<synchronous>, transform_indices = @transform_7, window_bounds = array<i64: 256, 256>}, {pipeline_mode = #tpu.pipeline_mode<synchronous>, transform_indices = @transform_8, window_bounds = array<i64: 129, 256>}, {pipeline_mode = #tpu.pipeline_mode<synchronous>, transform_indices = @transform_9, window_bounds = array<i64: 129, 256>}, {transform_indices = @transform_10, window_bounds = array<i64: 8, 256, 256>}]} {
    %get3A = arith.constant 0 : index
    %get3A_0 = arith.constant 0 : index
    %get3A_1 = vector.load %arg3[%get3A, %get3A_0] : memref<256x129xf32, #tpu.memory_space<vmem>>, vector<256x129xf32>
    %get3A_2 = arith.constant 0 : index
    %get3A_3 = arith.constant 0 : index
    %get3A_4 = vector.load %arg4[%get3A_2, %get3A_3] : memref<256x129xf32, #tpu.memory_space<vmem>>, vector<256x129xf32>
    %get3A_5 = arith.constant 0 : index
    %get3A_6 = arith.constant 0 : index
    %get3A_7 = vector.load %arg5[%get3A_5, %get3A_6] : memref<256x256xf32, #tpu.memory_space<vmem>>, vector<256x256xf32>
    %get3A_8 = arith.constant 0 : index
    %get3A_9 = arith.constant 0 : index
    %get3A_10 = vector.load %arg6[%get3A_8, %get3A_9] : memref<256x256xf32, #tpu.memory_space<vmem>>, vector<256x256xf32>
    %get3A_11 = arith.constant 0 : index
    %get3A_12 = arith.constant 0 : index
    %get3A_13 = vector.load %arg7[%get3A_11, %get3A_12] : memref<256x256xf32, #tpu.memory_space<vmem>>, vector<256x256xf32>
    %get3A_14 = arith.constant 0 : index
    %get3A_15 = arith.constant 0 : index
    %get3A_16 = vector.load %arg8[%get3A_14, %get3A_15] : memref<256x256xf32, #tpu.memory_space<vmem>>, vector<256x256xf32>
    %get3A_17 = arith.constant 0 : index
    %get3A_18 = arith.constant 0 : index
    %get3A_19 = vector.load %arg9[%get3A_17, %get3A_18] : memref<129x256xf32, #tpu.memory_space<vmem>>, vector<129x256xf32>
    %get3A_20 = arith.constant 0 : index
    %get3A_21 = arith.constant 0 : index
    %get3A_22 = vector.load %arg10[%get3A_20, %get3A_21] : memref<129x256xf32, #tpu.memory_space<vmem>>, vector<129x256xf32>
    %get3A_23 = arith.constant 0 : index
    %get3A_24 = arith.constant 0 : index
    %get3A_25 = arith.constant 0 : index
    %get3A_26 = vector.load %arg1[%get3A_23, %get3A_24, %get3A_25] : memref<8x256x256xf32, #tpu.memory_space<vmem>>, vector<1x256x256xf32>
    %get3A_27 = vector.shape_cast %get3A_26 : vector<1x256x256xf32> to vector<256x256xf32>
    %dot_general3A = arith.constant dense<0.000000e+00> : vector<256x129xf32>
    %dot_general3A_28 = tpu.matmul %get3A_27, %get3A_1, %dot_general3A {dimension_numbers = #tpu.dot_dimension_numbers<[1], [0], [0], [1], [0, 0, 1, 1], [], []>, transpose_lhs_hint = false} : vector<256x256xf32>, vector<256x129xf32>, vector<256x129xf32> -> vector<256x129xf32>
    %dot_general3A_29 = arith.constant dense<0.000000e+00> : vector<256x129xf32>
    %dot_general3A_30 = tpu.matmul %get3A_27, %get3A_4, %dot_general3A_29 {dimension_numbers = #tpu.dot_dimension_numbers<[1], [0], [0], [1], [0, 0, 1, 1], [], []>, transpose_lhs_hint = false} : vector<256x256xf32>, vector<256x129xf32>, vector<256x129xf32> -> vector<256x129xf32>
    %dot_general3A_31 = arith.constant dense<0.000000e+00> : vector<256x129xf32>
    %dot_general3A_32 = tpu.matmul %get3A_7, %dot_general3A_28, %dot_general3A_31 {dimension_numbers = #tpu.dot_dimension_numbers<[1], [0], [0], [1], [0, 0, 1, 1], [], []>, transpose_lhs_hint = false} : vector<256x256xf32>, vector<256x129xf32>, vector<256x129xf32> -> vector<256x129xf32>
    %dot_general3A_33 = arith.constant dense<0.000000e+00> : vector<256x129xf32>
    %dot_general3A_34 = tpu.matmul %get3A_10, %dot_general3A_30, %dot_general3A_33 {dimension_numbers = #tpu.dot_dimension_numbers<[1], [0], [0], [1], [0, 0, 1, 1], [], []>, transpose_lhs_hint = false} : vector<256x256xf32>, vector<256x129xf32>, vector<256x129xf32> -> vector<256x129xf32>
    %sub3A = arith.subf %dot_general3A_32, %dot_general3A_34 : vector<256x129xf32>
    %dot_general3A_35 = arith.constant dense<0.000000e+00> : vector<256x129xf32>
    %dot_general3A_36 = tpu.matmul %get3A_7, %dot_general3A_30, %dot_general3A_35 {dimension_numbers = #tpu.dot_dimension_numbers<[1], [0], [0], [1], [0, 0, 1, 1], [], []>, transpose_lhs_hint = false} : vector<256x256xf32>, vector<256x129xf32>, vector<256x129xf32> -> vector<256x129xf32>
    %dot_general3A_37 = arith.constant dense<0.000000e+00> : vector<256x129xf32>
    %dot_general3A_38 = tpu.matmul %get3A_10, %dot_general3A_28, %dot_general3A_37 {dimension_numbers = #tpu.dot_dimension_numbers<[1], [0], [0], [1], [0, 0, 1, 1], [], []>, transpose_lhs_hint = false} : vector<256x256xf32>, vector<256x129xf32>, vector<256x129xf32> -> vector<256x129xf32>
    %add3A = arith.addf %dot_general3A_36, %dot_general3A_38 : vector<256x129xf32>
    %get3A_39 = arith.constant 0 : index
    %get3A_40 = arith.constant 0 : index
    %get3A_41 = arith.constant 0 : index
    %get3A_42 = vector.load %arg2[%get3A_39, %get3A_40, %get3A_41] : memref<8x256x129xf32, #tpu.memory_space<vmem>>, vector<1x256x129xf32>
    %get3A_43 = vector.shape_cast %get3A_42 : vector<1x256x129xf32> to vector<256x129xf32>
    %mul3A = arith.mulf %sub3A, %get3A_43 : vector<256x129xf32>
    %mul3A_44 = arith.mulf %add3A, %get3A_43 : vector<256x129xf32>
    %dot_general3A_45 = arith.constant dense<0.000000e+00> : vector<256x129xf32>
    %dot_general3A_46 = tpu.matmul %get3A_13, %mul3A, %dot_general3A_45 {dimension_numbers = #tpu.dot_dimension_numbers<[1], [0], [0], [1], [0, 0, 1, 1], [], []>, transpose_lhs_hint = false} : vector<256x256xf32>, vector<256x129xf32>, vector<256x129xf32> -> vector<256x129xf32>
    %dot_general3A_47 = arith.constant dense<0.000000e+00> : vector<256x129xf32>
    %dot_general3A_48 = tpu.matmul %get3A_16, %mul3A_44, %dot_general3A_47 {dimension_numbers = #tpu.dot_dimension_numbers<[1], [0], [0], [1], [0, 0, 1, 1], [], []>, transpose_lhs_hint = false} : vector<256x256xf32>, vector<256x129xf32>, vector<256x129xf32> -> vector<256x129xf32>
    %sub3A_49 = arith.subf %dot_general3A_46, %dot_general3A_48 : vector<256x129xf32>
    %dot_general3A_50 = arith.constant dense<0.000000e+00> : vector<256x129xf32>
    %dot_general3A_51 = tpu.matmul %get3A_13, %mul3A_44, %dot_general3A_50 {dimension_numbers = #tpu.dot_dimension_numbers<[1], [0], [0], [1], [0, 0, 1, 1], [], []>, transpose_lhs_hint = false} : vector<256x256xf32>, vector<256x129xf32>, vector<256x129xf32> -> vector<256x129xf32>
    %dot_general3A_52 = arith.constant dense<0.000000e+00> : vector<256x129xf32>
    %dot_general3A_53 = tpu.matmul %get3A_16, %mul3A, %dot_general3A_52 {dimension_numbers = #tpu.dot_dimension_numbers<[1], [0], [0], [1], [0, 0, 1, 1], [], []>, transpose_lhs_hint = false} : vector<256x256xf32>, vector<256x129xf32>, vector<256x129xf32> -> vector<256x129xf32>
    %add3A_54 = arith.addf %dot_general3A_51, %dot_general3A_53 : vector<256x129xf32>
    %dot_general3A_55 = arith.constant dense<0.000000e+00> : vector<256x256xf32>
    %dot_general3A_56 = tpu.matmul %sub3A_49, %get3A_19, %dot_general3A_55 {dimension_numbers = #tpu.dot_dimension_numbers<[1], [0], [0], [1], [0, 0, 1, 1], [], []>, transpose_lhs_hint = false} : vector<256x129xf32>, vector<129x256xf32>, vector<256x256xf32> -> vector<256x256xf32>
    %dot_general3A_57 = arith.constant dense<0.000000e+00> : vector<256x256xf32>
    %dot_general3A_58 = tpu.matmul %add3A_54, %get3A_22, %dot_general3A_57 {dimension_numbers = #tpu.dot_dimension_numbers<[1], [0], [0], [1], [0, 0, 1, 1], [], []>, transpose_lhs_hint = false} : vector<256x129xf32>, vector<129x256xf32>, vector<256x256xf32> -> vector<256x256xf32>
    %sub3A_59 = arith.subf %dot_general3A_56, %dot_general3A_58 : vector<256x256xf32>
    %swap3A = arith.constant 0 : index
    %swap3A_60 = arith.constant 0 : index
    %swap3A_61 = arith.constant 0 : index
    %swap3A_62 = vector.load %arg11[%swap3A, %swap3A_60, %swap3A_61] : memref<8x256x256xf32, #tpu.memory_space<vmem>>, vector<1x256x256xf32>
    %swap3A_63 = vector.shape_cast %swap3A_62 : vector<1x256x256xf32> to vector<256x256xf32>
    %swap3A_64 = vector.shape_cast %sub3A_59 : vector<256x256xf32> to vector<1x256x256xf32>
    tpu.vector_store %arg11[%swap3A, %swap3A_60, %swap3A_61], %swap3A_64 {strides = array<i32>} : memref<8x256x256xf32, #tpu.memory_space<vmem>>, vector<1x256x256xf32>,
    %get3A_65 = arith.constant 1 : index
    %get3A_66 = arith.constant 0 : index
    %get3A_67 = arith.constant 0 : index
    %get3A_68 = vector.load %arg1[%get3A_65, %get3A_66, %get3A_67] : memref<8x256x256xf32, #tpu.memory_space<vmem>>, vector<1x256x256xf32>
    %get3A_69 = vector.shape_cast %get3A_68 : vector<1x256x256xf32> to vector<256x256xf32>
    %dot_general3A_70 = arith.constant dense<0.000000e+00> : vector<256x129xf32>
    %dot_general3A_71 = tpu.matmul %get3A_69, %get3A_1, %dot_general3A_70 {dimension_numbers = #tpu.dot_dimension_numbers<[1], [0], [0], [1], [0, 0, 1, 1], [], []>, transpose_lhs_hint = false} : vector<256x256xf32>, vector<256x129xf32>, vector<256x129xf32> -> vector<256x129xf32>
    %dot_general3A_72 = arith.constant dense<0.000000e+00> : vector<256x129xf32>
    %dot_general3A_73 = tpu.matmul %get3A_69, %get3A_4, %dot_general3A_72 {dimension_numbers = #tpu.dot_dimension_numbers<[1], [0], [0], [1], [0, 0, 1, 1], [], []>, transpose_lhs_hint = false} : vector<256x256xf32>, vector<256x129xf32>, vector<256x129xf32> -> vector<256x129xf32>
    %dot_general3A_74 = arith.constant dense<0.000000e+00> : vector<256x129xf32>
    %dot_general3A_75 = tpu.matmul %get3A_7, %dot_general3A_71, %dot_general3A_74 {dimension_numbers = #tpu.dot_dimension_numbers<[1], [0], [0], [1], [0, 0, 1, 1], [], []>, transpose_lhs_hint = false} : vector<256x256xf32>, vector<256x129xf32>, vector<256x129xf32> -> vector<256x129xf32>
    %dot_general3A_76 = arith.constant dense<0.000000e+00> : vector<256x129xf32>
    %dot_general3A_77 = tpu.matmul %get3A_10, %dot_general3A_73, %dot_general3A_76 {dimension_numbers = #tpu.dot_dimension_numbers<[1], [0], [0], [1], [0, 0, 1, 1], [], []>, transpose_lhs_hint = false} : vector<256x256xf32>, vector<256x129xf32>, vector<256x129xf32> -> vector<256x129xf32>
    %sub3A_78 = arith.subf %dot_general3A_75, %dot_general3A_77 : vector<256x129xf32>
    %dot_general3A_79 = arith.constant dense<0.000000e+00> : vector<256x129xf32>
    %dot_general3A_80 = tpu.matmul %get3A_7, %dot_general3A_73, %dot_general3A_79 {dimension_numbers = #tpu.dot_dimension_numbers<[1], [0], [0], [1], [0, 0, 1, 1], [], []>, transpose_lhs_hint = false} : vector<256x256xf32>, vector<256x129xf32>, vector<256x129xf32> -> vector<256x129xf32>
    %dot_general3A_81 = arith.constant dense<0.000000e+00> : vector<256x129xf32>
    %dot_general3A_82 = tpu.matmul %get3A_10, %dot_general3A_71, %dot_general3A_81 {dimension_numbers = #tpu.dot_dimension_numbers<[1], [0], [0], [1], [0, 0, 1, 1], [], []>, transpose_lhs_hint = false} : vector<256x256xf32>, vector<256x129xf32>, vector<256x129xf32> -> vector<256x129xf32>
    %add3A_83 = arith.addf %dot_general3A_80, %dot_general3A_82 : vector<256x129xf32>
    %get3A_84 = arith.constant 1 : index
    %get3A_85 = arith.constant 0 : index
    %get3A_86 = arith.constant 0 : index
    %get3A_87 = vector.load %arg2[%get3A_84, %get3A_85, %get3A_86] : memref<8x256x129xf32, #tpu.memory_space<vmem>>, vector<1x256x129xf32>
    %get3A_88 = vector.shape_cast %get3A_87 : vector<1x256x129xf32> to vector<256x129xf32>
    %mul3A_89 = arith.mulf %sub3A_78, %get3A_88 : vector<256x129xf32>
    %mul3A_90 = arith.mulf %add3A_83, %get3A_88 : vector<256x129xf32>
    %dot_general3A_91 = arith.constant dense<0.000000e+00> : vector<256x129xf32>
    %dot_general3A_92 = tpu.matmul %get3A_13, %mul3A_89, %dot_general3A_91 {dimension_numbers = #tpu.dot_dimension_numbers<[1], [0], [0], [1], [0, 0, 1, 1], [], []>, transpose_lhs_hint = false} : vector<256x256xf32>, vector<256x129xf32>, vector<256x129xf32> -> vector<256x129xf32>
    %dot_general3A_93 = arith.constant dense<0.000000e+00> : vector<256x129xf32>
    %dot_general3A_94 = tpu.matmul %get3A_16, %mul3A_90, %dot_general3A_93 {dimension_numbers = #tpu.dot_dimension_numbers<[1], [0], [0], [1], [0, 0, 1, 1], [], []>, transpose_lhs_hint = false} : vector<256x256xf32>, vector<256x129xf32>, vector<256x129xf32> -> vector<256x129xf32>
    %sub3A_95 = arith.subf %dot_general3A_92, %dot_general3A_94 : vector<256x129xf32>
    %dot_general3A_96 = arith.constant dense<0.000000e+00> : vector<256x129xf32>
    %dot_general3A_97 = tpu.matmul %get3A_13, %mul3A_90, %dot_general3A_96 {dimension_numbers = #tpu.dot_dimension_numbers<[1], [0], [0], [1], [0, 0, 1, 1], [], []>, transpose_lhs_hint = false} : vector<256x256xf32>, vector<256x129xf32>, vector<256x129xf32> -> vector<256x129xf32>
    %dot_general3A_98 = arith.constant dense<0.000000e+00> : vector<256x129xf32>
    %dot_general3A_99 = tpu.matmul %get3A_16, %mul3A_89, %dot_general3A_98 {dimension_numbers = #tpu.dot_dimension_numbers<[1], [0], [0], [1], [0, 0, 1, 1], [], []>, transpose_lhs_hint = false} : vector<256x256xf32>, vector<256x129xf32>, vector<256x129xf32> -> vector<256x129xf32>
    %add3A_100 = arith.addf %dot_general3A_97, %dot_general3A_99 : vector<256x129xf32>
    %dot_general3A_101 = arith.constant dense<0.000000e+00> : vector<256x256xf32>
    %dot_general3A_102 = tpu.matmul %sub3A_95, %get3A_19, %dot_general3A_101 {dimension_numbers = #tpu.dot_dimension_numbers<[1], [0], [0], [1], [0, 0, 1, 1], [], []>, transpose_lhs_hint = false} : vector<256x129xf32>, vector<129x256xf32>, vector<256x256xf32> -> vector<256x256xf32>
    %dot_general3A_103 = arith.constant dense<0.000000e+00> : vector<256x256xf32>
    %dot_general3A_104 = tpu.matmul %add3A_100, %get3A_22, %dot_general3A_103 {dimension_numbers = #tpu.dot_dimension_numbers<[1], [0], [0], [1], [0, 0, 1, 1], [], []>, transpose_lhs_hint = false} : vector<256x129xf32>, vector<129x256xf32>, vector<256x256xf32> -> vector<256x256xf32>
    %sub3A_105 = arith.subf %dot_general3A_102, %dot_general3A_104 : vector<256x256xf32>
    %swap3A_106 = arith.constant 1 : index
    %swap3A_107 = arith.constant 0 : index
    %swap3A_108 = arith.constant 0 : index
    %swap3A_109 = vector.load %arg11[%swap3A_106, %swap3A_107, %swap3A_108] : memref<8x256x256xf32, #tpu.memory_space<vmem>>, vector<1x256x256xf32>
    %swap3A_110 = vector.shape_cast %swap3A_109 : vector<1x256x256xf32> to vector<256x256xf32>
    %swap3A_111 = vector.shape_cast %sub3A_105 : vector<256x256xf32> to vector<1x256x256xf32>
    tpu.vector_store %arg11[%swap3A_106, %swap3A_107, %swap3A_108], %swap3A_111 {strides = array<i32>} : memref<8x256x256xf32, #tpu.memory_space<vmem>>, vector<1x256x256xf32>,
    %get3A_112 = arith.constant 2 : index
    %get3A_113 = arith.constant 0 : index
    %get3A_114 = arith.constant 0 : index
    %get3A_115 = vector.load %arg1[%get3A_112, %get3A_113, %get3A_114] : memref<8x256x256xf32, #tpu.memory_space<vmem>>, vector<1x256x256xf32>
    %get3A_116 = vector.shape_cast %get3A_115 : vector<1x256x256xf32> to vector<256x256xf32>
    %dot_general3A_117 = arith.constant dense<0.000000e+00> : vector<256x129xf32>
    %dot_general3A_118 = tpu.matmul %get3A_116, %get3A_1, %dot_general3A_117 {dimension_numbers = #tpu.dot_dimension_numbers<[1], [0], [0], [1], [0, 0, 1, 1], [], []>, transpose_lhs_hint = false} : vector<256x256xf32>, vector<256x129xf32>, vector<256x129xf32> -> vector<256x129xf32>
    %dot_general3A_119 = arith.constant dense<0.000000e+00> : vector<256x129xf32>
    %dot_general3A_120 = tpu.matmul %get3A_116, %get3A_4, %dot_general3A_119 {dimension_numbers = #tpu.dot_dimension_numbers<[1], [0], [0], [1], [0, 0, 1, 1], [], []>, transpose_lhs_hint = false} : vector<256x256xf32>, vector<256x129xf32>, vector<256x129xf32> -> vector<256x129xf32>
    %dot_general3A_121 = arith.constant dense<0.000000e+00> : vector<256x129xf32>
    %dot_general3A_122 = tpu.matmul %get3A_7, %dot_general3A_118, %dot_general3A_121 {dimension_numbers = #tpu.dot_dimension_numbers<[1], [0], [0], [1], [0, 0, 1, 1], [], []>, transpose_lhs_hint = false} : vector<256x256xf32>, vector<256x129xf32>, vector<256x129xf32> -> vector<256x129xf32>
    %dot_general3A_123 = arith.constant dense<0.000000e+00> : vector<256x129xf32>
    %dot_general3A_124 = tpu.matmul %get3A_10, %dot_general3A_120, %dot_general3A_123 {dimension_numbers = #tpu.dot_dimension_numbers<[1], [0], [0], [1], [0, 0, 1, 1], [], []>, transpose_lhs_hint = false} : vector<256x256xf32>, vector<256x129xf32>, vector<256x129xf32> -> vector<256x129xf32>
    %sub3A_125 = arith.subf %dot_general3A_122, %dot_general3A_124 : vector<256x129xf32>
    %dot_general3A_126 = arith.constant dense<0.000000e+00> : vector<256x129xf32>
    %dot_general3A_127 = tpu.matmul %get3A_7, %dot_general3A_120, %dot_general3A_126 {dimension_numbers = #tpu.dot_dimension_numbers<[1], [0], [0], [1], [0, 0, 1, 1], [], []>, transpose_lhs_hint = false} : vector<256x256xf32>, vector<256x129xf32>, vector<256x129xf32> -> vector<256x129xf32>
    %dot_general3A_128 = arith.constant dense<0.000000e+00> : vector<256x129xf32>
    %dot_general3A_129 = tpu.matmul %get3A_10, %dot_general3A_118, %dot_general3A_128 {dimension_numbers = #tpu.dot_dimension_numbers<[1], [0], [0], [1], [0, 0, 1, 1], [], []>, transpose_lhs_hint = false} : vector<256x256xf32>, vector<256x129xf32>, vector<256x129xf32> -> vector<256x129xf32>
    %add3A_130 = arith.addf %dot_general3A_127, %dot_general3A_129 : vector<256x129xf32>
    %get3A_131 = arith.constant 2 : index
    %get3A_132 = arith.constant 0 : index
    %get3A_133 = arith.constant 0 : index
    %get3A_134 = vector.load %arg2[%get3A_131, %get3A_132, %get3A_133] : memref<8x256x129xf32, #tpu.memory_space<vmem>>, vector<1x256x129xf32>
    %get3A_135 = vector.shape_cast %get3A_134 : vector<1x256x129xf32> to vector<256x129xf32>
    %mul3A_136 = arith.mulf %sub3A_125, %get3A_135 : vector<256x129xf32>
    %mul3A_137 = arith.mulf %add3A_130, %get3A_135 : vector<256x129xf32>
    %dot_general3A_138 = arith.constant dense<0.000000e+00> : vector<256x129xf32>
    %dot_general3A_139 = tpu.matmul %get3A_13, %mul3A_136, %dot_general3A_138 {dimension_numbers = #tpu.dot_dimension_numbers<[1], [0], [0], [1], [0, 0, 1, 1], [], []>, transpose_lhs_hint = false} : vector<256x256xf32>, vector<256x129xf32>, vector<256x129xf32> -> vector<256x129xf32>
    %dot_general3A_140 = arith.constant dense<0.000000e+00> : vector<256x129xf32>
    %dot_general3A_141 = tpu.matmul %get3A_16, %mul3A_137, %dot_general3A_140 {dimension_numbers = #tpu.dot_dimension_numbers<[1], [0], [0], [1], [0, 0, 1, 1], [], []>, transpose_lhs_hint = false} : vector<256x256xf32>, vector<256x129xf32>, vector<256x129xf32> -> vector<256x129xf32>
    %sub3A_142 = arith.subf %dot_general3A_139, %dot_general3A_141 : vector<256x129xf32>
    %dot_general3A_143 = arith.constant dense<0.000000e+00> : vector<256x129xf32>
    %dot_general3A_144 = tpu.matmul %get3A_13, %mul3A_137, %dot_general3A_143 {dimension_numbers = #tpu.dot_dimension_numbers<[1], [0], [0], [1], [0, 0, 1, 1], [], []>, transpose_lhs_hint = false} : vector<256x256xf32>, vector<256x129xf32>, vector<256x129xf32> -> vector<256x129xf32>
    %dot_general3A_145 = arith.constant dense<0.000000e+00> : vector<256x129xf32>
    %dot_general3A_146 = tpu.matmul %get3A_16, %mul3A_136, %dot_general3A_145 {dimension_numbers = #tpu.dot_dimension_numbers<[1], [0], [0], [1], [0, 0, 1, 1], [], []>, transpose_lhs_hint = false} : vector<256x256xf32>, vector<256x129xf32>, vector<256x129xf32> -> vector<256x129xf32>
    %add3A_147 = arith.addf %dot_general3A_144, %dot_general3A_146 : vector<256x129xf32>
    %dot_general3A_148 = arith.constant dense<0.000000e+00> : vector<256x256xf32>
    %dot_general3A_149 = tpu.matmul %sub3A_142, %get3A_19, %dot_general3A_148 {dimension_numbers = #tpu.dot_dimension_numbers<[1], [0], [0], [1], [0, 0, 1, 1], [], []>, transpose_lhs_hint = false} : vector<256x129xf32>, vector<129x256xf32>, vector<256x256xf32> -> vector<256x256xf32>
    %dot_general3A_150 = arith.constant dense<0.000000e+00> : vector<256x256xf32>
    %dot_general3A_151 = tpu.matmul %add3A_147, %get3A_22, %dot_general3A_150 {dimension_numbers = #tpu.dot_dimension_numbers<[1], [0], [0], [1], [0, 0, 1, 1], [], []>, transpose_lhs_hint = false} : vector<256x129xf32>, vector<129x256xf32>, vector<256x256xf32> -> vector<256x256xf32>
    %sub3A_152 = arith.subf %dot_general3A_149, %dot_general3A_151 : vector<256x256xf32>
    %swap3A_153 = arith.constant 2 : index
    %swap3A_154 = arith.constant 0 : index
    %swap3A_155 = arith.constant 0 : index
    %swap3A_156 = vector.load %arg11[%swap3A_153, %swap3A_154, %swap3A_155] : memref<8x256x256xf32, #tpu.memory_space<vmem>>, vector<1x256x256xf32>
    %swap3A_157 = vector.shape_cast %swap3A_156 : vector<1x256x256xf32> to vector<256x256xf32>
    %swap3A_158 = vector.shape_cast %sub3A_152 : vector<256x256xf32> to vector<1x256x256xf32>
    tpu.vector_store %arg11[%swap3A_153, %swap3A_154, %swap3A_155], %swap3A_158 {strides = array<i32>} : memref<8x256x256xf32, #tpu.memory_space<vmem>>, vector<1x256x256xf32>,
    %get3A_159 = arith.constant 3 : index
    %get3A_160 = arith.constant 0 : index
    %get3A_161 = arith.constant 0 : index
    %get3A_162 = vector.load %arg1[%get3A_159, %get3A_160, %get3A_161] : memref<8x256x256xf32, #tpu.memory_space<vmem>>, vector<1x256x256xf32>
    %get3A_163 = vector.shape_cast %get3A_162 : vector<1x256x256xf32> to vector<256x256xf32>
    %dot_general3A_164 = arith.constant dense<0.000000e+00> : vector<256x129xf32>
    %dot_general3A_165 = tpu.matmul %get3A_163, %get3A_1, %dot_general3A_164 {dimension_numbers = #tpu.dot_dimension_numbers<[1], [0], [0], [1], [0, 0, 1, 1], [], []>, transpose_lhs_hint = false} : vector<256x256xf32>, vector<256x129xf32>, vector<256x129xf32> -> vector<256x129xf32>
    %dot_general3A_166 = arith.constant dense<0.000000e+00> : vector<256x129xf32>
    %dot_general3A_167 = tpu.matmul %get3A_163, %get3A_4, %dot_general3A_166 {dimension_numbers = #tpu.dot_dimension_numbers<[1], [0], [0], [1], [0, 0, 1, 1], [], []>, transpose_lhs_hint = false} : vector<256x256xf32>, vector<256x129xf32>, vector<256x129xf32> -> vector<256x129xf32>
    %dot_general3A_168 = arith.constant dense<0.000000e+00> : vector<256x129xf32>
    %dot_general3A_169 = tpu.matmul %get3A_7, %dot_general3A_165, %dot_general3A_168 {dimension_numbers = #tpu.dot_dimension_numbers<[1], [0], [0], [1], [0, 0, 1, 1], [], []>, transpose_lhs_hint = false} : vector<256x256xf32>, vector<256x129xf32>, vector<256x129xf32> -> vector<256x129xf32>
    %dot_general3A_170 = arith.constant dense<0.000000e+00> : vector<256x129xf32>
    %dot_general3A_171 = tpu.matmul %get3A_10, %dot_general3A_167, %dot_general3A_170 {dimension_numbers = #tpu.dot_dimension_numbers<[1], [0], [0], [1], [0, 0, 1, 1], [], []>, transpose_lhs_hint = false} : vector<256x256xf32>, vector<256x129xf32>, vector<256x129xf32> -> vector<256x129xf32>
    %sub3A_172 = arith.subf %dot_general3A_169, %dot_general3A_171 : vector<256x129xf32>
    %dot_general3A_173 = arith.constant dense<0.000000e+00> : vector<256x129xf32>
    %dot_general3A_174 = tpu.matmul %get3A_7, %dot_general3A_167, %dot_general3A_173 {dimension_numbers = #tpu.dot_dimension_numbers<[1], [0], [0], [1], [0, 0, 1, 1], [], []>, transpose_lhs_hint = false} : vector<256x256xf32>, vector<256x129xf32>, vector<256x129xf32> -> vector<256x129xf32>
    %dot_general3A_175 = arith.constant dense<0.000000e+00> : vector<256x129xf32>
    %dot_general3A_176 = tpu.matmul %get3A_10, %dot_general3A_165, %dot_general3A_175 {dimension_numbers = #tpu.dot_dimension_numbers<[1], [0], [0], [1], [0, 0, 1, 1], [], []>, transpose_lhs_hint = false} : vector<256x256xf32>, vector<256x129xf32>, vector<256x129xf32> -> vector<256x129xf32>
    %add3A_177 = arith.addf %dot_general3A_174, %dot_general3A_176 : vector<256x129xf32>
    %get3A_178 = arith.constant 3 : index
    %get3A_179 = arith.constant 0 : index
    %get3A_180 = arith.constant 0 : index
    %get3A_181 = vector.load %arg2[%get3A_178, %get3A_179, %get3A_180] : memref<8x256x129xf32, #tpu.memory_space<vmem>>, vector<1x256x129xf32>
    %get3A_182 = vector.shape_cast %get3A_181 : vector<1x256x129xf32> to vector<256x129xf32>
    %mul3A_183 = arith.mulf %sub3A_172, %get3A_182 : vector<256x129xf32>
    %mul3A_184 = arith.mulf %add3A_177, %get3A_182 : vector<256x129xf32>
    %dot_general3A_185 = arith.constant dense<0.000000e+00> : vector<256x129xf32>
    %dot_general3A_186 = tpu.matmul %get3A_13, %mul3A_183, %dot_general3A_185 {dimension_numbers = #tpu.dot_dimension_numbers<[1], [0], [0], [1], [0, 0, 1, 1], [], []>, transpose_lhs_hint = false} : vector<256x256xf32>, vector<256x129xf32>, vector<256x129xf32> -> vector<256x129xf32>
    %dot_general3A_187 = arith.constant dense<0.000000e+00> : vector<256x129xf32>
    %dot_general3A_188 = tpu.matmul %get3A_16, %mul3A_184, %dot_general3A_187 {dimension_numbers = #tpu.dot_dimension_numbers<[1], [0], [0], [1], [0, 0, 1, 1], [], []>, transpose_lhs_hint = false} : vector<256x256xf32>, vector<256x129xf32>, vector<256x129xf32> -> vector<256x129xf32>
    %sub3A_189 = arith.subf %dot_general3A_186, %dot_general3A_188 : vector<256x129xf32>
    %dot_general3A_190 = arith.constant dense<0.000000e+00> : vector<256x129xf32>
    %dot_general3A_191 = tpu.matmul %get3A_13, %mul3A_184, %dot_general3A_190 {dimension_numbers = #tpu.dot_dimension_numbers<[1], [0], [0], [1], [0, 0, 1, 1], [], []>, transpose_lhs_hint = false} : vector<256x256xf32>, vector<256x129xf32>, vector<256x129xf32> -> vector<256x129xf32>
    %dot_general3A_192 = arith.constant dense<0.000000e+00> : vector<256x129xf32>
    %dot_general3A_193 = tpu.matmul %get3A_16, %mul3A_183, %dot_general3A_192 {dimension_numbers = #tpu.dot_dimension_numbers<[1], [0], [0], [1], [0, 0, 1, 1], [], []>, transpose_lhs_hint = false} : vector<256x256xf32>, vector<256x129xf32>, vector<256x129xf32> -> vector<256x129xf32>
    %add3A_194 = arith.addf %dot_general3A_191, %dot_general3A_193 : vector<256x129xf32>
    %dot_general3A_195 = arith.constant dense<0.000000e+00> : vector<256x256xf32>
    %dot_general3A_196 = tpu.matmul %sub3A_189, %get3A_19, %dot_general3A_195 {dimension_numbers = #tpu.dot_dimension_numbers<[1], [0], [0], [1], [0, 0, 1, 1], [], []>, transpose_lhs_hint = false} : vector<256x129xf32>, vector<129x256xf32>, vector<256x256xf32> -> vector<256x256xf32>
    %dot_general3A_197 = arith.constant dense<0.000000e+00> : vector<256x256xf32>
    %dot_general3A_198 = tpu.matmul %add3A_194, %get3A_22, %dot_general3A_197 {dimension_numbers = #tpu.dot_dimension_numbers<[1], [0], [0], [1], [0, 0, 1, 1], [], []>, transpose_lhs_hint = false} : vector<256x129xf32>, vector<129x256xf32>, vector<256x256xf32> -> vector<256x256xf32>
    %sub3A_199 = arith.subf %dot_general3A_196, %dot_general3A_198 : vector<256x256xf32>
    %swap3A_200 = arith.constant 3 : index
    %swap3A_201 = arith.constant 0 : index
    %swap3A_202 = arith.constant 0 : index
    %swap3A_203 = vector.load %arg11[%swap3A_200, %swap3A_201, %swap3A_202] : memref<8x256x256xf32, #tpu.memory_space<vmem>>, vector<1x256x256xf32>
    %swap3A_204 = vector.shape_cast %swap3A_203 : vector<1x256x256xf32> to vector<256x256xf32>
    %swap3A_205 = vector.shape_cast %sub3A_199 : vector<256x256xf32> to vector<1x256x256xf32>
    tpu.vector_store %arg11[%swap3A_200, %swap3A_201, %swap3A_202], %swap3A_205 {strides = array<i32>} : memref<8x256x256xf32, #tpu.memory_space<vmem>>, vector<1x256x256xf32>,
    %get3A_206 = arith.constant 4 : index
    %get3A_207 = arith.constant 0 : index
    %get3A_208 = arith.constant 0 : index
    %get3A_209 = vector.load %arg1[%get3A_206, %get3A_207, %get3A_208] : memref<8x256x256xf32, #tpu.memory_space<vmem>>, vector<1x256x256xf32>
    %get3A_210 = vector.shape_cast %get3A_209 : vector<1x256x256xf32> to vector<256x256xf32>
    %dot_general3A_211 = arith.constant dense<0.000000e+00> : vector<256x129xf32>
    %dot_general3A_212 = tpu.matmul %get3A_210, %get3A_1, %dot_general3A_211 {dimension_numbers = #tpu.dot_dimension_numbers<[1], [0], [0], [1], [0, 0, 1, 1], [], []>, transpose_lhs_hint = false} : vector<256x256xf32>, vector<256x129xf32>, vector<256x129xf32> -> vector<256x129xf32>
    %dot_general3A_213 = arith.constant dense<0.000000e+00> : vector<256x129xf32>
    %dot_general3A_214 = tpu.matmul %get3A_210, %get3A_4, %dot_general3A_213 {dimension_numbers = #tpu.dot_dimension_numbers<[1], [0], [0], [1], [0, 0, 1, 1], [], []>, transpose_lhs_hint = false} : vector<256x256xf32>, vector<256x129xf32>, vector<256x129xf32> -> vector<256x129xf32>
    %dot_general3A_215 = arith.constant dense<0.000000e+00> : vector<256x129xf32>
    %dot_general3A_216 = tpu.matmul %get3A_7, %dot_general3A_212, %dot_general3A_215 {dimension_numbers = #tpu.dot_dimension_numbers<[1], [0], [0], [1], [0, 0, 1, 1], [], []>, transpose_lhs_hint = false} : vector<256x256xf32>, vector<256x129xf32>, vector<256x129xf32> -> vector<256x129xf32>
    %dot_general3A_217 = arith.constant dense<0.000000e+00> : vector<256x129xf32>
    %dot_general3A_218 = tpu.matmul %get3A_10, %dot_general3A_214, %dot_general3A_217 {dimension_numbers = #tpu.dot_dimension_numbers<[1], [0], [0], [1], [0, 0, 1, 1], [], []>, transpose_lhs_hint = false} : vector<256x256xf32>, vector<256x129xf32>, vector<256x129xf32> -> vector<256x129xf32>
    %sub3A_219 = arith.subf %dot_general3A_216, %dot_general3A_218 : vector<256x129xf32>
    %dot_general3A_220 = arith.constant dense<0.000000e+00> : vector<256x129xf32>
    %dot_general3A_221 = tpu.matmul %get3A_7, %dot_general3A_214, %dot_general3A_220 {dimension_numbers = #tpu.dot_dimension_numbers<[1], [0], [0], [1], [0, 0, 1, 1], [], []>, transpose_lhs_hint = false} : vector<256x256xf32>, vector<256x129xf32>, vector<256x129xf32> -> vector<256x129xf32>
    %dot_general3A_222 = arith.constant dense<0.000000e+00> : vector<256x129xf32>
    %dot_general3A_223 = tpu.matmul %get3A_10, %dot_general3A_212, %dot_general3A_222 {dimension_numbers = #tpu.dot_dimension_numbers<[1], [0], [0], [1], [0, 0, 1, 1], [], []>, transpose_lhs_hint = false} : vector<256x256xf32>, vector<256x129xf32>, vector<256x129xf32> -> vector<256x129xf32>
    %add3A_224 = arith.addf %dot_general3A_221, %dot_general3A_223 : vector<256x129xf32>
    %get3A_225 = arith.constant 4 : index
    %get3A_226 = arith.constant 0 : index
    %get3A_227 = arith.constant 0 : index
    %get3A_228 = vector.load %arg2[%get3A_225, %get3A_226, %get3A_227] : memref<8x256x129xf32, #tpu.memory_space<vmem>>, vector<1x256x129xf32>
    %get3A_229 = vector.shape_cast %get3A_228 : vector<1x256x129xf32> to vector<256x129xf32>
    %mul3A_230 = arith.mulf %sub3A_219, %get3A_229 : vector<256x129xf32>
    %mul3A_231 = arith.mulf %add3A_224, %get3A_229 : vector<256x129xf32>
    %dot_general3A_232 = arith.constant dense<0.000000e+00> : vector<256x129xf32>
    %dot_general3A_233 = tpu.matmul %get3A_13, %mul3A_230, %dot_general3A_232 {dimension_numbers = #tpu.dot_dimension_numbers<[1], [0], [0], [1], [0, 0, 1, 1], [], []>, transpose_lhs_hint = false} : vector<256x256xf32>, vector<256x129xf32>, vector<256x129xf32> -> vector<256x129xf32>
    %dot_general3A_234 = arith.constant dense<0.000000e+00> : vector<256x129xf32>
    %dot_general3A_235 = tpu.matmul %get3A_16, %mul3A_231, %dot_general3A_234 {dimension_numbers = #tpu.dot_dimension_numbers<[1], [0], [0], [1], [0, 0, 1, 1], [], []>, transpose_lhs_hint = false} : vector<256x256xf32>, vector<256x129xf32>, vector<256x129xf32> -> vector<256x129xf32>
    %sub3A_236 = arith.subf %dot_general3A_233, %dot_general3A_235 : vector<256x129xf32>
    %dot_general3A_237 = arith.constant dense<0.000000e+00> : vector<256x129xf32>
    %dot_general3A_238 = tpu.matmul %get3A_13, %mul3A_231, %dot_general3A_237 {dimension_numbers = #tpu.dot_dimension_numbers<[1], [0], [0], [1], [0, 0, 1, 1], [], []>, transpose_lhs_hint = false} : vector<256x256xf32>, vector<256x129xf32>, vector<256x129xf32> -> vector<256x129xf32>
    %dot_general3A_239 = arith.constant dense<0.000000e+00> : vector<256x129xf32>
    %dot_general3A_240 = tpu.matmul %get3A_16, %mul3A_230, %dot_general3A_239 {dimension_numbers = #tpu.dot_dimension_numbers<[1], [0], [0], [1], [0, 0, 1, 1], [], []>, transpose_lhs_hint = false} : vector<256x256xf32>, vector<256x129xf32>, vector<256x129xf32> -> vector<256x129xf32>
    %add3A_241 = arith.addf %dot_general3A_238, %dot_general3A_240 : vector<256x129xf32>
    %dot_general3A_242 = arith.constant dense<0.000000e+00> : vector<256x256xf32>
    %dot_general3A_243 = tpu.matmul %sub3A_236, %get3A_19, %dot_general3A_242 {dimension_numbers = #tpu.dot_dimension_numbers<[1], [0], [0], [1], [0, 0, 1, 1], [], []>, transpose_lhs_hint = false} : vector<256x129xf32>, vector<129x256xf32>, vector<256x256xf32> -> vector<256x256xf32>
    %dot_general3A_244 = arith.constant dense<0.000000e+00> : vector<256x256xf32>
    %dot_general3A_245 = tpu.matmul %add3A_241, %get3A_22, %dot_general3A_244 {dimension_numbers = #tpu.dot_dimension_numbers<[1], [0], [0], [1], [0, 0, 1, 1], [], []>, transpose_lhs_hint = false} : vector<256x129xf32>, vector<129x256xf32>, vector<256x256xf32> -> vector<256x256xf32>
    %sub3A_246 = arith.subf %dot_general3A_243, %dot_general3A_245 : vector<256x256xf32>
    %swap3A_247 = arith.constant 4 : index
    %swap3A_248 = arith.constant 0 : index
    %swap3A_249 = arith.constant 0 : index
    %swap3A_250 = vector.load %arg11[%swap3A_247, %swap3A_248, %swap3A_249] : memref<8x256x256xf32, #tpu.memory_space<vmem>>, vector<1x256x256xf32>
    %swap3A_251 = vector.shape_cast %swap3A_250 : vector<1x256x256xf32> to vector<256x256xf32>
    %swap3A_252 = vector.shape_cast %sub3A_246 : vector<256x256xf32> to vector<1x256x256xf32>
    tpu.vector_store %arg11[%swap3A_247, %swap3A_248, %swap3A_249], %swap3A_252 {strides = array<i32>} : memref<8x256x256xf32, #tpu.memory_space<vmem>>, vector<1x256x256xf32>,
    %get3A_253 = arith.constant 5 : index
    %get3A_254 = arith.constant 0 : index
    %get3A_255 = arith.constant 0 : index
    %get3A_256 = vector.load %arg1[%get3A_253, %get3A_254, %get3A_255] : memref<8x256x256xf32, #tpu.memory_space<vmem>>, vector<1x256x256xf32>
    %get3A_257 = vector.shape_cast %get3A_256 : vector<1x256x256xf32> to vector<256x256xf32>
    %dot_general3A_258 = arith.constant dense<0.000000e+00> : vector<256x129xf32>
    %dot_general3A_259 = tpu.matmul %get3A_257, %get3A_1, %dot_general3A_258 {dimension_numbers = #tpu.dot_dimension_numbers<[1], [0], [0], [1], [0, 0, 1, 1], [], []>, transpose_lhs_hint = false} : vector<256x256xf32>, vector<256x129xf32>, vector<256x129xf32> -> vector<256x129xf32>
    %dot_general3A_260 = arith.constant dense<0.000000e+00> : vector<256x129xf32>
    %dot_general3A_261 = tpu.matmul %get3A_257, %get3A_4, %dot_general3A_260 {dimension_numbers = #tpu.dot_dimension_numbers<[1], [0], [0], [1], [0, 0, 1, 1], [], []>, transpose_lhs_hint = false} : vector<256x256xf32>, vector<256x129xf32>, vector<256x129xf32> -> vector<256x129xf32>
    %dot_general3A_262 = arith.constant dense<0.000000e+00> : vector<256x129xf32>
    %dot_general3A_263 = tpu.matmul %get3A_7, %dot_general3A_259, %dot_general3A_262 {dimension_numbers = #tpu.dot_dimension_numbers<[1], [0], [0], [1], [0, 0, 1, 1], [], []>, transpose_lhs_hint = false} : vector<256x256xf32>, vector<256x129xf32>, vector<256x129xf32> -> vector<256x129xf32>
    %dot_general3A_264 = arith.constant dense<0.000000e+00> : vector<256x129xf32>
    %dot_general3A_265 = tpu.matmul %get3A_10, %dot_general3A_261, %dot_general3A_264 {dimension_numbers = #tpu.dot_dimension_numbers<[1], [0], [0], [1], [0, 0, 1, 1], [], []>, transpose_lhs_hint = false} : vector<256x256xf32>, vector<256x129xf32>, vector<256x129xf32> -> vector<256x129xf32>
    %sub3A_266 = arith.subf %dot_general3A_263, %dot_general3A_265 : vector<256x129xf32>
    %dot_general3A_267 = arith.constant dense<0.000000e+00> : vector<256x129xf32>
    %dot_general3A_268 = tpu.matmul %get3A_7, %dot_general3A_261, %dot_general3A_267 {dimension_numbers = #tpu.dot_dimension_numbers<[1], [0], [0], [1], [0, 0, 1, 1], [], []>, transpose_lhs_hint = false} : vector<256x256xf32>, vector<256x129xf32>, vector<256x129xf32> -> vector<256x129xf32>
    %dot_general3A_269 = arith.constant dense<0.000000e+00> : vector<256x129xf32>
    %dot_general3A_270 = tpu.matmul %get3A_10, %dot_general3A_259, %dot_general3A_269 {dimension_numbers = #tpu.dot_dimension_numbers<[1], [0], [0], [1], [0, 0, 1, 1], [], []>, transpose_lhs_hint = false} : vector<256x256xf32>, vector<256x129xf32>, vector<256x129xf32> -> vector<256x129xf32>
    %add3A_271 = arith.addf %dot_general3A_268, %dot_general3A_270 : vector<256x129xf32>
    %get3A_272 = arith.constant 5 : index
    %get3A_273 = arith.constant 0 : index
    %get3A_274 = arith.constant 0 : index
    %get3A_275 = vector.load %arg2[%get3A_272, %get3A_273, %get3A_274] : memref<8x256x129xf32, #tpu.memory_space<vmem>>, vector<1x256x129xf32>
    %get3A_276 = vector.shape_cast %get3A_275 : vector<1x256x129xf32> to vector<256x129xf32>
    %mul3A_277 = arith.mulf %sub3A_266, %get3A_276 : vector<256x129xf32>
    %mul3A_278 = arith.mulf %add3A_271, %get3A_276 : vector<256x129xf32>
    %dot_general3A_279 = arith.constant dense<0.000000e+00> : vector<256x129xf32>
    %dot_general3A_280 = tpu.matmul %get3A_13, %mul3A_277, %dot_general3A_279 {dimension_numbers = #tpu.dot_dimension_numbers<[1], [0], [0], [1], [0, 0, 1, 1], [], []>, transpose_lhs_hint = false} : vector<256x256xf32>, vector<256x129xf32>, vector<256x129xf32> -> vector<256x129xf32>
    %dot_general3A_281 = arith.constant dense<0.000000e+00> : vector<256x129xf32>
    %dot_general3A_282 = tpu.matmul %get3A_16, %mul3A_278, %dot_general3A_281 {dimension_numbers = #tpu.dot_dimension_numbers<[1], [0], [0], [1], [0, 0, 1, 1], [], []>, transpose_lhs_hint = false} : vector<256x256xf32>, vector<256x129xf32>, vector<256x129xf32> -> vector<256x129xf32>
    %sub3A_283 = arith.subf %dot_general3A_280, %dot_general3A_282 : vector<256x129xf32>
    %dot_general3A_284 = arith.constant dense<0.000000e+00> : vector<256x129xf32>
    %dot_general3A_285 = tpu.matmul %get3A_13, %mul3A_278, %dot_general3A_284 {dimension_numbers = #tpu.dot_dimension_numbers<[1], [0], [0], [1], [0, 0, 1, 1], [], []>, transpose_lhs_hint = false} : vector<256x256xf32>, vector<256x129xf32>, vector<256x129xf32> -> vector<256x129xf32>
    %dot_general3A_286 = arith.constant dense<0.000000e+00> : vector<256x129xf32>
    %dot_general3A_287 = tpu.matmul %get3A_16, %mul3A_277, %dot_general3A_286 {dimension_numbers = #tpu.dot_dimension_numbers<[1], [0], [0], [1], [0, 0, 1, 1], [], []>, transpose_lhs_hint = false} : vector<256x256xf32>, vector<256x129xf32>, vector<256x129xf32> -> vector<256x129xf32>
    %add3A_288 = arith.addf %dot_general3A_285, %dot_general3A_287 : vector<256x129xf32>
    %dot_general3A_289 = arith.constant dense<0.000000e+00> : vector<256x256xf32>
    %dot_general3A_290 = tpu.matmul %sub3A_283, %get3A_19, %dot_general3A_289 {dimension_numbers = #tpu.dot_dimension_numbers<[1], [0], [0], [1], [0, 0, 1, 1], [], []>, transpose_lhs_hint = false} : vector<256x129xf32>, vector<129x256xf32>, vector<256x256xf32> -> vector<256x256xf32>
    %dot_general3A_291 = arith.constant dense<0.000000e+00> : vector<256x256xf32>
    %dot_general3A_292 = tpu.matmul %add3A_288, %get3A_22, %dot_general3A_291 {dimension_numbers = #tpu.dot_dimension_numbers<[1], [0], [0], [1], [0, 0, 1, 1], [], []>, transpose_lhs_hint = false} : vector<256x129xf32>, vector<129x256xf32>, vector<256x256xf32> -> vector<256x256xf32>
    %sub3A_293 = arith.subf %dot_general3A_290, %dot_general3A_292 : vector<256x256xf32>
    %swap3A_294 = arith.constant 5 : index
    %swap3A_295 = arith.constant 0 : index
    %swap3A_296 = arith.constant 0 : index
    %swap3A_297 = vector.load %arg11[%swap3A_294, %swap3A_295, %swap3A_296] : memref<8x256x256xf32, #tpu.memory_space<vmem>>, vector<1x256x256xf32>
    %swap3A_298 = vector.shape_cast %swap3A_297 : vector<1x256x256xf32> to vector<256x256xf32>
    %swap3A_299 = vector.shape_cast %sub3A_293 : vector<256x256xf32> to vector<1x256x256xf32>
    tpu.vector_store %arg11[%swap3A_294, %swap3A_295, %swap3A_296], %swap3A_299 {strides = array<i32>} : memref<8x256x256xf32, #tpu.memory_space<vmem>>, vector<1x256x256xf32>,
    %get3A_300 = arith.constant 6 : index
    %get3A_301 = arith.constant 0 : index
    %get3A_302 = arith.constant 0 : index
    %get3A_303 = vector.load %arg1[%get3A_300, %get3A_301, %get3A_302] : memref<8x256x256xf32, #tpu.memory_space<vmem>>, vector<1x256x256xf32>
    %get3A_304 = vector.shape_cast %get3A_303 : vector<1x256x256xf32> to vector<256x256xf32>
    %dot_general3A_305 = arith.constant dense<0.000000e+00> : vector<256x129xf32>
    %dot_general3A_306 = tpu.matmul %get3A_304, %get3A_1, %dot_general3A_305 {dimension_numbers = #tpu.dot_dimension_numbers<[1], [0], [0], [1], [0, 0, 1, 1], [], []>, transpose_lhs_hint = false} : vector<256x256xf32>, vector<256x129xf32>, vector<256x129xf32> -> vector<256x129xf32>
    %dot_general3A_307 = arith.constant dense<0.000000e+00> : vector<256x129xf32>
    %dot_general3A_308 = tpu.matmul %get3A_304, %get3A_4, %dot_general3A_307 {dimension_numbers = #tpu.dot_dimension_numbers<[1], [0], [0], [1], [0, 0, 1, 1], [], []>, transpose_lhs_hint = false} : vector<256x256xf32>, vector<256x129xf32>, vector<256x129xf32> -> vector<256x129xf32>
    %dot_general3A_309 = arith.constant dense<0.000000e+00> : vector<256x129xf32>
    %dot_general3A_310 = tpu.matmul %get3A_7, %dot_general3A_306, %dot_general3A_309 {dimension_numbers = #tpu.dot_dimension_numbers<[1], [0], [0], [1], [0, 0, 1, 1], [], []>, transpose_lhs_hint = false} : vector<256x256xf32>, vector<256x129xf32>, vector<256x129xf32> -> vector<256x129xf32>
    %dot_general3A_311 = arith.constant dense<0.000000e+00> : vector<256x129xf32>
    %dot_general3A_312 = tpu.matmul %get3A_10, %dot_general3A_308, %dot_general3A_311 {dimension_numbers = #tpu.dot_dimension_numbers<[1], [0], [0], [1], [0, 0, 1, 1], [], []>, transpose_lhs_hint = false} : vector<256x256xf32>, vector<256x129xf32>, vector<256x129xf32> -> vector<256x129xf32>
    %sub3A_313 = arith.subf %dot_general3A_310, %dot_general3A_312 : vector<256x129xf32>
    %dot_general3A_314 = arith.constant dense<0.000000e+00> : vector<256x129xf32>
    %dot_general3A_315 = tpu.matmul %get3A_7, %dot_general3A_308, %dot_general3A_314 {dimension_numbers = #tpu.dot_dimension_numbers<[1], [0], [0], [1], [0, 0, 1, 1], [], []>, transpose_lhs_hint = false} : vector<256x256xf32>, vector<256x129xf32>, vector<256x129xf32> -> vector<256x129xf32>
    %dot_general3A_316 = arith.constant dense<0.000000e+00> : vector<256x129xf32>
    %dot_general3A_317 = tpu.matmul %get3A_10, %dot_general3A_306, %dot_general3A_316 {dimension_numbers = #tpu.dot_dimension_numbers<[1], [0], [0], [1], [0, 0, 1, 1], [], []>, transpose_lhs_hint = false} : vector<256x256xf32>, vector<256x129xf32>, vector<256x129xf32> -> vector<256x129xf32>
    %add3A_318 = arith.addf %dot_general3A_315, %dot_general3A_317 : vector<256x129xf32>
    %get3A_319 = arith.constant 6 : index
    %get3A_320 = arith.constant 0 : index
    %get3A_321 = arith.constant 0 : index
    %get3A_322 = vector.load %arg2[%get3A_319, %get3A_320, %get3A_321] : memref<8x256x129xf32, #tpu.memory_space<vmem>>, vector<1x256x129xf32>
    %get3A_323 = vector.shape_cast %get3A_322 : vector<1x256x129xf32> to vector<256x129xf32>
    %mul3A_324 = arith.mulf %sub3A_313, %get3A_323 : vector<256x129xf32>
    %mul3A_325 = arith.mulf %add3A_318, %get3A_323 : vector<256x129xf32>
    %dot_general3A_326 = arith.constant dense<0.000000e+00> : vector<256x129xf32>
    %dot_general3A_327 = tpu.matmul %get3A_13, %mul3A_324, %dot_general3A_326 {dimension_numbers = #tpu.dot_dimension_numbers<[1], [0], [0], [1], [0, 0, 1, 1], [], []>, transpose_lhs_hint = false} : vector<256x256xf32>, vector<256x129xf32>, vector<256x129xf32> -> vector<256x129xf32>
    %dot_general3A_328 = arith.constant dense<0.000000e+00> : vector<256x129xf32>
    %dot_general3A_329 = tpu.matmul %get3A_16, %mul3A_325, %dot_general3A_328 {dimension_numbers = #tpu.dot_dimension_numbers<[1], [0], [0], [1], [0, 0, 1, 1], [], []>, transpose_lhs_hint = false} : vector<256x256xf32>, vector<256x129xf32>, vector<256x129xf32> -> vector<256x129xf32>
    %sub3A_330 = arith.subf %dot_general3A_327, %dot_general3A_329 : vector<256x129xf32>
    %dot_general3A_331 = arith.constant dense<0.000000e+00> : vector<256x129xf32>
    %dot_general3A_332 = tpu.matmul %get3A_13, %mul3A_325, %dot_general3A_331 {dimension_numbers = #tpu.dot_dimension_numbers<[1], [0], [0], [1], [0, 0, 1, 1], [], []>, transpose_lhs_hint = false} : vector<256x256xf32>, vector<256x129xf32>, vector<256x129xf32> -> vector<256x129xf32>
    %dot_general3A_333 = arith.constant dense<0.000000e+00> : vector<256x129xf32>
    %dot_general3A_334 = tpu.matmul %get3A_16, %mul3A_324, %dot_general3A_333 {dimension_numbers = #tpu.dot_dimension_numbers<[1], [0], [0], [1], [0, 0, 1, 1], [], []>, transpose_lhs_hint = false} : vector<256x256xf32>, vector<256x129xf32>, vector<256x129xf32> -> vector<256x129xf32>
    %add3A_335 = arith.addf %dot_general3A_332, %dot_general3A_334 : vector<256x129xf32>
    %dot_general3A_336 = arith.constant dense<0.000000e+00> : vector<256x256xf32>
    %dot_general3A_337 = tpu.matmul %sub3A_330, %get3A_19, %dot_general3A_336 {dimension_numbers = #tpu.dot_dimension_numbers<[1], [0], [0], [1], [0, 0, 1, 1], [], []>, transpose_lhs_hint = false} : vector<256x129xf32>, vector<129x256xf32>, vector<256x256xf32> -> vector<256x256xf32>
    %dot_general3A_338 = arith.constant dense<0.000000e+00> : vector<256x256xf32>
    %dot_general3A_339 = tpu.matmul %add3A_335, %get3A_22, %dot_general3A_338 {dimension_numbers = #tpu.dot_dimension_numbers<[1], [0], [0], [1], [0, 0, 1, 1], [], []>, transpose_lhs_hint = false} : vector<256x129xf32>, vector<129x256xf32>, vector<256x256xf32> -> vector<256x256xf32>
    %sub3A_340 = arith.subf %dot_general3A_337, %dot_general3A_339 : vector<256x256xf32>
    %swap3A_341 = arith.constant 6 : index
    %swap3A_342 = arith.constant 0 : index
    %swap3A_343 = arith.constant 0 : index
    %swap3A_344 = vector.load %arg11[%swap3A_341, %swap3A_342, %swap3A_343] : memref<8x256x256xf32, #tpu.memory_space<vmem>>, vector<1x256x256xf32>
    %swap3A_345 = vector.shape_cast %swap3A_344 : vector<1x256x256xf32> to vector<256x256xf32>
    %swap3A_346 = vector.shape_cast %sub3A_340 : vector<256x256xf32> to vector<1x256x256xf32>
    tpu.vector_store %arg11[%swap3A_341, %swap3A_342, %swap3A_343], %swap3A_346 {strides = array<i32>} : memref<8x256x256xf32, #tpu.memory_space<vmem>>, vector<1x256x256xf32>,
    %get3A_347 = arith.constant 7 : index
    %get3A_348 = arith.constant 0 : index
    %get3A_349 = arith.constant 0 : index
    %get3A_350 = vector.load %arg1[%get3A_347, %get3A_348, %get3A_349] : memref<8x256x256xf32, #tpu.memory_space<vmem>>, vector<1x256x256xf32>
    %get3A_351 = vector.shape_cast %get3A_350 : vector<1x256x256xf32> to vector<256x256xf32>
    %dot_general3A_352 = arith.constant dense<0.000000e+00> : vector<256x129xf32>
    %dot_general3A_353 = tpu.matmul %get3A_351, %get3A_1, %dot_general3A_352 {dimension_numbers = #tpu.dot_dimension_numbers<[1], [0], [0], [1], [0, 0, 1, 1], [], []>, transpose_lhs_hint = false} : vector<256x256xf32>, vector<256x129xf32>, vector<256x129xf32> -> vector<256x129xf32>
    %dot_general3A_354 = arith.constant dense<0.000000e+00> : vector<256x129xf32>
    %dot_general3A_355 = tpu.matmul %get3A_351, %get3A_4, %dot_general3A_354 {dimension_numbers = #tpu.dot_dimension_numbers<[1], [0], [0], [1], [0, 0, 1, 1], [], []>, transpose_lhs_hint = false} : vector<256x256xf32>, vector<256x129xf32>, vector<256x129xf32> -> vector<256x129xf32>
    %dot_general3A_356 = arith.constant dense<0.000000e+00> : vector<256x129xf32>
    %dot_general3A_357 = tpu.matmul %get3A_7, %dot_general3A_353, %dot_general3A_356 {dimension_numbers = #tpu.dot_dimension_numbers<[1], [0], [0], [1], [0, 0, 1, 1], [], []>, transpose_lhs_hint = false} : vector<256x256xf32>, vector<256x129xf32>, vector<256x129xf32> -> vector<256x129xf32>
    %dot_general3A_358 = arith.constant dense<0.000000e+00> : vector<256x129xf32>
    %dot_general3A_359 = tpu.matmul %get3A_10, %dot_general3A_355, %dot_general3A_358 {dimension_numbers = #tpu.dot_dimension_numbers<[1], [0], [0], [1], [0, 0, 1, 1], [], []>, transpose_lhs_hint = false} : vector<256x256xf32>, vector<256x129xf32>, vector<256x129xf32> -> vector<256x129xf32>
    %sub3A_360 = arith.subf %dot_general3A_357, %dot_general3A_359 : vector<256x129xf32>
    %dot_general3A_361 = arith.constant dense<0.000000e+00> : vector<256x129xf32>
    %dot_general3A_362 = tpu.matmul %get3A_7, %dot_general3A_355, %dot_general3A_361 {dimension_numbers = #tpu.dot_dimension_numbers<[1], [0], [0], [1], [0, 0, 1, 1], [], []>, transpose_lhs_hint = false} : vector<256x256xf32>, vector<256x129xf32>, vector<256x129xf32> -> vector<256x129xf32>
    %dot_general3A_363 = arith.constant dense<0.000000e+00> : vector<256x129xf32>
    %dot_general3A_364 = tpu.matmul %get3A_10, %dot_general3A_353, %dot_general3A_363 {dimension_numbers = #tpu.dot_dimension_numbers<[1], [0], [0], [1], [0, 0, 1, 1], [], []>, transpose_lhs_hint = false} : vector<256x256xf32>, vector<256x129xf32>, vector<256x129xf32> -> vector<256x129xf32>
    %add3A_365 = arith.addf %dot_general3A_362, %dot_general3A_364 : vector<256x129xf32>
    %get3A_366 = arith.constant 7 : index
    %get3A_367 = arith.constant 0 : index
    %get3A_368 = arith.constant 0 : index
    %get3A_369 = vector.load %arg2[%get3A_366, %get3A_367, %get3A_368] : memref<8x256x129xf32, #tpu.memory_space<vmem>>, vector<1x256x129xf32>
    %get3A_370 = vector.shape_cast %get3A_369 : vector<1x256x129xf32> to vector<256x129xf32>
    %mul3A_371 = arith.mulf %sub3A_360, %get3A_370 : vector<256x129xf32>
    %mul3A_372 = arith.mulf %add3A_365, %get3A_370 : vector<256x129xf32>
    %dot_general3A_373 = arith.constant dense<0.000000e+00> : vector<256x129xf32>
    %dot_general3A_374 = tpu.matmul %get3A_13, %mul3A_371, %dot_general3A_373 {dimension_numbers = #tpu.dot_dimension_numbers<[1], [0], [0], [1], [0, 0, 1, 1], [], []>, transpose_lhs_hint = false} : vector<256x256xf32>, vector<256x129xf32>, vector<256x129xf32> -> vector<256x129xf32>
    %dot_general3A_375 = arith.constant dense<0.000000e+00> : vector<256x129xf32>
    %dot_general3A_376 = tpu.matmul %get3A_16, %mul3A_372, %dot_general3A_375 {dimension_numbers = #tpu.dot_dimension_numbers<[1], [0], [0], [1], [0, 0, 1, 1], [], []>, transpose_lhs_hint = false} : vector<256x256xf32>, vector<256x129xf32>, vector<256x129xf32> -> vector<256x129xf32>
    %sub3A_377 = arith.subf %dot_general3A_374, %dot_general3A_376 : vector<256x129xf32>
    %dot_general3A_378 = arith.constant dense<0.000000e+00> : vector<256x129xf32>
    %dot_general3A_379 = tpu.matmul %get3A_13, %mul3A_372, %dot_general3A_378 {dimension_numbers = #tpu.dot_dimension_numbers<[1], [0], [0], [1], [0, 0, 1, 1], [], []>, transpose_lhs_hint = false} : vector<256x256xf32>, vector<256x129xf32>, vector<256x129xf32> -> vector<256x129xf32>
    %dot_general3A_380 = arith.constant dense<0.000000e+00> : vector<256x129xf32>
    %dot_general3A_381 = tpu.matmul %get3A_16, %mul3A_371, %dot_general3A_380 {dimension_numbers = #tpu.dot_dimension_numbers<[1], [0], [0], [1], [0, 0, 1, 1], [], []>, transpose_lhs_hint = false} : vector<256x256xf32>, vector<256x129xf32>, vector<256x129xf32> -> vector<256x129xf32>
    %add3A_382 = arith.addf %dot_general3A_379, %dot_general3A_381 : vector<256x129xf32>
    %dot_general3A_383 = arith.constant dense<0.000000e+00> : vector<256x256xf32>
    %dot_general3A_384 = tpu.matmul %sub3A_377, %get3A_19, %dot_general3A_383 {dimension_numbers = #tpu.dot_dimension_numbers<[1], [0], [0], [1], [0, 0, 1, 1], [], []>, transpose_lhs_hint = false} : vector<256x129xf32>, vector<129x256xf32>, vector<256x256xf32> -> vector<256x256xf32>
    %dot_general3A_385 = arith.constant dense<0.000000e+00> : vector<256x256xf32>
    %dot_general3A_386 = tpu.matmul %add3A_382, %get3A_22, %dot_general3A_385 {dimension_numbers = #tpu.dot_dimension_numbers<[1], [0], [0], [1], [0, 0, 1, 1], [], []>, transpose_lhs_hint = false} : vector<256x129xf32>, vector<129x256xf32>, vector<256x256xf32> -> vector<256x256xf32>
    %sub3A_387 = arith.subf %dot_general3A_384, %dot_general3A_386 : vector<256x256xf32>
    %swap3A_388 = arith.constant 7 : index
    %swap3A_389 = arith.constant 0 : index
    %swap3A_390 = arith.constant 0 : index
    %swap3A_391 = vector.load %arg11[%swap3A_388, %swap3A_389, %swap3A_390] : memref<8x256x256xf32, #tpu.memory_space<vmem>>, vector<1x256x256xf32>
    %swap3A_392 = vector.shape_cast %swap3A_391 : vector<1x256x256xf32> to vector<256x256xf32>
    %swap3A_393 = vector.shape_cast %sub3A_387 : vector<256x256xf32> to vector<1x256x256xf32>
    tpu.vector_store %arg11[%swap3A_388, %swap3A_389, %swap3A_390], %swap3A_393 {strides = array<i32>} : memref<8x256x256xf32, #tpu.memory_space<vmem>>, vector<1x256x256xf32>,
    return
  }
  func.func @transform_0(%arg0: i32) -> (i32, i32, i32) {
    %c0_i32 = arith.constant 0 : i32
    %c0_i32_0 = arith.constant 0 : i32
    %c0_i32_1 = arith.constant 0 : i32
    return %arg0, %c0_i32, %c0_i32_0 : i32, i32, i32
  }
  func.func @transform_1(%arg0: i32) -> (i32, i32, i32) {
    %c0_i32 = arith.constant 0 : i32
    %c0_i32_0 = arith.constant 0 : i32
    %c0_i32_1 = arith.constant 0 : i32
    return %arg0, %c0_i32, %c0_i32_0 : i32, i32, i32
  }
  func.func @transform_2(%arg0: i32) -> (i32, i32) {
    %c0_i32 = arith.constant 0 : i32
    %c0_i32_0 = arith.constant 0 : i32
    %c0_i32_1 = arith.constant 0 : i32
    return %c0_i32, %c0_i32_0 : i32, i32
  }
  func.func @transform_3(%arg0: i32) -> (i32, i32) {
    %c0_i32 = arith.constant 0 : i32
    %c0_i32_0 = arith.constant 0 : i32
    %c0_i32_1 = arith.constant 0 : i32
    return %c0_i32, %c0_i32_0 : i32, i32
  }
  func.func @transform_4(%arg0: i32) -> (i32, i32) {
    %c0_i32 = arith.constant 0 : i32
    %c0_i32_0 = arith.constant 0 : i32
    %c0_i32_1 = arith.constant 0 : i32
    return %c0_i32, %c0_i32_0 : i32, i32
  }
  func.func @transform_5(%arg0: i32) -> (i32, i32) {
    %c0_i32 = arith.constant 0 : i32
    %c0_i32_0 = arith.constant 0 : i32
    %c0_i32_1 = arith.constant 0 : i32
    return %c0_i32, %c0_i32_0 : i32, i32
  }
  func.func @transform_6(%arg0: i32) -> (i32, i32) {
    %c0_i32 = arith.constant 0 : i32
    %c0_i32_0 = arith.constant 0 : i32
    %c0_i32_1 = arith.constant 0 : i32
    return %c0_i32, %c0_i32_0 : i32, i32
  }
  func.func @transform_7(%arg0: i32) -> (i32, i32) {
    %c0_i32 = arith.constant 0 : i32
    %c0_i32_0 = arith.constant 0 : i32
    %c0_i32_1 = arith.constant 0 : i32
    return %c0_i32, %c0_i32_0 : i32, i32
  }
  func.func @transform_8(%arg0: i32) -> (i32, i32) {
    %c0_i32 = arith.constant 0 : i32
    %c0_i32_0 = arith.constant 0 : i32
    %c0_i32_1 = arith.constant 0 : i32
    return %c0_i32, %c0_i32_0 : i32, i32
  }
  func.func @transform_9(%arg0: i32) -> (i32, i32) {
    %c0_i32 = arith.constant 0 : i32
    %c0_i32_0 = arith.constant 0 : i32
    %c0_i32_1 = arith.constant 0 : i32
    return %c0_i32, %c0_i32_0 : i32, i32
  }
  func.func @transform_10(%arg0: i32) -> (i32, i32, i32) {
    %c0_i32 = arith.constant 0 : i32
    %c0_i32_0 = arith.constant 0 : i32
    %c0_i32_1 = arith.constant 0 : i32
    return %arg0, %c0_i32, %c0_i32_0 : i32, i32, i32
  }
}

</mosaic_0001>

<sc_bundles>
// kernel: kernel.5.cloned.1.call-start
scs
__scs_entry_jumppad:
0x0: {  	(pc) =	sbr.rel $0x88, $3  }
0x1: {  	(tag) =	ssettag $0x0;
	lr =	simm.s32 $0x1  }
0x2: {  	[smem:$0x3F99] =	sst lr;
	_ =	strace $0xD0000000  }
0x3: {  	_ = 	snop  }
0x4: {  	_ = 	snop  }
0x5: {  	_ = 	snop  }
0x6: {  	_ = 	snop  }
0x7: {  	_ = 	snop  }
__scs_overlays_trampoline_lowered:
0x8: {  	[smem:$0x3FA8] =	sst s0  }
0x9: {  	[smem:$0x3FA9] =	sst s1  }
0xa: {  	[smem:$0x3FAA] =	sst s2  }
0xb: {  	[smem:$0x3FAB] =	sst s3  }
0xc: {  	[smem:$0x3FAC] =	sst s4  }
0xd: {  	[smem:$0x3FAD] =	sst s5  }
0xe: {  	[smem:$0x3FAE] =	sst s6  }
0xf: {  	[smem:$0x3FAF] =	sst s7  }
0x10: {  	[smem:$0x3FB0] =	sst s8  }
0x11: {  	[smem:$0x3FB1] =	sst s9;
	s0 =	simm.s32 @!p0 $0x0  }
0x12: {  	s1 =	sld [smem:$0x3F97];
	s0 =	simm.s32 @p0 $0x1  }
0x13: {  	[smem:$0x3FB2] =	sst s0;
	s0 =	simm.s32 @!p1 $0x0  }
0x14: {  	s2 =	sld [smem:$0x3F96];
	s0 =	simm.s32 @p1 $0x1  }
0x15: {  	[smem:$0x3FB3] =	sst s0;
	s0 =	simm.s32 @!p2 $0x0  }
0x16: {  	s3 =	sld [smem:$0x3FDB];
	s0 =	simm.s32 @p2 $0x1  }
0x17: {  	s4 =	simm.s32 $0x1BF5;
	[smem:$0x3FB5] =	sst s0  }
0x18: {  	s0 =	sld [smem:$0x3F98];
	_ =	swait.ge [sflag:s4], $0x0  }
0x19: {  	s7 =	sld [smem:$0x3F99]  }
0x1a: {  	s8 =	sadd.s32 $0xFFFFE003, lr  }
0x1b: {  	s9 =	sadd.s32 $0xFFFFFEF7, lr;
	s5 =	simm.s32 $0xFFFFFFFF;
	p2 =	slt.u32 s8, $0xFFFFF086  }
0x1c: {  	p1 =	slt.u32 s9, $0xF7A;
	s5 =	simm.s32 @!p2 $0x0  }
0x1d: {  	s5 =	simm.s32 @p1 $0x1;
	p0 =	seq.s32 s7, s2  }
0x1e: {  	s7 =	smul.u32 @!p0 $0xF7A, s2;
	p2 =	seq.s32 @!p0 s5, $0x0  }
0x1f: {  	s9 =	smul.u32 $0xF7A, s1;
	s8 =	simm.s32 @!p0 $0x1BF5;
	p2 =	por !p2, p0  }
0x20: {  	[sflag:s8] =	ssyncset.s32 @!p0 $0xFFFFF086;
	s6 =	sadd.s32 @!p0 s3, s7;
	s7 =	simm.s32 @!p0 $0x108  }
0x21: {  	s3 =	sadd.s32 s3, s9;
	s6 =	sadd.s32 @!p0 $0x88, s6;
	s7 =	simm.s32 @p2 $0x1082  }
0x22: {  	[simem:s7], [sflag:s8] =	dma.local @!p0 [hbm:s6], $0xF7A  }
0x23: {  	s9 =	sor.u32 $0xD0000000, s2;
	s6 =	simm.s32 $0x108;
	_ =	swait.ge @!p0 [sflag:s8], $0x0  }
0x24: {  	s3 =	sadd.s32 $0x88, s3;
	s6 =	simm.s32 @!p1 $0x1082;
	[sflag:s4] =	ssyncset.s32 $0xFFFFF086  }
0x25: {  	[simem:s6], [sflag:s4] =	dma.local [hbm:s3], $0xF7A  }
0x26: {  	[smem:$0x3F99] =	sst s1;
	(tag) =	ssettag s2;
	_ =	strace s9  }
0x27: {  	s1 =	sld [smem:$0x3FA9]  }
0x28: {  	s2 =	sld [smem:$0x3FAA]  }
0x29: {  	s4 =	sld [smem:$0x3FAC]  }
0x2a: {  	p0 =	seq.s32 s5, $0x0;
	s5 =	sld [smem:$0x3FAD]  }
0x2b: {  	s6 =	sld [smem:$0x3FAE]  }
0x2c: {  	s7 =	sld [smem:$0x3FAF]  }
0x2d: {  	s3 =	simm.s32 $0x108;
	s8 =	sld [smem:$0x3FB0]  }
0x2e: {  	s3 =	simm.s32 @!p0 $0x1082;
	s9 =	sld [smem:$0x3FB1]  }
0x2f: {  	lr =	sadd.s32 s0, s3;
	s0 =	sld [smem:$0x3FA8]  }
0x30: {  	s3 =	sld [smem:$0x3FAB]  }
0x31: {  	[smem:$0x3FB4] =	sst s10  }
0x32: {  	s10 =	sld [smem:$0x3FB2];
	_ =	sdelay $0x3  }
0x33: {  	p0 =	seq.s32 s10, $0x1;
	s10 =	sld [smem:$0x3FB4];
	_ =	sdelay $0x3  }
0x34: {  	[smem:$0x3FB4] =	sst s10  }
0x35: {  	s10 =	sld [smem:$0x3FB3];
	_ =	sdelay $0x3  }
0x36: {  	p1 =	seq.s32 s10, $0x1;
	s10 =	sld [smem:$0x3FB4];
	_ =	sdelay $0x3  }
0x37: {  	[smem:$0x3FB4] =	sst s10  }
0x38: {  	s10 =	sld [smem:$0x3FB5]  }
0x39: {  	_ = 	snop;
	(pc) =	sbr.ind lr, $3  }
0x3a: {  	_ = 	snop  }
0x3b: {  	_ = 	snop  }
0x3c: {  	p2 =	seq.s32 s10, $0x1;
	s10 =	sld [smem:$0x3FB4]  }
0x3d: {  	_ =	shalt  }
0x3e: {  	_ =	shalt  }
0x3f: {  	_ =	shalt  }
0x40: {  	_ =	shalt  }
0x41: {  	_ =	shalt  }
0x42: {  	_ =	shalt  }
0x43: {  	_ =	shalt  }
0x44: {  	_ =	shalt  }
0x45: {  	_ =	shalt  }
0x46: {  	_ =	shalt  }
0x47: {  	_ =	shalt  }
0x48: {  	_ =	shalt  }
0x49: {  	_ =	shalt  }
0x4a: {  	_ =	shalt  }
0x4b: {  	_ =	shalt  }
0x4c: {  	_ =	shalt  }
0x4d: {  	_ =	shalt  }
0x4e: {  	_ =	shalt  }
0x4f: {  	_ =	shalt  }
0x50: {  	_ =	shalt  }
0x51: {  	_ =	shalt  }
0x52: {  	_ =	shalt  }
0x53: {  	_ =	shalt  }
0x54: {  	_ =	shalt  }
0x55: {  	_ =	shalt  }
0x56: {  	_ =	shalt  }
0x57: {  	_ =	shalt  }
0x58: {  	_ =	shalt  }
0x59: {  	_ =	shalt  }
0x5a: {  	_ =	shalt  }
0x5b: {  	_ =	shalt  }
0x5c: {  	_ =	shalt  }
0x5d: {  	_ =	shalt  }
0x5e: {  	_ =	shalt  }
0x5f: {  	_ =	shalt  }
0x60: {  	_ =	shalt  }
0x61: {  	_ =	shalt  }
0x62: {  	_ =	shalt  }
0x63: {  	_ =	shalt  }
0x64: {  	_ =	shalt  }
0x65: {  	_ =	shalt  }
0x66: {  	_ =	shalt  }
0x67: {  	_ =	shalt  }
0x68: {  	_ =	shalt  }
0x69: {  	_ =	shalt  }
0x6a: {  	_ =	shalt  }
0x6b: {  	_ =	shalt  }
0x6c: {  	_ =	shalt  }
0x6d: {  	_ =	shalt  }
0x6e: {  	_ =	shalt  }
0x6f: {  	_ =	shalt  }
0x70: {  	_ =	shalt  }
0x71: {  	_ =	shalt  }
0x72: {  	_ =	shalt  }
0x73: {  	_ =	shalt  }
0x74: {  	_ =	shalt  }
0x75: {  	_ =	shalt  }
0x76: {  	_ =	shalt  }
0x77: {  	_ =	shalt  }
0x78: {  	_ =	shalt  }
0x79: {  	_ =	shalt  }
0x7a: {  	_ =	shalt  }
0x7b: {  	_ =	shalt  }
0x7c: {  	_ =	shalt  }
0x7d: {  	_ =	shalt  }
0x7e: {  	_ =	shalt  }
0x7f: {  	_ =	shalt  }
0x80: {  	_ =	shalt  }
0x81: {  	_ =	shalt  }
0x82: {  	_ =	shalt  }
0x83: {  	_ =	shalt  }
0x84: {  	_ =	shalt  }
0x85: {  	_ =	shalt  }
0x86: {  	_ =	shalt  }
0x87: {  	_ =	shalt  }
.Lfunc_end0:
.L_simem_size_0:
called_computation_lowered:
.L_overlay_start_0:
0x88: {  	s2 =	sld [smem:$0x3FD9]  }
0x89: {  	s3 =	sld [smem:$0x3FFE];
	_ =	sdelay $0x1  }
0x8a: {  	s1 =	srdreg.scid  }
0x8b: {  	s0 =	sand.u32 $0x1, s1  }
0x8c: {  	s17 =	sshll.u32 s0, $0xA;
	s2 =	sadd.s32 s3, s2  }
0x8d: {  	s2 =	sadd.s32 s2, s17  }
0x8e: {  	[smem:$0x3FC0] =	sst s2  }
0x8f: {  	_ = 	snop  }
0x90: {  	s2 =	sld [smem:$0x3FD0];
	(tm) =	ssettm $0x1  }
0x91: {  	s18 =	sld [smem:$0x3FFB];
	_ =	sdelay $0x3  }
0x92: {  	_ =	strace s18  }
0x93: {  	s3 =	sld [smem:$0x3FFC];
	_ =	sdelay $0x3  }
0x94: {  	_ =	strace s3  }
0x95: {  	s3 =	sld [smem:$0x3FFD];
	_ =	sdelay $0x3  }
0x96: {  	_ =	strace s3  }
0x97: {  	_ =	strace $0x8FFFFFFF  }
0x98: {  	s19 =	sld [smem:$0x3FDB];
	_ =	sdelay $0x1  }
0x99: {  	s4 =	simm.s32 $_scs_section_size  }
0x9a: {  	s5 =	simm.s32 $_size__tile_overlayer_lowered;
	s6 =	simm.s32 $_tile_overlayer_lowered  }
0x9b: {  	s22 =	simm.s32 $0x1BFF;
	s21 =	sshll.u32 s6, $0x1;
	s3 =	sadd.s32 s4, s19  }
0x9c: {  	s7 =	simm.s32 $0x0;
	s20 =	sshll.u32 s5, $0x1;
	s5 =	sadd.s32 s21, s3  }
0x9d: {  	[timem:s7], [sflag:s22] =	dma.local [hbm:s5], s20  }
0x9e: {  	_ =	swait.ge [sflag:s22], s20  }
0x9f: {  	s4 =	ssub.s32 $0x0, s20;
	[sflag:s22] =	ssyncset.done $0x0  }
0xa0: {  	[sflag:s22] =	ssyncadd.s32 s4;
	_ =	sdelay $0x1  }
0xa1: {  	s23 =	simm.s32 $0x1B8B  }
0xa2: {  	_ =	swait.ge [sflag:s23], $0x1  }
0xa3: {  	[sflag:s23] =	ssyncset.done $0x0  }
0xa4: {  	s25 =	simm.s32 $0x1B8E;
	s24 =	sld [smem:$0x3FFE];
	[sflag:s23] =	ssyncadd.s32 $0xFFFFFFFF  }
0xa5: {  	s26 =	simm.s32 $execute0_lowered;
	[smem:$0x3FD2] =	sst s25  }
0xa6: {  	s5 =	sshll.u32 s26, $0x1;
	_ =	strace $0x80000046;
	[dreg:$0x1] =	wrdreg $0xFFFFFFFF  }
0xa7: {  	s28 =	simm.s32 $_size_execute0_lowered;
	s3 =	sadd.s32 s3, s5;
	[dreg:$0x0] =	wrdreg $0x0  }
0xa8: {  	s5 =	sshll.u32 s28, $0x1;
	[dreg:$0x2] =	wrdreg s3  }
0xa9: {  	[dreg:$0x3] =	wrdreg s5  }
0xaa: {  	[dreg:$0x4] =	wrdreg $0xC0  }
0xab: {  	_ =	task [dreg:s7], $0x5FFFF  }
0xac: {  	[dreg:$0x1] =	wrdreg $0xFFFFFFFF  }
0xad: {  	[dreg:$0x0] =	wrdreg $0x60  }
0xae: {  	[dreg:$0x2] =	wrdreg s24  }
0xaf: {  	[dreg:$0x3] =	wrdreg s2  }
0xb0: {  	[dreg:$0x4] =	wrdreg $0x9  }
0xb1: {  	_ =	task.clear_ibuf [dreg:s7], $0x5FFFF;
	_ =	strace $0x90000046  }
0xb2: {  	s29 =	simm.s32 $0x9;
	_ =	strace $0x80000048  }
0xb3: {  	_ =	swait.ge [sflag:s29], $0x1  }
0xb4: {  	[sflag:s29] =	ssyncadd.s32 $0xFFFFFFFF  }
0xb5: {  	_ =	strace $0x90000048  }
0xb6: {  	_ =	sfence  }
0xb7: {  	s30 =	sld [smem:$0x0];
	_ =	sdelay $0x2  }
0xb8: {  	s31 =	sshll.u32 s1, $0xD;
	s1 =	sshrl.u32 s1, $0x2  }
0xb9: {  	s3 =	sand.u32 $0x4000, s31;
	s1 =	sadd.s32 s1, s30  }
0xba: {  	s0 =	sor.u32 s3, s0;
	s1 =	sshll.u32 s1, $0x11  }
0xbb: {  	s0 =	sor.u32 s1, s0  }
0xbc: {  	s0 =	sadd.s32 $0x8F2B, s0  }
0xbd: {  	[sflag:s0] =	ssyncadd.remote.s32 $0x1  }
0xbe: {  	_ =	sfence.sel $0xFFFF  }
0xbf: {  	[dreg:$0x0] =	wrdreg $0xFFFFFFFF;
	(pc) =	sbr.abs _section_cstart, $3  }
0xc0: {  	[dreg:$0x1] =	wrdreg $0xFFFFFFFF  }
0xc1: {  	_ =	task.clear_ibuf [dreg:s7], $0x2FFFF;
	_ =	strace $0x9FFFFFFF  }
0xc2: {  	(tm) =	ssettm $0x7FFFFFFF  }
0xc3: {  	_ =	shalt  }
tec
execute0_lowered:
.L_overlay_start_1:
0x0: {  	(tag) =	ssettag $0x1  }
0x1: {  	s5 =	rddreg [dreg:$0x0];
	s1 =	srdreg.scid  }
0x2: {  	s0 =	stileid.u32;
	s8 =	rddreg [dreg:$0x1];
	s2 =	simm.s32 $0x0  }
0x3: {  	s12 =	simm.s32 $0x2;
	s13 =	simm.s32 $0x9D00;
	s14 =	simm.s32 $0x3  }
0x4: {  	s15 =	simm.s32 $0x0;
	s6 =	sand.u32 $0x1, s1;
	s1 =	rddreg [dreg:$0x2]  }
0x5: {  	s3 =	sshll.u32 s0, $0x1;
	[smem:$0x7FF] =	sst s2;
	s4 =	sadd.s32 $0x67A00, s5  }
0x6: {  	s5 =	sadd.s32 $0x3A00, s5;
	s7 =	sor.u32 s6, s3;
	s6 =	ssub.s32 $0x2, s6  }
0x7: {  	s3 =	smul.u32 $0x19000, s7;
	s9 =	sshrl.u32 s6, $0x1;
	s11 =	sshll.u32 s7, $0xD  }
0x8: {  	_ =	strace $0x80000047;
	s9 =	ssub.s32 s6, s9;
	s8 =	sadd.s32 s8, s11  }
0x9: {  	s11 =	simm.s32 $0x1;
	s10 =	sshrl.u32 s3, $0x3;
	s9 =	smax.u32 s9, $0x1  }
0xa: {  	v0 =	vimm.f32 $0.0e+00;
	s6 =	sadd.s32 s4, s10;
	s7 =	sadd.s32 s5, s10;
	s10 =	simm.s32 $0x4E80  }
.LBB2_1:
0xb: {  	p0 =	por $0x0, $0x0  }
.Ltmp0:
0xc: {  	_ = 	snop;
	(pc) =	sbr.rel @p0 .LBB2_3-.Ltmp0, $4  }
0xd: {  	_ = 	snop  }
0xe: {  	[tilespmem:s2], [sflag:$0x1] =	stream.linear.gather [hbm4b:s6+s2], $0x2710, $0x38;
	[tilespmem:$0x19D00] =	vst v63  }
0xf: {  	s16 =	simm.s32 $0x0;
	s17 =	simm.s32 $0x200  }
0x10: {  	[tilespmem:s10], [sflag:$0x2] =	stream.linear.gather [hbm4b:s7+s2], $0x2710, $0x38;
	[tilespmem:$0x19D00] =	vst v63  }
.LBB2_2:
0x11: {  	p0 =	seq.s32 s17, $0x3FE00;
	[tilespmem:s16+$0x9D70] =	vst v0  }
0x12: {  	[tilespmem:s16+$0x9D00] =	vst v0  }
0x13: {  	[tilespmem:s16+$0x9D10] =	vst v0  }
.Ltmp1:
0x14: {  	[tilespmem:s16+$0x9D20] =	vst v0;
	(pc) =	sbr.rel @!p0 .LBB2_2-.Ltmp1, $4  }
0x15: {  	[tilespmem:s16+$0x9D30] =	vst v0  }
0x16: {  	[tilespmem:s16+$0x9D40] =	vst v0  }
0x17: {  	[tilespmem:s16+$0x9D50] =	vst v0  }
0x18: {  	[tilespmem:s16+$0x9D60] =	vst v0;
	s16 =	sshra.s32 s17, $0x2;
	s17 =	sadd.s32 $0x200, s17  }
.LBB2_3:
0x19: {  	[tilespmem:s16+$0x9D70] =	vst v0  }
0x1a: {  	[tilespmem:s16+$0x9D00] =	vst v0  }
0x1b: {  	[tilespmem:s16+$0x9D10] =	vst v0  }
0x1c: {  	[tilespmem:s16+$0x9D20] =	vst v0  }
0x1d: {  	[tilespmem:s16+$0x9D30] =	vst v0  }
0x1e: {  	[tilespmem:s16+$0x9D40] =	vst v0  }
0x1f: {  	[tilespmem:s16+$0x9D50] =	vst v0  }
0x20: {  	[tilespmem:s16+$0x9D60] =	vst v0;
	s16 =	simm.s32 $0x0;
	p0 =	por $0x0, $0x0  }
.LBB2_5:
0x21: {  	s17 =	smov.u32 s16;
	s18 =	simm.s32 $0x1  }
0x22: {  	_ =	swait.ge [sflag:s11], $0x2710;
	s16 =	sadd.s32 $0x1, s16;
	p1 =	seq.s32 s17, $0x9  }
0x23: {  	s18 =	simm.s32 @!p0 $0x0;
	[sflag:s11] =	ssyncset.done $0x0;
	s19 =	smul.u32 @!p1 $0x2710, s16  }
0x24: {  	s17 =	sand.u32 $0x1, s17;
	s20 =	smul.u32 $0x9C40, s18;
	[sflag:s11] =	ssyncadd.s32 $0xFFFFD8F0  }
0x25: {  	s17 =	sxor.u32 @!p1 $0x1, s17;
	s22 =	simm.s32 @!p1 $0x0;
	_ =	swait.ge [sflag:s12], $0x2710  }
0x26: {  	s17 =	smul.u32 @!p1 $0x2710, s17;
	s19 =	sadd.s32 @!p1 s3, s19;
	[sflag:s12] =	ssyncset.done $0x0  }
0x27: {  	s20 =	sshrl.u32 s20, $0x2;
	s19 =	sshrl.u32 @!p1 s19, $0x3;
	[sflag:s12] =	ssyncadd.s32 $0xFFFFD8F0  }
0x28: {  	s31 =	sadd.s32 $0x170, s20;
	s20 =	sadd.s32 $0x4E80, s20;
	s21 =	sadd.s32 @!p1 s4, s19  }
0x29: {  	v1 =	vmov s31;
	[tilespmem:s17], [sflag:$0x1] =	stream.linear.gather @!p1 [hbm4b:s21+s22], $0x2710, $0x38;
	[tilespmem:$0x19D00] =	vst v63  }
0x2a: {  	s19 =	sadd.s32 @!p1 s5, s19;
	v2 =	vmov s20;
	s17 =	sadd.s32 @!p1 $0x4E80, s17  }
0x2b: {  	[tilespmem:s17], [sflag:$0x2] =	stream.linear.gather @!p1 [hbm4b:s19+s22], $0x2710, $0x38;
	[tilespmem:$0x19D00] =	vst v63  }
0x2c: {  	s17 =	smul.u32 $0x2710, s18;
	s18 =	simm.s32 $0x0  }
.LBB2_6:
0x2d: {  	s19 =	sshra.s32 s18, $0x2  }
0x2e: {  	v3 =	vld.idx.msk [tilespmem:v1+s19+$0xFFFFFE90 ss:$0x1], $0xffff  }
0x2f: {  	v4 =	vld.idx.msk [tilespmem:v2+s19+$0x0 ss:$0x1], $0xffff;
	_ =	sdelay $0x4  }
0x30: {  	v5 =	vtrunc.f32 v3;
	v6 =	vtrunc.f32 v4  }
0x31: {  	v5 =	vcvt.f32.s32 v5;
	v6 =	vcvt.f32.s32 v6;
	_ =	sdelay $0x1  }
0x32: {  	v7 =	vcvt.s32.f32 v5;
	v8 =	vcvt.s32.f32 v6  }
0x33: {  	v6 =	vshll.u32 v6, $0x8  }
0x34: {  	v6 =	vadd.s32 v5, v6;
	v3 =	vsub.f32 v3, v7;
	v4 =	vsub.f32 v4, v8  }
0x35: {  	v5 =	vand.u32 $0x7F, v5;
	v60 =	vand.u32 $0xFFFFFF80, v6;
	v10 =	vadd.s32 $0x1, v6  }
0x36: {  	v5 =	vor.u32 v5, v60;
	v7 =	vsub.f32 $1.000000000e+00, v3;
	v9 =	vsub.f32 $1.000000000e+00, v4  }
0x37: {  	v5 =	vadd.s32 $0x100, v5  }
0x38: {  	v11 =	vadd.s32 $0x101, v6;
	v61 =	vmul.f32 v9, v7  }
0x39: {  	v9 =	vmul.f32 v9, v3  }
0x3a: {  	v62 =	vmul.f32 v4, v7;
	[tilespmem:v6+s13+$0x0] =	vst.idx.add.f32.msk $0xffff, v61  }
0x3b: {  	v3 =	vmul.f32 v4, v3;
	[tilespmem:v10+s13+$0x0] =	vst.idx.add.f32.msk $0xffff, v9  }
0x3c: {  	[tilespmem:v5+s13+$0x0] =	vst.idx.add.f32.msk $0xffff, v62  }
0x3d: {  	[tilespmem:v11+s13+$0x0] =	vst.idx.add.f32.msk $0xffff, v3  }
0x3e: {  	v3 =	vld.idx.msk [tilespmem:v1+s19+$0xFFFFFEA0 ss:$0x1], $0xffff  }
0x3f: {  	v63 =	vld.idx.msk [tilespmem:v2+s19+$0x10 ss:$0x1], $0xffff;
	_ =	sdelay $0x4  }
0x40: {  	v11 =	vtrunc.f32 v3;
	v12 =	vtrunc.f32 v63  }
0x41: {  	v5 =	vcvt.f32.s32 v11;
	v6 =	vcvt.f32.s32 v12;
	_ =	sdelay $0x1  }
0x42: {  	v13 =	vcvt.s32.f32 v5;
	v14 =	vcvt.s32.f32 v6  }
0x43: {  	v6 =	vshll.u32 v6, $0x8  }
0x44: {  	v6 =	vadd.s32 v5, v6;
	v3 =	vsub.f32 v3, v13;
	v4 =	vsub.f32 v63, v14  }
0x45: {  	v5 =	vand.u32 $0x7F, v5;
	v15 =	vand.u32 $0xFFFFFF80, v6;
	v17 =	vadd.s32 $0x1, v6  }
0x46: {  	v5 =	vor.u32 v5, v15;
	v7 =	vsub.f32 $1.000000000e+00, v3;
	v16 =	vsub.f32 $1.000000000e+00, v4  }
0x47: {  	v5 =	vadd.s32 $0x100, v5  }
0x48: {  	v19 =	vadd.s32 $0x101, v6;
	v18 =	vmul.f32 v16, v7  }
0x49: {  	v9 =	vmul.f32 v16, v3  }
0x4a: {  	v20 =	vmul.f32 v4, v7;
	[tilespmem:v6+s13+$0x0] =	vst.idx.add.f32.msk $0xffff, v18  }
0x4b: {  	v3 =	vmul.f32 v4, v3;
	[tilespmem:v17+s13+$0x0] =	vst.idx.add.f32.msk $0xffff, v9  }
0x4c: {  	[tilespmem:v5+s13+$0x0] =	vst.idx.add.f32.msk $0xffff, v20  }
0x4d: {  	[tilespmem:v19+s13+$0x0] =	vst.idx.add.f32.msk $0xffff, v3  }
0x4e: {  	v3 =	vld.idx.msk [tilespmem:v1+s19+$0xFFFFFEB0 ss:$0x1], $0xffff  }
0x4f: {  	v21 =	vld.idx.msk [tilespmem:v2+s19+$0x20 ss:$0x1], $0xffff;
	_ =	sdelay $0x4  }
0x50: {  	v22 =	vtrunc.f32 v3;
	v23 =	vtrunc.f32 v21  }
0x51: {  	v5 =	vcvt.f32.s32 v22;
	v6 =	vcvt.f32.s32 v23;
	_ =	sdelay $0x1  }
0x52: {  	v24 =	vcvt.s32.f32 v5;
	v25 =	vcvt.s32.f32 v6  }
0x53: {  	v6 =	vshll.u32 v6, $0x8  }
0x54: {  	v6 =	vadd.s32 v5, v6;
	v3 =	vsub.f32 v3, v24;
	v4 =	vsub.f32 v21, v25  }
0x55: {  	v5 =	vand.u32 $0x7F, v5;
	v26 =	vand.u32 $0xFFFFFF80, v6;
	v28 =	vadd.s32 $0x1, v6  }
0x56: {  	v5 =	vor.u32 v5, v26;
	v7 =	vsub.f32 $1.000000000e+00, v3;
	v27 =	vsub.f32 $1.000000000e+00, v4  }
0x57: {  	v5 =	vadd.s32 $0x100, v5  }
0x58: {  	v30 =	vadd.s32 $0x101, v6;
	v29 =	vmul.f32 v27, v7  }
0x59: {  	v9 =	vmul.f32 v27, v3  }
0x5a: {  	v31 =	vmul.f32 v4, v7;
	[tilespmem:v6+s13+$0x0] =	vst.idx.add.f32.msk $0xffff, v29  }
0x5b: {  	v3 =	vmul.f32 v4, v3;
	[tilespmem:v28+s13+$0x0] =	vst.idx.add.f32.msk $0xffff, v9  }
0x5c: {  	[tilespmem:v5+s13+$0x0] =	vst.idx.add.f32.msk $0xffff, v31  }
0x5d: {  	[tilespmem:v30+s13+$0x0] =	vst.idx.add.f32.msk $0xffff, v3  }
0x5e: {  	v3 =	vld.idx.msk [tilespmem:v1+s19+$0xFFFFFEC0 ss:$0x1], $0xffff  }
0x5f: {  	v32 =	vld.idx.msk [tilespmem:v2+s19+$0x30 ss:$0x1], $0xffff;
	_ =	sdelay $0x4  }
0x60: {  	v33 =	vtrunc.f32 v3;
	v34 =	vtrunc.f32 v32  }
0x61: {  	v5 =	vcvt.f32.s32 v33;
	v6 =	vcvt.f32.s32 v34;
	_ =	sdelay $0x1  }
0x62: {  	v35 =	vcvt.s32.f32 v5;
	v36 =	vcvt.s32.f32 v6  }
0x63: {  	v6 =	vshll.u32 v6, $0x8  }
0x64: {  	v6 =	vadd.s32 v5, v6;
	v3 =	vsub.f32 v3, v35;
	v4 =	vsub.f32 v32, v36  }
0x65: {  	v5 =	vand.u32 $0x7F, v5;
	v37 =	vand.u32 $0xFFFFFF80, v6;
	v39 =	vadd.s32 $0x1, v6  }
0x66: {  	v5 =	vor.u32 v5, v37;
	v7 =	vsub.f32 $1.000000000e+00, v3;
	v38 =	vsub.f32 $1.000000000e+00, v4  }
0x67: {  	v5 =	vadd.s32 $0x100, v5  }
0x68: {  	v41 =	vadd.s32 $0x101, v6;
	v40 =	vmul.f32 v38, v7  }
0x69: {  	v9 =	vmul.f32 v38, v3  }
0x6a: {  	v42 =	vmul.f32 v4, v7;
	[tilespmem:v6+s13+$0x0] =	vst.idx.add.f32.msk $0xffff, v40  }
0x6b: {  	v3 =	vmul.f32 v4, v3;
	[tilespmem:v39+s13+$0x0] =	vst.idx.add.f32.msk $0xffff, v9  }
0x6c: {  	[tilespmem:v5+s13+$0x0] =	vst.idx.add.f32.msk $0xffff, v42  }
0x6d: {  	[tilespmem:v41+s13+$0x0] =	vst.idx.add.f32.msk $0xffff, v3  }
0x6e: {  	v3 =	vld.idx.msk [tilespmem:v1+s19+$0xFFFFFED0 ss:$0x1], $0xffff  }
0x6f: {  	v43 =	vld.idx.msk [tilespmem:v2+s19+$0x40 ss:$0x1], $0xffff;
	_ =	sdelay $0x4  }
0x70: {  	v44 =	vtrunc.f32 v3;
	v45 =	vtrunc.f32 v43  }
0x71: {  	v5 =	vcvt.f32.s32 v44;
	v6 =	vcvt.f32.s32 v45;
	_ =	sdelay $0x1  }
0x72: {  	v46 =	vcvt.s32.f32 v5;
	v47 =	vcvt.s32.f32 v6  }
0x73: {  	v6 =	vshll.u32 v6, $0x8  }
0x74: {  	v6 =	vadd.s32 v5, v6;
	v3 =	vsub.f32 v3, v46;
	v4 =	vsub.f32 v43, v47  }
0x75: {  	v5 =	vand.u32 $0x7F, v5;
	v48 =	vand.u32 $0xFFFFFF80, v6;
	v50 =	vadd.s32 $0x1, v6  }
0x76: {  	v5 =	vor.u32 v5, v48;
	v7 =	vsub.f32 $1.000000000e+00, v3;
	v49 =	vsub.f32 $1.000000000e+00, v4  }
0x77: {  	v5 =	vadd.s32 $0x100, v5  }
0x78: {  	v52 =	vadd.s32 $0x101, v6;
	v51 =	vmul.f32 v49, v7  }
0x79: {  	v9 =	vmul.f32 v49, v3  }
0x7a: {  	v53 =	vmul.f32 v4, v7;
	[tilespmem:v6+s13+$0x0] =	vst.idx.add.f32.msk $0xffff, v51  }
0x7b: {  	v3 =	vmul.f32 v4, v3;
	[tilespmem:v50+s13+$0x0] =	vst.idx.add.f32.msk $0xffff, v9  }
0x7c: {  	[tilespmem:v5+s13+$0x0] =	vst.idx.add.f32.msk $0xffff, v53  }
0x7d: {  	[tilespmem:v52+s13+$0x0] =	vst.idx.add.f32.msk $0xffff, v3  }
0x7e: {  	v3 =	vld.idx.msk [tilespmem:v1+s19+$0xFFFFFEE0 ss:$0x1], $0xffff  }
0x7f: {  	v54 =	vld.idx.msk [tilespmem:v2+s19+$0x50 ss:$0x1], $0xffff;
	_ =	sdelay $0x4  }
0x80: {  	v55 =	vtrunc.f32 v3;
	v56 =	vtrunc.f32 v54  }
0x81: {  	v5 =	vcvt.f32.s32 v55;
	v6 =	vcvt.f32.s32 v56;
	_ =	sdelay $0x1  }
0x82: {  	v57 =	vcvt.s32.f32 v5;
	v58 =	vcvt.s32.f32 v6  }
0x83: {  	v6 =	vshll.u32 v6, $0x8  }
0x84: {  	v6 =	vadd.s32 v5, v6;
	v3 =	vsub.f32 v3, v57;
	v4 =	vsub.f32 v54, v58  }
0x85: {  	v5 =	vand.u32 $0x7F, v5;
	v59 =	vand.u32 $0xFFFFFF80, v6;
	v61 =	vadd.s32 $0x1, v6  }
0x86: {  	v5 =	vor.u32 v5, v59;
	v7 =	vsub.f32 $1.000000000e+00, v3;
	v60 =	vsub.f32 $1.000000000e+00, v4  }
0x87: {  	v5 =	vadd.s32 $0x100, v5  }
0x88: {  	v63 =	vadd.s32 $0x101, v6;
	v62 =	vmul.f32 v60, v7  }
0x89: {  	v9 =	vmul.f32 v60, v3  }
0x8a: {  	v12 =	vmul.f32 v4, v7;
	[tilespmem:v6+s13+$0x0] =	vst.idx.add.f32.msk $0xffff, v62  }
0x8b: {  	v3 =	vmul.f32 v4, v3;
	[tilespmem:v61+s13+$0x0] =	vst.idx.add.f32.msk $0xffff, v9  }
0x8c: {  	[tilespmem:v5+s13+$0x0] =	vst.idx.add.f32.msk $0xffff, v12  }
0x8d: {  	[tilespmem:v63+s13+$0x0] =	vst.idx.add.f32.msk $0xffff, v3  }
0x8e: {  	v3 =	vld.idx.msk [tilespmem:v1+s19+$0xFFFFFEF0 ss:$0x1], $0xffff  }
0x8f: {  	v13 =	vld.idx.msk [tilespmem:v2+s19+$0x60 ss:$0x1], $0xffff;
	_ =	sdelay $0x4  }
0x90: {  	v14 =	vtrunc.f32 v3;
	v15 =	vtrunc.f32 v13  }
0x91: {  	v5 =	vcvt.f32.s32 v14;
	v6 =	vcvt.f32.s32 v15;
	_ =	sdelay $0x1  }
0x92: {  	v16 =	vcvt.s32.f32 v5;
	v17 =	vcvt.s32.f32 v6  }
0x93: {  	v6 =	vshll.u32 v6, $0x8  }
0x94: {  	v6 =	vadd.s32 v5, v6;
	v3 =	vsub.f32 v3, v16;
	v4 =	vsub.f32 v13, v17  }
0x95: {  	v5 =	vand.u32 $0x7F, v5;
	v18 =	vand.u32 $0xFFFFFF80, v6;
	v20 =	vadd.s32 $0x1, v6  }
0x96: {  	v5 =	vor.u32 v5, v18;
	v7 =	vsub.f32 $1.000000000e+00, v3;
	v19 =	vsub.f32 $1.000000000e+00, v4  }
0x97: {  	v5 =	vadd.s32 $0x100, v5  }
0x98: {  	v22 =	vadd.s32 $0x101, v6;
	v21 =	vmul.f32 v19, v7  }
0x99: {  	v9 =	vmul.f32 v19, v3  }
0x9a: {  	v23 =	vmul.f32 v4, v7;
	[tilespmem:v6+s13+$0x0] =	vst.idx.add.f32.msk $0xffff, v21  }
0x9b: {  	v3 =	vmul.f32 v4, v3;
	[tilespmem:v20+s13+$0x0] =	vst.idx.add.f32.msk $0xffff, v9  }
0x9c: {  	[tilespmem:v5+s13+$0x0] =	vst.idx.add.f32.msk $0xffff, v23  }
0x9d: {  	[tilespmem:v22+s13+$0x0] =	vst.idx.add.f32.msk $0xffff, v3  }
0x9e: {  	v3 =	vld.idx.msk [tilespmem:v1+s19+$0xFFFFFF00 ss:$0x1], $0xffff  }
0x9f: {  	v24 =	vld.idx.msk [tilespmem:v2+s19+$0x70 ss:$0x1], $0xffff;
	_ =	sdelay $0x4  }
0xa0: {  	v25 =	vtrunc.f32 v3;
	v26 =	vtrunc.f32 v24  }
0xa1: {  	v5 =	vcvt.f32.s32 v25;
	v6 =	vcvt.f32.s32 v26;
	_ =	sdelay $0x1  }
0xa2: {  	v27 =	vcvt.s32.f32 v5;
	v28 =	vcvt.s32.f32 v6  }
0xa3: {  	v6 =	vshll.u32 v6, $0x8  }
0xa4: {  	v6 =	vadd.s32 v5, v6;
	v3 =	vsub.f32 v3, v27;
	v4 =	vsub.f32 v24, v28  }
0xa5: {  	v5 =	vand.u32 $0x7F, v5;
	v29 =	vand.u32 $0xFFFFFF80, v6;
	v31 =	vadd.s32 $0x1, v6  }
0xa6: {  	v5 =	vor.u32 v5, v29;
	v7 =	vsub.f32 $1.000000000e+00, v3;
	v30 =	vsub.f32 $1.000000000e+00, v4  }
0xa7: {  	v5 =	vadd.s32 $0x100, v5  }
0xa8: {  	v33 =	vadd.s32 $0x101, v6;
	v32 =	vmul.f32 v30, v7  }
0xa9: {  	v9 =	vmul.f32 v30, v3  }
0xaa: {  	v34 =	vmul.f32 v4, v7;
	[tilespmem:v6+s13+$0x0] =	vst.idx.add.f32.msk $0xffff, v32  }
0xab: {  	v3 =	vmul.f32 v4, v3;
	[tilespmem:v31+s13+$0x0] =	vst.idx.add.f32.msk $0xffff, v9  }
0xac: {  	[tilespmem:v5+s13+$0x0] =	vst.idx.add.f32.msk $0xffff, v34  }
0xad: {  	s20 =	sand.u32 $0x7FF0, s17;
	[tilespmem:v33+s13+$0x0] =	vst.idx.add.f32.msk $0xffff, v3  }
0xae: {  	v3 =	vld [tilespmem:s20+$0x80]  }
0xaf: {  	v35 =	vld [tilespmem:s20+$0x4F00];
	_ =	sdelay $0x4  }
0xb0: {  	v36 =	vtrunc.f32 v3;
	v37 =	vtrunc.f32 v35  }
0xb1: {  	v5 =	vcvt.f32.s32 v36;
	v6 =	vcvt.f32.s32 v37;
	_ =	sdelay $0x1  }
0xb2: {  	v38 =	vcvt.s32.f32 v5;
	v39 =	vcvt.s32.f32 v6  }
0xb3: {  	v6 =	vshll.u32 v6, $0x8  }
0xb4: {  	v6 =	vadd.s32 v5, v6;
	v3 =	vsub.f32 v3, v38;
	v4 =	vsub.f32 v35, v39  }
0xb5: {  	v5 =	vand.u32 $0x7F, v5;
	v40 =	vand.u32 $0xFFFFFF80, v6;
	v42 =	vadd.s32 $0x1, v6  }
0xb6: {  	v5 =	vor.u32 v5, v40;
	v7 =	vsub.f32 $1.000000000e+00, v3;
	v41 =	vsub.f32 $1.000000000e+00, v4  }
0xb7: {  	v5 =	vadd.s32 $0x100, v5  }
0xb8: {  	v44 =	vadd.s32 $0x101, v6;
	v43 =	vmul.f32 v41, v7  }
0xb9: {  	v9 =	vmul.f32 v41, v3  }
0xba: {  	v45 =	vmul.f32 v4, v7;
	[tilespmem:v6+s13+$0x0] =	vst.idx.add.f32.msk $0xffff, v43  }
0xbb: {  	v3 =	vmul.f32 v4, v3;
	[tilespmem:v42+s13+$0x0] =	vst.idx.add.f32.msk $0xffff, v9  }
0xbc: {  	[tilespmem:v5+s13+$0x0] =	vst.idx.add.f32.msk $0xffff, v45  }
0xbd: {  	[tilespmem:v44+s13+$0x0] =	vst.idx.add.f32.msk $0xffff, v3  }
0xbe: {  	v3 =	vld.idx.msk [tilespmem:v1+s19+$0xFFFFFF20 ss:$0x1], $0xffff  }
0xbf: {  	v46 =	vld.idx.msk [tilespmem:v2+s19+$0x90 ss:$0x1], $0xffff;
	_ =	sdelay $0x4  }
0xc0: {  	v47 =	vtrunc.f32 v3;
	v48 =	vtrunc.f32 v46  }
0xc1: {  	v5 =	vcvt.f32.s32 v47;
	v6 =	vcvt.f32.s32 v48;
	_ =	sdelay $0x1  }
0xc2: {  	v49 =	vcvt.s32.f32 v5;
	v50 =	vcvt.s32.f32 v6  }
0xc3: {  	v6 =	vshll.u32 v6, $0x8  }
0xc4: {  	v6 =	vadd.s32 v5, v6;
	v3 =	vsub.f32 v3, v49;
	v4 =	vsub.f32 v46, v50  }
0xc5: {  	v5 =	vand.u32 $0x7F, v5;
	v51 =	vand.u32 $0xFFFFFF80, v6;
	v53 =	vadd.s32 $0x1, v6  }
0xc6: {  	v5 =	vor.u32 v5, v51;
	v7 =	vsub.f32 $1.000000000e+00, v3;
	v52 =	vsub.f32 $1.000000000e+00, v4  }
0xc7: {  	v5 =	vadd.s32 $0x100, v5  }
0xc8: {  	v55 =	vadd.s32 $0x101, v6;
	v54 =	vmul.f32 v52, v7  }
0xc9: {  	v9 =	vmul.f32 v52, v3  }
0xca: {  	v56 =	vmul.f32 v4, v7;
	[tilespmem:v6+s13+$0x0] =	vst.idx.add.f32.msk $0xffff, v54  }
0xcb: {  	v3 =	vmul.f32 v4, v3;
	[tilespmem:v53+s13+$0x0] =	vst.idx.add.f32.msk $0xffff, v9  }
0xcc: {  	[tilespmem:v5+s13+$0x0] =	vst.idx.add.f32.msk $0xffff, v56  }
0xcd: {  	[tilespmem:v55+s13+$0x0] =	vst.idx.add.f32.msk $0xffff, v3  }
0xce: {  	v3 =	vld.idx.msk [tilespmem:v1+s19+$0xFFFFFF30 ss:$0x1], $0xffff  }
0xcf: {  	v57 =	vld.idx.msk [tilespmem:v2+s19+$0xA0 ss:$0x1], $0xffff;
	_ =	sdelay $0x4  }
0xd0: {  	v58 =	vtrunc.f32 v3;
	v59 =	vtrunc.f32 v57  }
0xd1: {  	v5 =	vcvt.f32.s32 v58;
	v6 =	vcvt.f32.s32 v59;
	_ =	sdelay $0x1  }
0xd2: {  	v60 =	vcvt.s32.f32 v5;
	v61 =	vcvt.s32.f32 v6  }
0xd3: {  	v6 =	vshll.u32 v6, $0x8  }
0xd4: {  	v6 =	vadd.s32 v5, v6;
	v3 =	vsub.f32 v3, v60;
	v4 =	vsub.f32 v57, v61  }
0xd5: {  	v5 =	vand.u32 $0x7F, v5;
	v62 =	vand.u32 $0xFFFFFF80, v6;
	v12 =	vadd.s32 $0x1, v6  }
0xd6: {  	v5 =	vor.u32 v5, v62;
	v7 =	vsub.f32 $1.000000000e+00, v3;
	v63 =	vsub.f32 $1.000000000e+00, v4  }
0xd7: {  	v5 =	vadd.s32 $0x100, v5  }
0xd8: {  	v14 =	vadd.s32 $0x101, v6;
	v13 =	vmul.f32 v63, v7  }
0xd9: {  	v9 =	vmul.f32 v63, v3  }
0xda: {  	v15 =	vmul.f32 v4, v7;
	[tilespmem:v6+s13+$0x0] =	vst.idx.add.f32.msk $0xffff, v13  }
0xdb: {  	v3 =	vmul.f32 v4, v3;
	[tilespmem:v12+s13+$0x0] =	vst.idx.add.f32.msk $0xffff, v9  }
0xdc: {  	[tilespmem:v5+s13+$0x0] =	vst.idx.add.f32.msk $0xffff, v15  }
0xdd: {  	[tilespmem:v14+s13+$0x0] =	vst.idx.add.f32.msk $0xffff, v3  }
0xde: {  	v3 =	vld.idx.msk [tilespmem:v1+s19+$0xFFFFFF40 ss:$0x1], $0xffff  }
0xdf: {  	v16 =	vld.idx.msk [tilespmem:v2+s19+$0xB0 ss:$0x1], $0xffff;
	_ =	sdelay $0x4  }
0xe0: {  	v17 =	vtrunc.f32 v3;
	v18 =	vtrunc.f32 v16  }
0xe1: {  	v5 =	vcvt.f32.s32 v17;
	v6 =	vcvt.f32.s32 v18;
	_ =	sdelay $0x1  }
0xe2: {  	v19 =	vcvt.s32.f32 v5;
	v20 =	vcvt.s32.f32 v6  }
0xe3: {  	v6 =	vshll.u32 v6, $0x8  }
0xe4: {  	v6 =	vadd.s32 v5, v6;
	v3 =	vsub.f32 v3, v19;
	v4 =	vsub.f32 v16, v20  }
0xe5: {  	v5 =	vand.u32 $0x7F, v5;
	v21 =	vand.u32 $0xFFFFFF80, v6;
	v23 =	vadd.s32 $0x1, v6  }
0xe6: {  	v5 =	vor.u32 v5, v21;
	v7 =	vsub.f32 $1.000000000e+00, v3;
	v22 =	vsub.f32 $1.000000000e+00, v4  }
0xe7: {  	v5 =	vadd.s32 $0x100, v5  }
0xe8: {  	v25 =	vadd.s32 $0x101, v6;
	v24 =	vmul.f32 v22, v7  }
0xe9: {  	v9 =	vmul.f32 v22, v3  }
0xea: {  	v26 =	vmul.f32 v4, v7;
	[tilespmem:v6+s13+$0x0] =	vst.idx.add.f32.msk $0xffff, v24  }
0xeb: {  	v3 =	vmul.f32 v4, v3;
	[tilespmem:v23+s13+$0x0] =	vst.idx.add.f32.msk $0xffff, v9  }
0xec: {  	[tilespmem:v5+s13+$0x0] =	vst.idx.add.f32.msk $0xffff, v26  }
0xed: {  	[tilespmem:v25+s13+$0x0] =	vst.idx.add.f32.msk $0xffff, v3  }
0xee: {  	v3 =	vld.idx.msk [tilespmem:v1+s19+$0xFFFFFF50 ss:$0x1], $0xffff  }
0xef: {  	v27 =	vld.idx.msk [tilespmem:v2+s19+$0xC0 ss:$0x1], $0xffff;
	_ =	sdelay $0x4  }
0xf0: {  	v28 =	vtrunc.f32 v3;
	v29 =	vtrunc.f32 v27  }
0xf1: {  	v5 =	vcvt.f32.s32 v28;
	v6 =	vcvt.f32.s32 v29;
	_ =	sdelay $0x1  }
0xf2: {  	v30 =	vcvt.s32.f32 v5;
	v31 =	vcvt.s32.f32 v6  }
0xf3: {  	v6 =	vshll.u32 v6, $0x8  }
0xf4: {  	v6 =	vadd.s32 v5, v6;
	v3 =	vsub.f32 v3, v30;
	v4 =	vsub.f32 v27, v31  }
0xf5: {  	v5 =	vand.u32 $0x7F, v5;
	v32 =	vand.u32 $0xFFFFFF80, v6;
	v34 =	vadd.s32 $0x1, v6  }
0xf6: {  	v5 =	vor.u32 v5, v32;
	v7 =	vsub.f32 $1.000000000e+00, v3;
	v33 =	vsub.f32 $1.000000000e+00, v4  }
0xf7: {  	v5 =	vadd.s32 $0x100, v5  }
0xf8: {  	v36 =	vadd.s32 $0x101, v6;
	v35 =	vmul.f32 v33, v7  }
0xf9: {  	v9 =	vmul.f32 v33, v3  }
0xfa: {  	v37 =	vmul.f32 v4, v7;
	[tilespmem:v6+s13+$0x0] =	vst.idx.add.f32.msk $0xffff, v35  }
0xfb: {  	v3 =	vmul.f32 v4, v3;
	[tilespmem:v34+s13+$0x0] =	vst.idx.add.f32.msk $0xffff, v9  }
0xfc: {  	[tilespmem:v5+s13+$0x0] =	vst.idx.add.f32.msk $0xffff, v37  }
0xfd: {  	[tilespmem:v36+s13+$0x0] =	vst.idx.add.f32.msk $0xffff, v3  }
0xfe: {  	v3 =	vld.idx.msk [tilespmem:v1+s19+$0xFFFFFF60 ss:$0x1], $0xffff  }
0xff: {  	v38 =	vld.idx.msk [tilespmem:v2+s19+$0xD0 ss:$0x1], $0xffff;
	_ =	sdelay $0x4  }
0x100: {  	v39 =	vtrunc.f32 v3;
	v40 =	vtrunc.f32 v38  }
0x101: {  	v5 =	vcvt.f32.s32 v39;
	v6 =	vcvt.f32.s32 v40;
	_ =	sdelay $0x1  }
0x102: {  	v41 =	vcvt.s32.f32 v5;
	v42 =	vcvt.s32.f32 v6  }
0x103: {  	v6 =	vshll.u32 v6, $0x8  }
0x104: {  	v6 =	vadd.s32 v5, v6;
	v3 =	vsub.f32 v3, v41;
	v4 =	vsub.f32 v38, v42  }
0x105: {  	v5 =	vand.u32 $0x7F, v5;
	v43 =	vand.u32 $0xFFFFFF80, v6;
	v45 =	vadd.s32 $0x1, v6  }
0x106: {  	v5 =	vor.u32 v5, v43;
	v7 =	vsub.f32 $1.000000000e+00, v3;
	v44 =	vsub.f32 $1.000000000e+00, v4  }
0x107: {  	v5 =	vadd.s32 $0x100, v5  }
0x108: {  	v47 =	vadd.s32 $0x101, v6;
	v46 =	vmul.f32 v44, v7  }
0x109: {  	v9 =	vmul.f32 v44, v3  }
0x10a: {  	v48 =	vmul.f32 v4, v7;
	[tilespmem:v6+s13+$0x0] =	vst.idx.add.f32.msk $0xffff, v46  }
0x10b: {  	v3 =	vmul.f32 v4, v3;
	[tilespmem:v45+s13+$0x0] =	vst.idx.add.f32.msk $0xffff, v9  }
0x10c: {  	[tilespmem:v5+s13+$0x0] =	vst.idx.add.f32.msk $0xffff, v48  }
0x10d: {  	[tilespmem:v47+s13+$0x0] =	vst.idx.add.f32.msk $0xffff, v3  }
0x10e: {  	v3 =	vld.idx.msk [tilespmem:v1+s19+$0xFFFFFF70 ss:$0x1], $0xffff  }
0x10f: {  	v49 =	vld.idx.msk [tilespmem:v2+s19+$0xE0 ss:$0x1], $0xffff;
	_ =	sdelay $0x4  }
0x110: {  	v50 =	vtrunc.f32 v3;
	v51 =	vtrunc.f32 v49  }
0x111: {  	v5 =	vcvt.f32.s32 v50;
	v6 =	vcvt.f32.s32 v51;
	_ =	sdelay $0x1  }
0x112: {  	v52 =	vcvt.s32.f32 v5;
	v53 =	vcvt.s32.f32 v6  }
0x113: {  	v6 =	vshll.u32 v6, $0x8  }
0x114: {  	v6 =	vadd.s32 v5, v6;
	v3 =	vsub.f32 v3, v52;
	v4 =	vsub.f32 v49, v53  }
0x115: {  	v5 =	vand.u32 $0x7F, v5;
	v54 =	vand.u32 $0xFFFFFF80, v6;
	v56 =	vadd.s32 $0x1, v6  }
0x116: {  	v5 =	vor.u32 v5, v54;
	v7 =	vsub.f32 $1.000000000e+00, v3;
	v55 =	vsub.f32 $1.000000000e+00, v4  }
0x117: {  	v5 =	vadd.s32 $0x100, v5  }
0x118: {  	v58 =	vadd.s32 $0x101, v6;
	v57 =	vmul.f32 v55, v7  }
0x119: {  	v9 =	vmul.f32 v55, v3  }
0x11a: {  	v59 =	vmul.f32 v4, v7;
	[tilespmem:v6+s13+$0x0] =	vst.idx.add.f32.msk $0xffff, v57  }
0x11b: {  	v3 =	vmul.f32 v4, v3;
	[tilespmem:v56+s13+$0x0] =	vst.idx.add.f32.msk $0xffff, v9  }
0x11c: {  	[tilespmem:v5+s13+$0x0] =	vst.idx.add.f32.msk $0xffff, v59  }
0x11d: {  	[tilespmem:v58+s13+$0x0] =	vst.idx.add.f32.msk $0xffff, v3  }
0x11e: {  	v3 =	vld.idx.msk [tilespmem:v1+s19+$0xFFFFFF80 ss:$0x1], $0xffff  }
0x11f: {  	v60 =	vld.idx.msk [tilespmem:v2+s19+$0xF0 ss:$0x1], $0xffff;
	_ =	sdelay $0x4  }
0x120: {  	v61 =	vtrunc.f32 v3;
	v62 =	vtrunc.f32 v60  }
0x121: {  	v5 =	vcvt.f32.s32 v61;
	v6 =	vcvt.f32.s32 v62;
	_ =	sdelay $0x1  }
0x122: {  	v63 =	vcvt.s32.f32 v5;
	v12 =	vcvt.s32.f32 v6  }
0x123: {  	v6 =	vshll.u32 v6, $0x8  }
0x124: {  	v6 =	vadd.s32 v5, v6;
	v3 =	vsub.f32 v3, v63;
	v4 =	vsub.f32 v60, v12  }
0x125: {  	v5 =	vand.u32 $0x7F, v5;
	v13 =	vand.u32 $0xFFFFFF80, v6;
	v15 =	vadd.s32 $0x1, v6  }
0x126: {  	v5 =	vor.u32 v5, v13;
	v7 =	vsub.f32 $1.000000000e+00, v3;
	v14 =	vsub.f32 $1.000000000e+00, v4  }
0x127: {  	v5 =	vadd.s32 $0x100, v5  }
0x128: {  	v17 =	vadd.s32 $0x101, v6;
	v16 =	vmul.f32 v14, v7  }
0x129: {  	v9 =	vmul.f32 v14, v3  }
0x12a: {  	v18 =	vmul.f32 v4, v7;
	[tilespmem:v6+s13+$0x0] =	vst.idx.add.f32.msk $0xffff, v16  }
0x12b: {  	v3 =	vmul.f32 v4, v3;
	[tilespmem:v15+s13+$0x0] =	vst.idx.add.f32.msk $0xffff, v9  }
0x12c: {  	[tilespmem:v5+s13+$0x0] =	vst.idx.add.f32.msk $0xffff, v18  }
0x12d: {  	[tilespmem:v17+s13+$0x0] =	vst.idx.add.f32.msk $0xffff, v3  }
0x12e: {  	v3 =	vld [tilespmem:s20+$0x100]  }
0x12f: {  	v19 =	vld [tilespmem:s20+$0x4F80];
	_ =	sdelay $0x4  }
0x130: {  	v20 =	vtrunc.f32 v3;
	v21 =	vtrunc.f32 v19  }
0x131: {  	v5 =	vcvt.f32.s32 v20;
	v6 =	vcvt.f32.s32 v21;
	_ =	sdelay $0x1  }
0x132: {  	v22 =	vcvt.s32.f32 v5;
	v23 =	vcvt.s32.f32 v6  }
0x133: {  	v6 =	vshll.u32 v6, $0x8  }
0x134: {  	v6 =	vadd.s32 v5, v6;
	v3 =	vsub.f32 v3, v22;
	v4 =	vsub.f32 v19, v23  }
0x135: {  	v5 =	vand.u32 $0x7F, v5;
	v24 =	vand.u32 $0xFFFFFF80, v6;
	v26 =	vadd.s32 $0x1, v6  }
0x136: {  	v5 =	vor.u32 v5, v24;
	v7 =	vsub.f32 $1.000000000e+00, v3;
	v25 =	vsub.f32 $1.000000000e+00, v4  }
0x137: {  	v5 =	vadd.s32 $0x100, v5  }
0x138: {  	v28 =	vadd.s32 $0x101, v6;
	v27 =	vmul.f32 v25, v7  }
0x139: {  	v9 =	vmul.f32 v25, v3  }
0x13a: {  	v29 =	vmul.f32 v4, v7;
	[tilespmem:v6+s13+$0x0] =	vst.idx.add.f32.msk $0xffff, v27  }
0x13b: {  	v3 =	vmul.f32 v4, v3;
	[tilespmem:v26+s13+$0x0] =	vst.idx.add.f32.msk $0xffff, v9  }
0x13c: {  	[tilespmem:v5+s13+$0x0] =	vst.idx.add.f32.msk $0xffff, v29  }
0x13d: {  	[tilespmem:v28+s13+$0x0] =	vst.idx.add.f32.msk $0xffff, v3  }
0x13e: {  	v3 =	vld.idx.msk [tilespmem:v1+s19+$0xFFFFFFA0 ss:$0x1], $0xffff  }
0x13f: {  	v30 =	vld.idx.msk [tilespmem:v2+s19+$0x110 ss:$0x1], $0xffff;
	_ =	sdelay $0x4  }
0x140: {  	v31 =	vtrunc.f32 v3;
	v32 =	vtrunc.f32 v30  }
0x141: {  	v5 =	vcvt.f32.s32 v31;
	v6 =	vcvt.f32.s32 v32;
	_ =	sdelay $0x1  }
0x142: {  	v33 =	vcvt.s32.f32 v5;
	v34 =	vcvt.s32.f32 v6  }
0x143: {  	v6 =	vshll.u32 v6, $0x8  }
0x144: {  	v6 =	vadd.s32 v5, v6;
	v3 =	vsub.f32 v3, v33;
	v4 =	vsub.f32 v30, v34  }
0x145: {  	v5 =	vand.u32 $0x7F, v5;
	v35 =	vand.u32 $0xFFFFFF80, v6;
	v37 =	vadd.s32 $0x1, v6  }
0x146: {  	v5 =	vor.u32 v5, v35;
	v7 =	vsub.f32 $1.000000000e+00, v3;
	v36 =	vsub.f32 $1.000000000e+00, v4  }
0x147: {  	v5 =	vadd.s32 $0x100, v5  }
0x148: {  	v39 =	vadd.s32 $0x101, v6;
	v38 =	vmul.f32 v36, v7  }
0x149: {  	v9 =	vmul.f32 v36, v3  }
0x14a: {  	v40 =	vmul.f32 v4, v7;
	[tilespmem:v6+s13+$0x0] =	vst.idx.add.f32.msk $0xffff, v38  }
0x14b: {  	v3 =	vmul.f32 v4, v3;
	[tilespmem:v37+s13+$0x0] =	vst.idx.add.f32.msk $0xffff, v9  }
0x14c: {  	[tilespmem:v5+s13+$0x0] =	vst.idx.add.f32.msk $0xffff, v40  }
0x14d: {  	[tilespmem:v39+s13+$0x0] =	vst.idx.add.f32.msk $0xffff, v3  }
0x14e: {  	v3 =	vld.idx.msk [tilespmem:v1+s19+$0xFFFFFFB0 ss:$0x1], $0xffff  }
0x14f: {  	v41 =	vld.idx.msk [tilespmem:v2+s19+$0x120 ss:$0x1], $0xffff;
	_ =	sdelay $0x4  }
0x150: {  	v42 =	vtrunc.f32 v3;
	v43 =	vtrunc.f32 v41  }
0x151: {  	v5 =	vcvt.f32.s32 v42;
	v6 =	vcvt.f32.s32 v43;
	_ =	sdelay $0x1  }
0x152: {  	v44 =	vcvt.s32.f32 v5;
	v45 =	vcvt.s32.f32 v6  }
0x153: {  	v6 =	vshll.u32 v6, $0x8  }
0x154: {  	v6 =	vadd.s32 v5, v6;
	v3 =	vsub.f32 v3, v44;
	v4 =	vsub.f32 v41, v45  }
0x155: {  	v5 =	vand.u32 $0x7F, v5;
	v46 =	vand.u32 $0xFFFFFF80, v6;
	v48 =	vadd.s32 $0x1, v6  }
0x156: {  	v5 =	vor.u32 v5, v46;
	v7 =	vsub.f32 $1.000000000e+00, v3;
	v47 =	vsub.f32 $1.000000000e+00, v4  }
0x157: {  	v5 =	vadd.s32 $0x100, v5  }
0x158: {  	v50 =	vadd.s32 $0x101, v6;
	v49 =	vmul.f32 v47, v7  }
0x159: {  	v9 =	vmul.f32 v47, v3  }
0x15a: {  	v51 =	vmul.f32 v4, v7;
	[tilespmem:v6+s13+$0x0] =	vst.idx.add.f32.msk $0xffff, v49  }
0x15b: {  	v3 =	vmul.f32 v4, v3;
	[tilespmem:v48+s13+$0x0] =	vst.idx.add.f32.msk $0xffff, v9  }
0x15c: {  	[tilespmem:v5+s13+$0x0] =	vst.idx.add.f32.msk $0xffff, v51  }
0x15d: {  	[tilespmem:v50+s13+$0x0] =	vst.idx.add.f32.msk $0xffff, v3  }
0x15e: {  	v3 =	vld.idx.msk [tilespmem:v1+s19+$0xFFFFFFC0 ss:$0x1], $0xffff  }
0x15f: {  	v52 =	vld.idx.msk [tilespmem:v2+s19+$0x130 ss:$0x1], $0xffff;
	_ =	sdelay $0x4  }
0x160: {  	v53 =	vtrunc.f32 v3;
	v54 =	vtrunc.f32 v52  }
0x161: {  	v5 =	vcvt.f32.s32 v53;
	v6 =	vcvt.f32.s32 v54;
	_ =	sdelay $0x1  }
0x162: {  	v55 =	vcvt.s32.f32 v5;
	v56 =	vcvt.s32.f32 v6  }
0x163: {  	v6 =	vshll.u32 v6, $0x8  }
0x164: {  	v6 =	vadd.s32 v5, v6;
	v3 =	vsub.f32 v3, v55;
	v4 =	vsub.f32 v52, v56  }
0x165: {  	v5 =	vand.u32 $0x7F, v5;
	v57 =	vand.u32 $0xFFFFFF80, v6;
	v59 =	vadd.s32 $0x1, v6  }
0x166: {  	v5 =	vor.u32 v5, v57;
	v7 =	vsub.f32 $1.000000000e+00, v3;
	v58 =	vsub.f32 $1.000000000e+00, v4  }
0x167: {  	v5 =	vadd.s32 $0x100, v5  }
0x168: {  	v61 =	vadd.s32 $0x101, v6;
	v60 =	vmul.f32 v58, v7  }
0x169: {  	v9 =	vmul.f32 v58, v3  }
0x16a: {  	v62 =	vmul.f32 v4, v7;
	[tilespmem:v6+s13+$0x0] =	vst.idx.add.f32.msk $0xffff, v60  }
0x16b: {  	v3 =	vmul.f32 v4, v3;
	[tilespmem:v59+s13+$0x0] =	vst.idx.add.f32.msk $0xffff, v9  }
0x16c: {  	[tilespmem:v5+s13+$0x0] =	vst.idx.add.f32.msk $0xffff, v62  }
0x16d: {  	[tilespmem:v61+s13+$0x0] =	vst.idx.add.f32.msk $0xffff, v3  }
0x16e: {  	v3 =	vld.idx.msk [tilespmem:v1+s19+$0xFFFFFFD0 ss:$0x1], $0xffff  }
0x16f: {  	v63 =	vld.idx.msk [tilespmem:v2+s19+$0x140 ss:$0x1], $0xffff;
	_ =	sdelay $0x4  }
0x170: {  	v10 =	vtrunc.f32 v3;
	v11 =	vtrunc.f32 v63  }
0x171: {  	v5 =	vcvt.f32.s32 v10;
	v6 =	vcvt.f32.s32 v11;
	_ =	sdelay $0x1  }
0x172: {  	v12 =	vcvt.s32.f32 v5;
	v13 =	vcvt.s32.f32 v6  }
0x173: {  	v6 =	vshll.u32 v6, $0x8  }
0x174: {  	v6 =	vadd.s32 v5, v6;
	v3 =	vsub.f32 v3, v12;
	v4 =	vsub.f32 v63, v13  }
0x175: {  	v5 =	vand.u32 $0x7F, v5;
	v14 =	vand.u32 $0xFFFFFF80, v6;
	v16 =	vadd.s32 $0x1, v6  }
0x176: {  	v5 =	vor.u32 v5, v14;
	v7 =	vsub.f32 $1.000000000e+00, v3;
	v15 =	vsub.f32 $1.000000000e+00, v4  }
0x177: {  	v5 =	vadd.s32 $0x100, v5  }
0x178: {  	v18 =	vadd.s32 $0x101, v6;
	v17 =	vmul.f32 v15, v7  }
0x179: {  	v9 =	vmul.f32 v15, v3  }
0x17a: {  	v19 =	vmul.f32 v4, v7;
	[tilespmem:v6+s13+$0x0] =	vst.idx.add.f32.msk $0xffff, v17  }
0x17b: {  	v3 =	vmul.f32 v4, v3;
	[tilespmem:v16+s13+$0x0] =	vst.idx.add.f32.msk $0xffff, v9  }
0x17c: {  	[tilespmem:v5+s13+$0x0] =	vst.idx.add.f32.msk $0xffff, v19  }
0x17d: {  	[tilespmem:v18+s13+$0x0] =	vst.idx.add.f32.msk $0xffff, v3  }
0x17e: {  	v3 =	vld.idx.msk [tilespmem:v1+s19+$0xFFFFFFE0 ss:$0x1], $0xffff  }
0x17f: {  	v20 =	vld.idx.msk [tilespmem:v2+s19+$0x150 ss:$0x1], $0xffff;
	_ =	sdelay $0x4  }
0x180: {  	v21 =	vtrunc.f32 v3;
	v22 =	vtrunc.f32 v20  }
0x181: {  	v5 =	vcvt.f32.s32 v21;
	v6 =	vcvt.f32.s32 v22;
	_ =	sdelay $0x1  }
0x182: {  	v23 =	vcvt.s32.f32 v5;
	v24 =	vcvt.s32.f32 v6  }
0x183: {  	v6 =	vshll.u32 v6, $0x8  }
0x184: {  	v6 =	vadd.s32 v5, v6;
	v3 =	vsub.f32 v3, v23;
	v4 =	vsub.f32 v20, v24  }
0x185: {  	v5 =	vand.u32 $0x7F, v5;
	v25 =	vand.u32 $0xFFFFFF80, v6;
	v27 =	vadd.s32 $0x1, v6  }
0x186: {  	v5 =	vor.u32 v5, v25;
	v7 =	vsub.f32 $1.000000000e+00, v3;
	v26 =	vsub.f32 $1.000000000e+00, v4  }
0x187: {  	v5 =	vadd.s32 $0x100, v5  }
0x188: {  	v29 =	vadd.s32 $0x101, v6;
	v28 =	vmul.f32 v26, v7  }
0x189: {  	v9 =	vmul.f32 v26, v3  }
0x18a: {  	v30 =	vmul.f32 v4, v7;
	[tilespmem:v6+s13+$0x0] =	vst.idx.add.f32.msk $0xffff, v28  }
0x18b: {  	v3 =	vmul.f32 v4, v3;
	[tilespmem:v27+s13+$0x0] =	vst.idx.add.f32.msk $0xffff, v9  }
0x18c: {  	[tilespmem:v5+s13+$0x0] =	vst.idx.add.f32.msk $0xffff, v30  }
0x18d: {  	[tilespmem:v29+s13+$0x0] =	vst.idx.add.f32.msk $0xffff, v3  }
0x18e: {  	v3 =	vld.idx.msk [tilespmem:v1+s19+$0xFFFFFFF0 ss:$0x1], $0xffff  }
0x18f: {  	v31 =	vld.idx.msk [tilespmem:v2+s19+$0x160 ss:$0x1], $0xffff;
	_ =	sdelay $0x4  }
0x190: {  	v32 =	vtrunc.f32 v3;
	v33 =	vtrunc.f32 v31  }
0x191: {  	v5 =	vcvt.f32.s32 v32;
	v6 =	vcvt.f32.s32 v33;
	_ =	sdelay $0x1  }
0x192: {  	v34 =	vcvt.s32.f32 v5;
	v35 =	vcvt.s32.f32 v6  }
0x193: {  	v6 =	vshll.u32 v6, $0x8  }
0x194: {  	v6 =	vadd.s32 v5, v6;
	v3 =	vsub.f32 v3, v34;
	v4 =	vsub.f32 v31, v35  }
0x195: {  	v5 =	vand.u32 $0x7F, v5;
	v36 =	vand.u32 $0xFFFFFF80, v6;
	v38 =	vadd.s32 $0x1, v6  }
0x196: {  	v5 =	vor.u32 v5, v36;
	v7 =	vsub.f32 $1.000000000e+00, v3;
	v37 =	vsub.f32 $1.000000000e+00, v4  }
0x197: {  	v5 =	vadd.s32 $0x100, v5  }
0x198: {  	v40 =	vadd.s32 $0x101, v6;
	v39 =	vmul.f32 v37, v7  }
0x199: {  	v9 =	vmul.f32 v37, v3  }
0x19a: {  	v41 =	vmul.f32 v4, v7;
	[tilespmem:v6+s13+$0x0] =	vst.idx.add.f32.msk $0xffff, v39  }
0x19b: {  	v3 =	vmul.f32 v4, v3;
	[tilespmem:v38+s13+$0x0] =	vst.idx.add.f32.msk $0xffff, v9  }
0x19c: {  	[tilespmem:v5+s13+$0x0] =	vst.idx.add.f32.msk $0xffff, v41  }
0x19d: {  	[tilespmem:v40+s13+$0x0] =	vst.idx.add.f32.msk $0xffff, v3  }
0x19e: {  	v3 =	vld.idx.msk [tilespmem:v1+s19+$0x0 ss:$0x1], $0xffff  }
0x19f: {  	v42 =	vld.idx.msk [tilespmem:v2+s19+$0x170 ss:$0x1], $0xffff;
	_ =	sdelay $0x4  }
0x1a0: {  	v43 =	vtrunc.f32 v3;
	v44 =	vtrunc.f32 v42  }
0x1a1: {  	v5 =	vcvt.f32.s32 v43;
	v6 =	vcvt.f32.s32 v44;
	_ =	sdelay $0x1  }
0x1a2: {  	v45 =	vcvt.s32.f32 v5;
	v46 =	vcvt.s32.f32 v6  }
0x1a3: {  	v6 =	vshll.u32 v6, $0x8  }
0x1a4: {  	v6 =	vadd.s32 v5, v6;
	v3 =	vsub.f32 v3, v45;
	v4 =	vsub.f32 v42, v46  }
0x1a5: {  	v5 =	vand.u32 $0x7F, v5;
	v47 =	vand.u32 $0xFFFFFF80, v6;
	v49 =	vadd.s32 $0x1, v6  }
0x1a6: {  	v5 =	vor.u32 v5, v47;
	v7 =	vsub.f32 $1.000000000e+00, v3;
	v48 =	vsub.f32 $1.000000000e+00, v4  }
0x1a7: {  	v5 =	vadd.s32 $0x100, v5  }
0x1a8: {  	v51 =	vadd.s32 $0x101, v6;
	v50 =	vmul.f32 v48, v7  }
0x1a9: {  	v9 =	vmul.f32 v48, v3  }
0x1aa: {  	v52 =	vmul.f32 v4, v7;
	[tilespmem:v6+s13+$0x0] =	vst.idx.add.f32.msk $0xffff, v50  }
0x1ab: {  	v3 =	vmul.f32 v4, v3;
	[tilespmem:v49+s13+$0x0] =	vst.idx.add.f32.msk $0xffff, v9  }
0x1ac: {  	[tilespmem:v5+s13+$0x0] =	vst.idx.add.f32.msk $0xffff, v52  }
0x1ad: {  	[tilespmem:v51+s13+$0x0] =	vst.idx.add.f32.msk $0xffff, v3  }
0x1ae: {  	v3 =	vld [tilespmem:s20+$0x180]  }
0x1af: {  	v53 =	vld [tilespmem:s20+$0x5000];
	_ =	sdelay $0x4  }
0x1b0: {  	v54 =	vtrunc.f32 v3;
	v55 =	vtrunc.f32 v53  }
0x1b1: {  	v5 =	vcvt.f32.s32 v54;
	v6 =	vcvt.f32.s32 v55;
	_ =	sdelay $0x1  }
0x1b2: {  	v56 =	vcvt.s32.f32 v5;
	v57 =	vcvt.s32.f32 v6  }
0x1b3: {  	v6 =	vshll.u32 v6, $0x8  }
0x1b4: {  	v6 =	vadd.s32 v5, v6;
	v3 =	vsub.f32 v3, v56;
	v4 =	vsub.f32 v53, v57  }
0x1b5: {  	v5 =	vand.u32 $0x7F, v5;
	v58 =	vand.u32 $0xFFFFFF80, v6;
	v60 =	vadd.s32 $0x1, v6  }
0x1b6: {  	v5 =	vor.u32 v5, v58;
	v7 =	vsub.f32 $1.000000000e+00, v3;
	v59 =	vsub.f32 $1.000000000e+00, v4  }
0x1b7: {  	v5 =	vadd.s32 $0x100, v5  }
0x1b8: {  	p1 =	seq.s32 s18, $0x9600;
	v62 =	vadd.s32 $0x101, v6;
	v61 =	vmul.f32 v59, v7  }
.Ltmp2:
0x1b9: {  	v9 =	vmul.f32 v59, v3;
	(pc) =	sbr.rel @!p1 .LBB2_6-.Ltmp2, $4  }
0x1ba: {  	v63 =	vmul.f32 v4, v7;
	[tilespmem:v6+s13+$0x0] =	vst.idx.add.f32.msk $0xffff, v61  }
0x1bb: {  	v3 =	vmul.f32 v4, v3;
	[tilespmem:v60+s13+$0x0] =	vst.idx.add.f32.msk $0xffff, v9  }
0x1bc: {  	[tilespmem:v5+s13+$0x0] =	vst.idx.add.f32.msk $0xffff, v63  }
0x1bd: {  	s17 =	sadd.s32 $0x190, s17;
	s18 =	sadd.s32 $0x640, s18;
	[tilespmem:v62+s13+$0x0] =	vst.idx.add.f32.msk $0xffff, v3  }
0x1be: {  	p1 =	seq.s32 s16, $0xA  }
.Ltmp3:
0x1bf: {  	_ = 	snop;
	(pc) =	sbr.rel @!p1 .LBB2_5-.Ltmp3, $2  }
0x1c0: {  	_ =	sdelay $0x2  }
0x1c1: {  	p0 =	por !p0, !p0  }
0x1c2: {  	s15 =	sadd.s32 $0x1, s15  }
0x1c3: {  	p0 =	sne.s32 s15, s9  }
.Ltmp4:
0x1c4: {  	_ = 	snop;
	(pc) =	sbr.rel @p0 .LBB2_1-.Ltmp4, $4  }
0x1c5: {  	[hbm4b:s8+s2] =	stream.linear.scatter [tilespmem:s13], [sflag:$0x3], $0x10000, $0x38;
	[tilespmem:$0x19D00] =	vst v63  }
0x1c6: {  	_ =	swait.ge [sflag:s14], $0x10000  }
0x1c7: {  	[sflag:s14] =	ssyncset.done $0x0  }
0x1c8: {  	[sflag:s14] =	ssyncadd.s32 $0xFFFF0000  }
0x1c9: {  	_ =	sfence.sel $0x180000  }
0x1ca: {  	[bflag:$0x0] =	sbarrier.arrive $0xFFFF  }
0x1cb: {  	p0 =	sne.s32 s0, $0x0;
	_ =	strace $0x90000047  }
0x1cc: {  	s0 =	sadd.s32 @!p0 $0x100000, s1;
	[bflag:$0x2] =	sbarrier.arrive $0xFFFF  }
0x1cd: {  	[sflag:s0] =	ssyncadd.tile.s32 @!p0 $0x1;
	_ =	shalt  }
.Lfunc_end2:
_tile_overlayer_lowered:
.L_overlay_start_2:
0x1ce: {  	(tag) =	ssettag $0x2  }
0x1cf: {  	s0 =	rddreg [dreg:$0x0];
	s2 =	stileid.u32  }
0x1d0: {  	s1 =	rddreg [dreg:$0x1];
	p0 =	sne.s32 s2, $0x0  }
0x1d1: {  	s3 =	rddreg [dreg:$0x2];
	[bflag:$0x3] =	sbarrier.arrive $0xFFFF;
	s2 =	simm.s32 @!p0 $0x1C03  }
0x1d2: {  	[timem:s3], [sflag:s2] =	dma.local @!p0 [hbm:s0], s1  }
0x1d3: {  	s0 =	simm.s32 @!p0 $0x3  }
0x1d4: {  	_ =	swait.ge @!p0 [sflag:s0], s1  }
0x1d5: {  	s1 =	ssub.s32 @!p0 $0x0, s1;
	[sflag:s0] =	ssyncset.done @!p0 $0x0  }
0x1d6: {  	[sflag:s0] =	ssyncadd.s32 @!p0 s1  }
0x1d7: {  	[bflag:$0x3] =	sbarrier.arrive $0xFFFF  }
0x1d8: {  	_ =	shalt  }

</sc_bundles>
